<compile_context>
chip_gen: v7x
topology: tpu7x:2x2x1
jax: 0.10.2.dev20260603
libtpu: 0.0.44.dev20260713+nightly
codegen_flags: <defaults>
</compile_context>

<pallas_src>
import functools

import jax
import jax.numpy as jnp
from jax import lax
from jax.experimental import pallas as pl
from jax.experimental.pallas import tpu as pltpu
from jax.experimental.pallas import tpu_sc as plsc

N = 10000
E = 320000
D = 128

NW = 32
CH = 128
NCH = 80
EPT = NCH * CH
EPAD = NW * EPT
NPAD = 10112
RPT = NPAD // 16

_mesh = plsc.VectorSubcoreMesh(core_axis_name="c", subcore_axis_name="s")


def _zero_vmem(ref, rows, lanes):
    def zr(i, _):
        def zc(j, _):
            ref[i, pl.ds(j * 16, 16)] = jnp.zeros((16,), jnp.float32)
            return 0
        return lax.fori_loop(0, lanes // 16, zc, 0)
    lax.fori_loop(0, rows, zr, 0)


def _decode(packed_v, j, dst_only, isrc_v, idst_v):
    def it(i, _):
        v = packed_v[j, pl.ds(i * 16, 16)]
        if not dst_only:
            isrc_v[pl.ds(i * 16, 16)] = v & 0xFFFF
        idst_v[pl.ds(i * 16, 16)] = v >> 16
        return 0
    lax.fori_loop(0, CH // 16, it, 0)


@functools.partial(
    pl.kernel,
    mesh=_mesh,
    out_type=jax.ShapeDtypeStruct((2, NPAD, D), jnp.float32),
    scratch_types=[
        pltpu.VMEM((NCH, CH), jnp.int32),
        pltpu.VMEM((CH,), jnp.int32),
        pltpu.VMEM((CH, D), jnp.float32),
        pltpu.VMEM_SHARED((NPAD, D), jnp.float32),
    ],
)
def _deg_sc(packed_hbm, out_hbm, idx_v, idst_v, ones_v, acc):
    cid = lax.axis_index("c")
    sid = lax.axis_index("s")
    wid = sid * 2 + cid
    _zero_vmem(ones_v, CH, D)
    pl.delay(128)

    base = sid * RPT
    zrows = 0
    while zrows < RPT:
        zc = min(CH, RPT - zrows)
        pltpu.sync_copy(ones_v.at[pl.ds(0, zc)], acc.at[pl.ds(base + zrows, zc)])
        zrows += zc

    def onerow(i, _):
        def onecol(j, _):
            ones_v[i, pl.ds(j * 16, 16)] = jnp.ones((16,), jnp.float32)
            return 0
        return lax.fori_loop(0, D // 16, onecol, 0)
    lax.fori_loop(0, CH, onerow, 0)
    pl.delay(128)
    pltpu.sync_copy(packed_hbm.at[wid], idx_v)
    plsc.subcore_barrier()

    def chunk(j, _):
        _decode(idx_v, j, True, None, idst_v)
        pl.delay(64)
        pltpu.sync_copy(ones_v, acc.at[idst_v], add=True)
        return 0
    lax.fori_loop(0, NCH, chunk, 0)

    plsc.subcore_barrier()
    pltpu.sync_copy(acc.at[pl.ds(base, RPT)], out_hbm.at[cid, pl.ds(base, RPT)])


@functools.partial(
    pl.kernel,
    mesh=_mesh,
    out_type=jax.ShapeDtypeStruct((2, NPAD, D), jnp.float32),
    scratch_types=[
        pltpu.VMEM((NCH, CH), jnp.int32),
        pltpu.VMEM((CH,), jnp.int32),
        pltpu.VMEM((CH,), jnp.int32),
        pltpu.VMEM((CH,), jnp.int32),
        pltpu.VMEM((CH,), jnp.int32),
        pltpu.VMEM((CH, D), jnp.float32),
        pltpu.VMEM((CH, D), jnp.float32),
        pltpu.VMEM_SHARED((NPAD, D), jnp.float32),
        pltpu.SemaphoreType.DMA,
        pltpu.SemaphoreType.DMA,
    ],
)
def _scat_sc(g_hbm, packed_hbm, out_hbm,
             packed_v, is0, id0, is1, id1, buf0, buf1, acc, sem0, sem1):
    cid = lax.axis_index("c")
    sid = lax.axis_index("s")
    wid = sid * 2 + cid
    _zero_vmem(buf0, CH, D)
    pl.delay(128)
    base = sid * RPT
    zrows = 0
    while zrows < RPT:
        zc = min(CH, RPT - zrows)
        pltpu.sync_copy(buf0.at[pl.ds(0, zc)], acc.at[pl.ds(base + zrows, zc)])
        zrows += zc
    pltpu.sync_copy(packed_hbm.at[wid], packed_v)
    plsc.subcore_barrier()

    bufs = (buf0, buf1)
    sems = (sem0, sem1)
    isrcs = (is0, is1)
    idsts = (id0, id1)
    for b in range(2):
        _decode(packed_v, b, False, isrcs[b], idsts[b])
    pl.delay(128)
    for b in range(2):
        pltpu.async_copy(g_hbm.at[isrcs[b]], bufs[b], sems[b])

    def step(g, _):
        j0 = g * 2
        for b in range(2):
            j = j0 + b
            pltpu.make_async_copy(g_hbm.at[isrcs[b]], bufs[b], sems[b]).wait()
            pltpu.sync_copy(bufs[b], acc.at[idsts[b]], add=True)
            _decode(packed_v, j + 2, False, isrcs[b], idsts[b])
            pl.delay(64)
            pltpu.async_copy(g_hbm.at[isrcs[b]], bufs[b], sems[b])
        return 0
    lax.fori_loop(0, (NCH - 2) // 2, step, 0)
    for b in range(2):
        pltpu.make_async_copy(g_hbm.at[isrcs[b]], bufs[b], sems[b]).wait()
        pltpu.sync_copy(bufs[b], acc.at[idsts[b]], add=True)

    plsc.subcore_barrier()
    pltpu.sync_copy(acc.at[pl.ds(base, RPT)], out_hbm.at[cid, pl.ds(base, RPT)])



BM = 400
GRID = N // BM


def _tc1_body(x_ref, c0_ref, c1_ref, w_ref, b_ref, o_ref, inv_ref):
    cnt = (jnp.max(c0_ref[...], axis=1, keepdims=True)
           + jnp.max(c1_ref[...], axis=1, keepdims=True))
    inv = 1.0 / jnp.sqrt(cnt + 1.0)
    inv_ref[...] = jnp.broadcast_to(inv, inv_ref.shape)
    hw = jnp.dot(x_ref[...], w_ref[...], preferred_element_type=jnp.float32)
    o_ref[...] = (hw + b_ref[...]) * inv


def _tc2_body(p0_ref, p1_ref, g_ref, inv_ref, w_ref, b_ref, o_ref):
    inv = inv_ref[...]
    h1 = jax.nn.relu(inv * (p0_ref[...] + p1_ref[...] + g_ref[...]))
    hw = jnp.dot(h1, w_ref[...], preferred_element_type=jnp.float32)
    o_ref[...] = (hw + b_ref[...]) * inv


def _tc3_body(p0_ref, p1_ref, g_ref, inv_ref,
              wf1_ref, bf1_ref, wf2_ref, bf2_ref, wf3_ref, bf3_ref,
              ws_ref, bs_ref, o_ref):
    hx = inv_ref[...] * (p0_ref[...] + p1_ref[...] + g_ref[...])
    h = jax.nn.relu(jnp.dot(hx, wf1_ref[...], preferred_element_type=jnp.float32) + bf1_ref[...])
    h = jax.nn.relu(jnp.dot(h, wf2_ref[...], preferred_element_type=jnp.float32) + bf2_ref[...])
    h = jax.nn.relu(jnp.dot(h, wf3_ref[...], preferred_element_type=jnp.float32) + bf3_ref[...])
    o_ref[...] = h + jnp.dot(hx, ws_ref[...], preferred_element_type=jnp.float32) + bs_ref[...]


def _row_spec(shape):
    return pl.BlockSpec((BM, shape), lambda i: (i, 0))


def _full_spec(r, c):
    return pl.BlockSpec((r, c), lambda i: (0, 0))


_out_nd = jax.ShapeDtypeStruct((N, D), jnp.float32)
_out_row = pl.BlockSpec((BM, D), lambda i: (i, 0))

_tc1 = pl.pallas_call(
    _tc1_body, grid=(GRID,),
    in_specs=[_row_spec(D), _row_spec(D), _row_spec(D),
              _full_spec(D, D), _full_spec(1, D)],
    out_specs=[_out_row, _out_row], out_shape=[_out_nd, _out_nd])

_tc2 = pl.pallas_call(
    _tc2_body, grid=(GRID,),
    in_specs=[_row_spec(D), _row_spec(D), _row_spec(D), _row_spec(D),
              _full_spec(D, D), _full_spec(1, D)],
    out_specs=_out_row, out_shape=_out_nd)

_tc3 = pl.pallas_call(
    _tc3_body, grid=(GRID,),
    in_specs=[_row_spec(D), _row_spec(D), _row_spec(D), _row_spec(D)]
             + [_full_spec(D, D), _full_spec(1, D)] * 4,
    out_specs=_out_row, out_shape=_out_nd)


def kernel(x, edge_index, W1, b1, W2, b2, Wf1, bf1, Wf2, bf2, Wf3, bf3, Ws, bs):
    pad = EPAD - E
    src = jnp.concatenate([edge_index[0], jnp.zeros((pad,), jnp.int32)])
    dst = jnp.concatenate([edge_index[1], jnp.full((pad,), N, jnp.int32)])
    packed3 = (src | (dst << 16)).reshape(NW, NCH, CH)

    cnt = _deg_sc(packed3)
    c0, c1 = cnt[0], cnt[1]

    b1r = b1.reshape(1, D)
    g1, invb = _tc1(x, c0, c1, W1, b1r)
    P1 = _scat_sc(g1, packed3)
    g2 = _tc2(P1[0], P1[1], g1, invb, W2, b2.reshape(1, D))
    P2 = _scat_sc(g2, packed3)
    out = _tc3(P2[0], P2[1], g2, invb,
               Wf1, bf1.reshape(1, D), Wf2, bf2.reshape(1, D),
               Wf3, bf3.reshape(1, D), Ws, bs.reshape(1, D))
    return out

# --- scband reference (transcript-rebuilt; emitter-appended) ---
"""Pipeline reference for scband-encoder-5480378270324 (READ-ONLY COPY).

The authoritative reference and input builder live on the scoring server;
editing this copy changes nothing except your own understanding.
"""

import jax, jax.numpy as jnp
import numpy as np

N = 10000
E = 320000
D = 128


def _xavier(key, fan_in, fan_out):
    std = float(np.sqrt(2.0 / (fan_in + fan_out)))
    return jax.random.normal(key, (fan_in, fan_out), dtype=jnp.float32) * std


def setup_inputs(seed: int = 0):
    key = jax.random.key(seed)
    ks = jax.random.split(key, 16)
    x = jax.random.normal(ks[0], (N, D), dtype=jnp.float32)
    edge_index = jax.random.randint(ks[1], (2, E), 0, N, dtype=jnp.int32)
    # GCN layers per dimensions [128, 128, 128]: layer1 (relu), layer2 (identity)
    W1 = _xavier(ks[2], D, D); b1 = jnp.zeros((D,), dtype=jnp.float32)
    W2 = _xavier(ks[3], D, D); b2 = jnp.zeros((D,), dtype=jnp.float32)
    # FF local_d: 3-layer MLP block + linear shortcut (output_dim -> output_dim)
    Wf1 = _xavier(ks[4], D, D); bf1 = jnp.zeros((D,), dtype=jnp.float32)
    Wf2 = _xavier(ks[5], D, D); bf2 = jnp.zeros((D,), dtype=jnp.float32)
    Wf3 = _xavier(ks[6], D, D); bf3 = jnp.zeros((D,), dtype=jnp.float32)
    Ws = _xavier(ks[7], D, D); bs = jnp.zeros((D,), dtype=jnp.float32)
    return {"x": x, "edge_index": edge_index, "W1": W1, "b1": b1, "W2": W2, "b2": b2,
            "Wf1": Wf1, "bf1": bf1, "Wf2": Wf2, "bf2": bf2, "Wf3": Wf3, "bf3": bf3,
            "Ws": Ws, "bs": bs}


def reference(x, edge_index, W1, b1, W2, b2, Wf1, bf1, Wf2, bf2, Wf3, bf3, Ws, bs):
    src = edge_index[0]
    dst = edge_index[1]
    # symmetric GCN normalization with self loops: A_hat = D^-1/2 (A + I) D^-1/2
    deg = jnp.bincount(dst, length=N).astype(jnp.float32) + 1.0
    inv_sqrt = 1.0 / jnp.sqrt(deg)

    def gcn_layer(h, W, b, act):
        hw = h @ W + b
        coeff = (inv_sqrt[src] * inv_sqrt[dst])[:, None]
        msg = jnp.take(hw, src, axis=0) * coeff
        agg = jax.ops.segment_sum(msg, dst, num_segments=N)
        agg = agg + hw * (inv_sqrt * inv_sqrt)[:, None]
        return act(agg)

    hx = gcn_layer(x, W1, b1, jax.nn.relu)
    hx = gcn_layer(hx, W2, b2, lambda t: t)
    # typ == 'nodes' path -> local_d (FF module: MLP block + linear shortcut)
    h = jax.nn.relu(hx @ Wf1 + bf1)
    h = jax.nn.relu(h @ Wf2 + bf2)
    h = jax.nn.relu(h @ Wf3 + bf3)
    out = h + (hx @ Ws + bs)
    return out

if __name__ == "__main__":
    import jax
    _d = setup_inputs()
    print(jax.jit(kernel)(*tuple(_d.values())))

</pallas_src>

<mosaic_0001>
#map = affine_map<(d0, d1) -> (0, 0)>
#map1 = affine_map<(d0, d1) -> (0, 0, 0)>
module attributes {stable_mosaic.version = 14 : i64} {
  func.func @_scat_sc(%arg0: i32, %arg1: i32, %arg2: memref<10000x128xf32, #tpu.memory_space<hbm>>, %arg3: memref<32x80x128xi32, #tpu.memory_space<hbm>>, %arg4: memref<2x10112x128xf32, #tpu.memory_space<hbm>>, %arg5: memref<80x128xi32, #tpu.memory_space<vmem>>, %arg6: memref<128xi32, #tpu.memory_space<vmem>>, %arg7: memref<128xi32, #tpu.memory_space<vmem>>, %arg8: memref<128xi32, #tpu.memory_space<vmem>>, %arg9: memref<128xi32, #tpu.memory_space<vmem>>, %arg10: memref<128x128xf32, #tpu.memory_space<vmem>>, %arg11: memref<128x128xf32, #tpu.memory_space<vmem>>, %arg12: memref<10112x128xf32, #tpu.memory_space<vmem_shared>>, %arg13: memref<!tpu.dma_semaphore, #tpu.memory_space<semaphore_mem>>, %arg14: memref<!tpu.dma_semaphore, #tpu.memory_space<semaphore_mem>>) attributes {dimension_semantics = [#tpu.dimension_semantics<core_parallel>, #tpu.dimension_semantics<subcore_parallel>], iteration_bounds = array<i64: 2, 16>, scalar_prefetch = 0 : i64, scratch_operands = 10 : i64, tpu.core_type = #tpu.core_type<sc_vector_subcore>, window_params = [{transform_indices = #map}, {transform_indices = #map1}, {transform_indices = #map1}]} {
    %mul3A = arith.constant 2 : i32
    %mul3A_0 = arith.muli %arg1, %mul3A : i32
    %add3A = arith.addi %mul3A_0, %arg0 : i32
    %scan3A = arith.constant 0 : i32
    %scan3A_1 = arith.constant 0 : i32
    %scan3A_2 = arith.constant 128 : i32
    %scan3A_3 = arith.addi %scan3A_1, %scan3A_2 : i32
    %scan3A_4 = arith.constant 1 : i32
    %scan3A_5 = scf.for %scan3A_52 = %scan3A_1 to %scan3A_3 step %scan3A_4 iter_args(%scan3A_53 = %scan3A) -> (i32)  : i32 {
      %scan3A_54 = arith.constant 0 : i32
      %scan3A_55 = arith.constant 0 : i32
      %scan3A_56 = arith.constant 8 : i32
      %scan3A_57 = arith.addi %scan3A_55, %scan3A_56 : i32
      %scan3A_58 = arith.constant 1 : i32
      %scan3A_59 = scf.for %scan3A_61 = %scan3A_55 to %scan3A_57 step %scan3A_58 iter_args(%scan3A_62 = %scan3A_54) -> (i32)  : i32 {
        %broadcast_in_dim3A = arith.constant 0.000000e+00 : f32
        %broadcast_in_dim3A_63 = vector.broadcast %broadcast_in_dim3A : f32 to vector<16xf32>
        %mul3A_64 = arith.constant 16 : i32
        %mul3A_65 = arith.muli %scan3A_61, %mul3A_64 : i32
        %swap3A = arith.index_cast %scan3A_52 : i32 to index
        %swap3A_66 = arith.index_cast %mul3A_65 : i32 to index
        %swap3A_67 = tpu.vector_load %arg10[%swap3A, %swap3A_66] {strides = array<i32>} : memref<128x128xf32, #tpu.memory_space<vmem>>, vector<1x16xf32>,
        %swap3A_68 = vector.shape_cast %swap3A_67 : vector<1x16xf32> to vector<16xf32>
        %swap3A_69 = vector.shape_cast %broadcast_in_dim3A_63 : vector<16xf32> to vector<1x16xf32>
        tpu.vector_store %arg10[%swap3A, %swap3A_66], %swap3A_69 {strides = array<i32>} : memref<128x128xf32, #tpu.memory_space<vmem>>, vector<1x16xf32>,
        %scan3A_70 = arith.constant 0 : i32
        scf.yield %scan3A_70 : i32
      }
      %scan3A_60 = arith.constant 8 : i32
      scf.yield %scan3A_59 : i32
    }
    %scan3A_6 = arith.constant 128 : i32
    %delay3A = arith.constant 128 : i32
    tpu.delay %delay3A
    %mul3A_7 = arith.constant 632 : i32
    %mul3A_8 = arith.muli %arg1, %mul3A_7 : i32
    %add3A_9 = arith.constant 0 : i32
    %add3A_10 = arith.addi %mul3A_8, %add3A_9 : i32
    "tpu.region"() ({
      %run_scoped3A = tpu.sem_alloc : memref<!tpu.dma_semaphore, #tpu.memory_space<semaphore_mem>>
      %dma_start3A_52 = arith.constant 0 : i32
      %dma_start3A_53 = arith.constant 0 : i32
      %dma_start3A_54 = tpu.memref_slice %arg10[%dma_start3A_52, %dma_start3A_53] : memref<128x128xf32, #tpu.memory_space<vmem>> -> memref<128x128xf32, #tpu.memory_space<vmem>>
      %dma_start3A_55 = arith.constant 0 : i32
      %dma_start3A_56 = tpu.memref_slice %arg12[%add3A_10, %dma_start3A_55] : memref<10112x128xf32, #tpu.memory_space<vmem_shared>> -> memref<128x128xf32, #tpu.memory_space<vmem_shared>>
      %dma_start3A_57 = arith.constant 0 : i32
      %dma_start3A_58 = tpu.memref_slice %arg12[%add3A_10, %dma_start3A_57] : memref<10112x128xf32, #tpu.memory_space<vmem_shared>> -> memref<128x128xf32, #tpu.memory_space<vmem_shared>>
      %dma_start3A_59 = arith.constant 0 : i32
      %dma_start3A_60 = arith.constant 0 : i32
      %dma_start3A_61 = tpu.memref_slice %arg10[%dma_start3A_59, %dma_start3A_60] : memref<128x128xf32, #tpu.memory_space<vmem>> -> memref<128x128xf32, #tpu.memory_space<vmem>>
      tpu.enqueue_dma source(%dma_start3A_61 : memref<128x128xf32, #tpu.memory_space<vmem>>) target(%dma_start3A_58 : memref<128x128xf32, #tpu.memory_space<vmem_shared>>) target_semaphore(%run_scoped3A : memref<!tpu.dma_semaphore, #tpu.memory_space<semaphore_mem>>)
      %dma_wait3A_62 = arith.constant 0 : i32
      %dma_wait3A_63 = arith.constant 0 : i32
      %dma_wait3A_64 = tpu.memref_slice %arg10[%dma_wait3A_62, %dma_wait3A_63] : memref<128x128xf32, #tpu.memory_space<vmem>> -> memref<128x128xf32, #tpu.memory_space<vmem>>
      %dma_wait3A_65 = arith.constant 0 : i32
      %dma_wait3A_66 = tpu.memref_slice %arg12[%add3A_10, %dma_wait3A_65] : memref<10112x128xf32, #tpu.memory_space<vmem_shared>> -> memref<128x128xf32, #tpu.memory_space<vmem_shared>>
      %dma_wait3A_67 = arith.constant 0 : i32
      %dma_wait3A_68 = tpu.memref_slice %arg12[%add3A_10, %dma_wait3A_67] : memref<10112x128xf32, #tpu.memory_space<vmem_shared>> -> memref<128x128xf32, #tpu.memory_space<vmem_shared>>
      %dma_wait3A_69 = arith.constant 0 : i32
      %dma_wait3A_70 = arith.constant 0 : i32
      %dma_wait3A_71 = tpu.memref_slice %arg10[%dma_wait3A_69, %dma_wait3A_70] : memref<128x128xf32, #tpu.memory_space<vmem>> -> memref<128x128xf32, #tpu.memory_space<vmem>>
      tpu.wait_dma2 semaphore(%run_scoped3A : memref<!tpu.dma_semaphore, #tpu.memory_space<semaphore_mem>>) src(%dma_wait3A_71 : memref<128x128xf32, #tpu.memory_space<vmem>>) dst(%dma_wait3A_68 : memref<128x128xf32, #tpu.memory_space<vmem_shared>>)
      tpu.yield
    }) : () -> ()
    %add3A_11 = arith.constant 128 : i32
    %add3A_12 = arith.addi %mul3A_8, %add3A_11 : i32
    "tpu.region"() ({
      %run_scoped3A = tpu.sem_alloc : memref<!tpu.dma_semaphore, #tpu.memory_space<semaphore_mem>>
      %dma_start3A_52 = arith.constant 0 : i32
      %dma_start3A_53 = arith.constant 0 : i32
      %dma_start3A_54 = tpu.memref_slice %arg10[%dma_start3A_52, %dma_start3A_53] : memref<128x128xf32, #tpu.memory_space<vmem>> -> memref<128x128xf32, #tpu.memory_space<vmem>>
      %dma_start3A_55 = arith.constant 0 : i32
      %dma_start3A_56 = tpu.memref_slice %arg12[%add3A_12, %dma_start3A_55] : memref<10112x128xf32, #tpu.memory_space<vmem_shared>> -> memref<128x128xf32, #tpu.memory_space<vmem_shared>>
      %dma_start3A_57 = arith.constant 0 : i32
      %dma_start3A_58 = tpu.memref_slice %arg12[%add3A_12, %dma_start3A_57] : memref<10112x128xf32, #tpu.memory_space<vmem_shared>> -> memref<128x128xf32, #tpu.memory_space<vmem_shared>>
      %dma_start3A_59 = arith.constant 0 : i32
      %dma_start3A_60 = arith.constant 0 : i32
      %dma_start3A_61 = tpu.memref_slice %arg10[%dma_start3A_59, %dma_start3A_60] : memref<128x128xf32, #tpu.memory_space<vmem>> -> memref<128x128xf32, #tpu.memory_space<vmem>>
      tpu.enqueue_dma source(%dma_start3A_61 : memref<128x128xf32, #tpu.memory_space<vmem>>) target(%dma_start3A_58 : memref<128x128xf32, #tpu.memory_space<vmem_shared>>) target_semaphore(%run_scoped3A : memref<!tpu.dma_semaphore, #tpu.memory_space<semaphore_mem>>)
      %dma_wait3A_62 = arith.constant 0 : i32
      %dma_wait3A_63 = arith.constant 0 : i32
      %dma_wait3A_64 = tpu.memref_slice %arg10[%dma_wait3A_62, %dma_wait3A_63] : memref<128x128xf32, #tpu.memory_space<vmem>> -> memref<128x128xf32, #tpu.memory_space<vmem>>
      %dma_wait3A_65 = arith.constant 0 : i32
      %dma_wait3A_66 = tpu.memref_slice %arg12[%add3A_12, %dma_wait3A_65] : memref<10112x128xf32, #tpu.memory_space<vmem_shared>> -> memref<128x128xf32, #tpu.memory_space<vmem_shared>>
      %dma_wait3A_67 = arith.constant 0 : i32
      %dma_wait3A_68 = tpu.memref_slice %arg12[%add3A_12, %dma_wait3A_67] : memref<10112x128xf32, #tpu.memory_space<vmem_shared>> -> memref<128x128xf32, #tpu.memory_space<vmem_shared>>
      %dma_wait3A_69 = arith.constant 0 : i32
      %dma_wait3A_70 = arith.constant 0 : i32
      %dma_wait3A_71 = tpu.memref_slice %arg10[%dma_wait3A_69, %dma_wait3A_70] : memref<128x128xf32, #tpu.memory_space<vmem>> -> memref<128x128xf32, #tpu.memory_space<vmem>>
      tpu.wait_dma2 semaphore(%run_scoped3A : memref<!tpu.dma_semaphore, #tpu.memory_space<semaphore_mem>>) src(%dma_wait3A_71 : memref<128x128xf32, #tpu.memory_space<vmem>>) dst(%dma_wait3A_68 : memref<128x128xf32, #tpu.memory_space<vmem_shared>>)
      tpu.yield
    }) : () -> ()
    %add3A_13 = arith.constant 256 : i32
    %add3A_14 = arith.addi %mul3A_8, %add3A_13 : i32
    "tpu.region"() ({
      %run_scoped3A = tpu.sem_alloc : memref<!tpu.dma_semaphore, #tpu.memory_space<semaphore_mem>>
      %dma_start3A_52 = arith.constant 0 : i32
      %dma_start3A_53 = arith.constant 0 : i32
      %dma_start3A_54 = tpu.memref_slice %arg10[%dma_start3A_52, %dma_start3A_53] : memref<128x128xf32, #tpu.memory_space<vmem>> -> memref<128x128xf32, #tpu.memory_space<vmem>>
      %dma_start3A_55 = arith.constant 0 : i32
      %dma_start3A_56 = tpu.memref_slice %arg12[%add3A_14, %dma_start3A_55] : memref<10112x128xf32, #tpu.memory_space<vmem_shared>> -> memref<128x128xf32, #tpu.memory_space<vmem_shared>>
      %dma_start3A_57 = arith.constant 0 : i32
      %dma_start3A_58 = tpu.memref_slice %arg12[%add3A_14, %dma_start3A_57] : memref<10112x128xf32, #tpu.memory_space<vmem_shared>> -> memref<128x128xf32, #tpu.memory_space<vmem_shared>>
      %dma_start3A_59 = arith.constant 0 : i32
      %dma_start3A_60 = arith.constant 0 : i32
      %dma_start3A_61 = tpu.memref_slice %arg10[%dma_start3A_59, %dma_start3A_60] : memref<128x128xf32, #tpu.memory_space<vmem>> -> memref<128x128xf32, #tpu.memory_space<vmem>>
      tpu.enqueue_dma source(%dma_start3A_61 : memref<128x128xf32, #tpu.memory_space<vmem>>) target(%dma_start3A_58 : memref<128x128xf32, #tpu.memory_space<vmem_shared>>) target_semaphore(%run_scoped3A : memref<!tpu.dma_semaphore, #tpu.memory_space<semaphore_mem>>)
      %dma_wait3A_62 = arith.constant 0 : i32
      %dma_wait3A_63 = arith.constant 0 : i32
      %dma_wait3A_64 = tpu.memref_slice %arg10[%dma_wait3A_62, %dma_wait3A_63] : memref<128x128xf32, #tpu.memory_space<vmem>> -> memref<128x128xf32, #tpu.memory_space<vmem>>
      %dma_wait3A_65 = arith.constant 0 : i32
      %dma_wait3A_66 = tpu.memref_slice %arg12[%add3A_14, %dma_wait3A_65] : memref<10112x128xf32, #tpu.memory_space<vmem_shared>> -> memref<128x128xf32, #tpu.memory_space<vmem_shared>>
      %dma_wait3A_67 = arith.constant 0 : i32
      %dma_wait3A_68 = tpu.memref_slice %arg12[%add3A_14, %dma_wait3A_67] : memref<10112x128xf32, #tpu.memory_space<vmem_shared>> -> memref<128x128xf32, #tpu.memory_space<vmem_shared>>
      %dma_wait3A_69 = arith.constant 0 : i32
      %dma_wait3A_70 = arith.constant 0 : i32
      %dma_wait3A_71 = tpu.memref_slice %arg10[%dma_wait3A_69, %dma_wait3A_70] : memref<128x128xf32, #tpu.memory_space<vmem>> -> memref<128x128xf32, #tpu.memory_space<vmem>>
      tpu.wait_dma2 semaphore(%run_scoped3A : memref<!tpu.dma_semaphore, #tpu.memory_space<semaphore_mem>>) src(%dma_wait3A_71 : memref<128x128xf32, #tpu.memory_space<vmem>>) dst(%dma_wait3A_68 : memref<128x128xf32, #tpu.memory_space<vmem_shared>>)
      tpu.yield
    }) : () -> ()
    %add3A_15 = arith.constant 384 : i32
    %add3A_16 = arith.addi %mul3A_8, %add3A_15 : i32
    "tpu.region"() ({
      %run_scoped3A = tpu.sem_alloc : memref<!tpu.dma_semaphore, #tpu.memory_space<semaphore_mem>>
      %dma_start3A_52 = arith.constant 0 : i32
      %dma_start3A_53 = arith.constant 0 : i32
      %dma_start3A_54 = tpu.memref_slice %arg10[%dma_start3A_52, %dma_start3A_53] : memref<128x128xf32, #tpu.memory_space<vmem>> -> memref<128x128xf32, #tpu.memory_space<vmem>>
      %dma_start3A_55 = arith.constant 0 : i32
      %dma_start3A_56 = tpu.memref_slice %arg12[%add3A_16, %dma_start3A_55] : memref<10112x128xf32, #tpu.memory_space<vmem_shared>> -> memref<128x128xf32, #tpu.memory_space<vmem_shared>>
      %dma_start3A_57 = arith.constant 0 : i32
      %dma_start3A_58 = tpu.memref_slice %arg12[%add3A_16, %dma_start3A_57] : memref<10112x128xf32, #tpu.memory_space<vmem_shared>> -> memref<128x128xf32, #tpu.memory_space<vmem_shared>>
      %dma_start3A_59 = arith.constant 0 : i32
      %dma_start3A_60 = arith.constant 0 : i32
      %dma_start3A_61 = tpu.memref_slice %arg10[%dma_start3A_59, %dma_start3A_60] : memref<128x128xf32, #tpu.memory_space<vmem>> -> memref<128x128xf32, #tpu.memory_space<vmem>>
      tpu.enqueue_dma source(%dma_start3A_61 : memref<128x128xf32, #tpu.memory_space<vmem>>) target(%dma_start3A_58 : memref<128x128xf32, #tpu.memory_space<vmem_shared>>) target_semaphore(%run_scoped3A : memref<!tpu.dma_semaphore, #tpu.memory_space<semaphore_mem>>)
      %dma_wait3A_62 = arith.constant 0 : i32
      %dma_wait3A_63 = arith.constant 0 : i32
      %dma_wait3A_64 = tpu.memref_slice %arg10[%dma_wait3A_62, %dma_wait3A_63] : memref<128x128xf32, #tpu.memory_space<vmem>> -> memref<128x128xf32, #tpu.memory_space<vmem>>
      %dma_wait3A_65 = arith.constant 0 : i32
      %dma_wait3A_66 = tpu.memref_slice %arg12[%add3A_16, %dma_wait3A_65] : memref<10112x128xf32, #tpu.memory_space<vmem_shared>> -> memref<128x128xf32, #tpu.memory_space<vmem_shared>>
      %dma_wait3A_67 = arith.constant 0 : i32
      %dma_wait3A_68 = tpu.memref_slice %arg12[%add3A_16, %dma_wait3A_67] : memref<10112x128xf32, #tpu.memory_space<vmem_shared>> -> memref<128x128xf32, #tpu.memory_space<vmem_shared>>
      %dma_wait3A_69 = arith.constant 0 : i32
      %dma_wait3A_70 = arith.constant 0 : i32
      %dma_wait3A_71 = tpu.memref_slice %arg10[%dma_wait3A_69, %dma_wait3A_70] : memref<128x128xf32, #tpu.memory_space<vmem>> -> memref<128x128xf32, #tpu.memory_space<vmem>>
      tpu.wait_dma2 semaphore(%run_scoped3A : memref<!tpu.dma_semaphore, #tpu.memory_space<semaphore_mem>>) src(%dma_wait3A_71 : memref<128x128xf32, #tpu.memory_space<vmem>>) dst(%dma_wait3A_68 : memref<128x128xf32, #tpu.memory_space<vmem_shared>>)
      tpu.yield
    }) : () -> ()
    %add3A_17 = arith.constant 512 : i32
    %add3A_18 = arith.addi %mul3A_8, %add3A_17 : i32
    "tpu.region"() ({
      %run_scoped3A = tpu.sem_alloc : memref<!tpu.dma_semaphore, #tpu.memory_space<semaphore_mem>>
      %dma_start3A_52 = arith.constant 0 : i32
      %dma_start3A_53 = arith.constant 0 : i32
      %dma_start3A_54 = tpu.memref_slice %arg10[%dma_start3A_52, %dma_start3A_53] : memref<128x128xf32, #tpu.memory_space<vmem>> -> memref<120x128xf32, #tpu.memory_space<vmem>>
      %dma_start3A_55 = arith.constant 0 : i32
      %dma_start3A_56 = tpu.memref_slice %arg12[%add3A_18, %dma_start3A_55] : memref<10112x128xf32, #tpu.memory_space<vmem_shared>> -> memref<120x128xf32, #tpu.memory_space<vmem_shared>>
      %dma_start3A_57 = arith.constant 0 : i32
      %dma_start3A_58 = tpu.memref_slice %arg12[%add3A_18, %dma_start3A_57] : memref<10112x128xf32, #tpu.memory_space<vmem_shared>> -> memref<120x128xf32, #tpu.memory_space<vmem_shared>>
      %dma_start3A_59 = arith.constant 0 : i32
      %dma_start3A_60 = arith.constant 0 : i32
      %dma_start3A_61 = tpu.memref_slice %arg10[%dma_start3A_59, %dma_start3A_60] : memref<128x128xf32, #tpu.memory_space<vmem>> -> memref<120x128xf32, #tpu.memory_space<vmem>>
      tpu.enqueue_dma source(%dma_start3A_61 : memref<120x128xf32, #tpu.memory_space<vmem>>) target(%dma_start3A_58 : memref<120x128xf32, #tpu.memory_space<vmem_shared>>) target_semaphore(%run_scoped3A : memref<!tpu.dma_semaphore, #tpu.memory_space<semaphore_mem>>)
      %dma_wait3A_62 = arith.constant 0 : i32
      %dma_wait3A_63 = arith.constant 0 : i32
      %dma_wait3A_64 = tpu.memref_slice %arg10[%dma_wait3A_62, %dma_wait3A_63] : memref<128x128xf32, #tpu.memory_space<vmem>> -> memref<120x128xf32, #tpu.memory_space<vmem>>
      %dma_wait3A_65 = arith.constant 0 : i32
      %dma_wait3A_66 = tpu.memref_slice %arg12[%add3A_18, %dma_wait3A_65] : memref<10112x128xf32, #tpu.memory_space<vmem_shared>> -> memref<120x128xf32, #tpu.memory_space<vmem_shared>>
      %dma_wait3A_67 = arith.constant 0 : i32
      %dma_wait3A_68 = tpu.memref_slice %arg12[%add3A_18, %dma_wait3A_67] : memref<10112x128xf32, #tpu.memory_space<vmem_shared>> -> memref<120x128xf32, #tpu.memory_space<vmem_shared>>
      %dma_wait3A_69 = arith.constant 0 : i32
      %dma_wait3A_70 = arith.constant 0 : i32
      %dma_wait3A_71 = tpu.memref_slice %arg10[%dma_wait3A_69, %dma_wait3A_70] : memref<128x128xf32, #tpu.memory_space<vmem>> -> memref<120x128xf32, #tpu.memory_space<vmem>>
      tpu.wait_dma2 semaphore(%run_scoped3A : memref<!tpu.dma_semaphore, #tpu.memory_space<semaphore_mem>>) src(%dma_wait3A_71 : memref<120x128xf32, #tpu.memory_space<vmem>>) dst(%dma_wait3A_68 : memref<120x128xf32, #tpu.memory_space<vmem_shared>>)
      tpu.yield
    }) : () -> ()
    "tpu.region"() ({
      %run_scoped3A = tpu.sem_alloc : memref<!tpu.dma_semaphore, #tpu.memory_space<semaphore_mem>>
      %dma_start3A_52 = arith.constant 0 : i32
      %dma_start3A_53 = arith.constant 0 : i32
      %dma_start3A_54 = tpu.memref_slice %arg3[%add3A, %dma_start3A_52, %dma_start3A_53] : memref<32x80x128xi32, #tpu.memory_space<hbm>> -> memref<1x80x128xi32, #tpu.memory_space<hbm>>
      %dma_start3A_55 = tpu.memref_squeeze %dma_start3A_54 : memref<1x80x128xi32, #tpu.memory_space<hbm>> -> memref<80x128xi32, #tpu.memory_space<hbm>>
      %dma_start3A_56 = arith.constant 0 : i32
      %dma_start3A_57 = arith.constant 0 : i32
      %dma_start3A_58 = tpu.memref_slice %arg3[%add3A, %dma_start3A_56, %dma_start3A_57] : memref<32x80x128xi32, #tpu.memory_space<hbm>> -> memref<1x80x128xi32, #tpu.memory_space<hbm>>
      %dma_start3A_59 = tpu.memref_squeeze %dma_start3A_58 : memref<1x80x128xi32, #tpu.memory_space<hbm>> -> memref<80x128xi32, #tpu.memory_space<hbm>>
      tpu.enqueue_dma source(%dma_start3A_59 : memref<80x128xi32, #tpu.memory_space<hbm>>) target(%arg5 : memref<80x128xi32, #tpu.memory_space<vmem>>) target_semaphore(%run_scoped3A : memref<!tpu.dma_semaphore, #tpu.memory_space<semaphore_mem>>)
      %dma_wait3A_60 = arith.constant 0 : i32
      %dma_wait3A_61 = arith.constant 0 : i32
      %dma_wait3A_62 = tpu.memref_slice %arg3[%add3A, %dma_wait3A_60, %dma_wait3A_61] : memref<32x80x128xi32, #tpu.memory_space<hbm>> -> memref<1x80x128xi32, #tpu.memory_space<hbm>>
      %dma_wait3A_63 = tpu.memref_squeeze %dma_wait3A_62 : memref<1x80x128xi32, #tpu.memory_space<hbm>> -> memref<80x128xi32, #tpu.memory_space<hbm>>
      %dma_wait3A_64 = arith.constant 0 : i32
      %dma_wait3A_65 = arith.constant 0 : i32
      %dma_wait3A_66 = tpu.memref_slice %arg3[%add3A, %dma_wait3A_64, %dma_wait3A_65] : memref<32x80x128xi32, #tpu.memory_space<hbm>> -> memref<1x80x128xi32, #tpu.memory_space<hbm>>
      %dma_wait3A_67 = tpu.memref_squeeze %dma_wait3A_66 : memref<1x80x128xi32, #tpu.memory_space<hbm>> -> memref<80x128xi32, #tpu.memory_space<hbm>>
      tpu.wait_dma2 semaphore(%run_scoped3A : memref<!tpu.dma_semaphore, #tpu.memory_space<semaphore_mem>>) src(%dma_wait3A_67 : memref<80x128xi32, #tpu.memory_space<hbm>>) dst(%arg5 : memref<80x128xi32, #tpu.memory_space<vmem>>)
      tpu.yield
    }) : () -> ()
    %barrier3A = arith.constant 0 : index
    tpu.barrier barrier_id(%barrier3A)
    %scan3A_19 = arith.constant 0 : i32
    %scan3A_20 = arith.constant 0 : i32
    %scan3A_21 = arith.constant 8 : i32
    %scan3A_22 = arith.addi %scan3A_20, %scan3A_21 : i32
    %scan3A_23 = arith.constant 1 : i32
    %scan3A_24 = scf.for %scan3A_52 = %scan3A_20 to %scan3A_22 step %scan3A_23 iter_args(%scan3A_53 = %scan3A_19) -> (i32)  : i32 {
      %mul3A_54 = arith.constant 16 : i32
      %mul3A_55 = arith.muli %scan3A_52, %mul3A_54 : i32
      %get3A = arith.constant 0 : i32
      %get3A_56 = arith.index_cast %get3A : i32 to index
      %get3A_57 = arith.index_cast %mul3A_55 : i32 to index
      %get3A_58 = tpu.vector_load %arg5[%get3A_56, %get3A_57] {strides = array<i32>} : memref<80x128xi32, #tpu.memory_space<vmem>>, vector<1x16xi32>,
      %get3A_59 = vector.shape_cast %get3A_58 : vector<1x16xi32> to vector<16xi32>
      %and3A = arith.constant 65535 : i32
      %and3A_60 = vector.broadcast %and3A : i32 to vector<16xi32>
      %and3A_61 = arith.andi %get3A_59, %and3A_60 : vector<16xi32>
      %mul3A_62 = arith.constant 16 : i32
      %mul3A_63 = arith.muli %scan3A_52, %mul3A_62 : i32
      %swap3A = arith.index_cast %mul3A_63 : i32 to index
      %swap3A_64 = tpu.vector_load %arg6[%swap3A] {strides = array<i32>} : memref<128xi32, #tpu.memory_space<vmem>>, vector<16xi32>,
      %swap3A_65 = vector.shape_cast %swap3A_64 : vector<16xi32> to vector<16xi32>
      %swap3A_66 = vector.shape_cast %and3A_61 : vector<16xi32> to vector<16xi32>
      tpu.vector_store %arg6[%swap3A], %swap3A_66 {strides = array<i32>} : memref<128xi32, #tpu.memory_space<vmem>>, vector<16xi32>,
      %shift_right_arithmetic3A = arith.constant 16 : i32
      %shift_right_arithmetic3A_67 = vector.broadcast %shift_right_arithmetic3A : i32 to vector<16xi32>
      %shift_right_arithmetic3A_68 = arith.shrsi %get3A_59, %shift_right_arithmetic3A_67 : vector<16xi32>
      %mul3A_69 = arith.constant 16 : i32
      %mul3A_70 = arith.muli %scan3A_52, %mul3A_69 : i32
      %swap3A_71 = arith.index_cast %mul3A_70 : i32 to index
      %swap3A_72 = tpu.vector_load %arg7[%swap3A_71] {strides = array<i32>} : memref<128xi32, #tpu.memory_space<vmem>>, vector<16xi32>,
      %swap3A_73 = vector.shape_cast %swap3A_72 : vector<16xi32> to vector<16xi32>
      %swap3A_74 = vector.shape_cast %shift_right_arithmetic3A_68 : vector<16xi32> to vector<16xi32>
      tpu.vector_store %arg7[%swap3A_71], %swap3A_74 {strides = array<i32>} : memref<128xi32, #tpu.memory_space<vmem>>, vector<16xi32>,
      %scan3A_75 = arith.constant 0 : i32
      scf.yield %scan3A_75 : i32
    }
    %scan3A_25 = arith.constant 8 : i32
    %scan3A_26 = arith.constant 0 : i32
    %scan3A_27 = arith.constant 0 : i32
    %scan3A_28 = arith.constant 8 : i32
    %scan3A_29 = arith.addi %scan3A_27, %scan3A_28 : i32
    %scan3A_30 = arith.constant 1 : i32
    %scan3A_31 = scf.for %scan3A_52 = %scan3A_27 to %scan3A_29 step %scan3A_30 iter_args(%scan3A_53 = %scan3A_26) -> (i32)  : i32 {
      %mul3A_54 = arith.constant 16 : i32
      %mul3A_55 = arith.muli %scan3A_52, %mul3A_54 : i32
      %get3A = arith.constant 1 : i32
      %get3A_56 = arith.index_cast %get3A : i32 to index
      %get3A_57 = arith.index_cast %mul3A_55 : i32 to index
      %get3A_58 = tpu.vector_load %arg5[%get3A_56, %get3A_57] {strides = array<i32>} : memref<80x128xi32, #tpu.memory_space<vmem>>, vector<1x16xi32>,
      %get3A_59 = vector.shape_cast %get3A_58 : vector<1x16xi32> to vector<16xi32>
      %and3A = arith.constant 65535 : i32
      %and3A_60 = vector.broadcast %and3A : i32 to vector<16xi32>
      %and3A_61 = arith.andi %get3A_59, %and3A_60 : vector<16xi32>
      %mul3A_62 = arith.constant 16 : i32
      %mul3A_63 = arith.muli %scan3A_52, %mul3A_62 : i32
      %swap3A = arith.index_cast %mul3A_63 : i32 to index
      %swap3A_64 = tpu.vector_load %arg8[%swap3A] {strides = array<i32>} : memref<128xi32, #tpu.memory_space<vmem>>, vector<16xi32>,
      %swap3A_65 = vector.shape_cast %swap3A_64 : vector<16xi32> to vector<16xi32>
      %swap3A_66 = vector.shape_cast %and3A_61 : vector<16xi32> to vector<16xi32>
      tpu.vector_store %arg8[%swap3A], %swap3A_66 {strides = array<i32>} : memref<128xi32, #tpu.memory_space<vmem>>, vector<16xi32>,
      %shift_right_arithmetic3A = arith.constant 16 : i32
      %shift_right_arithmetic3A_67 = vector.broadcast %shift_right_arithmetic3A : i32 to vector<16xi32>
      %shift_right_arithmetic3A_68 = arith.shrsi %get3A_59, %shift_right_arithmetic3A_67 : vector<16xi32>
      %mul3A_69 = arith.constant 16 : i32
      %mul3A_70 = arith.muli %scan3A_52, %mul3A_69 : i32
      %swap3A_71 = arith.index_cast %mul3A_70 : i32 to index
      %swap3A_72 = tpu.vector_load %arg9[%swap3A_71] {strides = array<i32>} : memref<128xi32, #tpu.memory_space<vmem>>, vector<16xi32>,
      %swap3A_73 = vector.shape_cast %swap3A_72 : vector<16xi32> to vector<16xi32>
      %swap3A_74 = vector.shape_cast %shift_right_arithmetic3A_68 : vector<16xi32> to vector<16xi32>
      tpu.vector_store %arg9[%swap3A_71], %swap3A_74 {strides = array<i32>} : memref<128xi32, #tpu.memory_space<vmem>>, vector<16xi32>,
      %scan3A_75 = arith.constant 0 : i32
      scf.yield %scan3A_75 : i32
    }
    %scan3A_32 = arith.constant 8 : i32
    %delay3A_33 = arith.constant 128 : i32
    tpu.delay %delay3A_33
    %dma_start3A = arith.constant 0 : i32
    %dma_start3A_34 = arith.constant 0 : i32
    %dma_start3A_35 = tpu.memref_slice %arg2[%dma_start3A, %dma_start3A_34] : memref<10000x128xf32, #tpu.memory_space<hbm>> -> memref<10000x128xf32, #tpu.memory_space<hbm>>
    tpu.enqueue_indirect_dma source(%dma_start3A_35 : memref<10000x128xf32, #tpu.memory_space<hbm>>) target(%arg10 : memref<128x128xf32, #tpu.memory_space<vmem>>) offsets(%arg6 : memref<128xi32, #tpu.memory_space<vmem>>) semaphore(%arg13 : memref<!tpu.dma_semaphore, #tpu.memory_space<semaphore_mem>>)
    %dma_start3A_36 = arith.constant 0 : i32
    %dma_start3A_37 = arith.constant 0 : i32
    %dma_start3A_38 = tpu.memref_slice %arg2[%dma_start3A_36, %dma_start3A_37] : memref<10000x128xf32, #tpu.memory_space<hbm>> -> memref<10000x128xf32, #tpu.memory_space<hbm>>
    tpu.enqueue_indirect_dma source(%dma_start3A_38 : memref<10000x128xf32, #tpu.memory_space<hbm>>) target(%arg11 : memref<128x128xf32, #tpu.memory_space<vmem>>) offsets(%arg8 : memref<128xi32, #tpu.memory_space<vmem>>) semaphore(%arg14 : memref<!tpu.dma_semaphore, #tpu.memory_space<semaphore_mem>>)
    %scan3A_39 = arith.constant 0 : i32
    %scan3A_40 = arith.constant 0 : i32
    %scan3A_41 = arith.constant 39 : i32
    %scan3A_42 = arith.addi %scan3A_40, %scan3A_41 : i32
    %scan3A_43 = arith.constant 1 : i32
    %scan3A_44 = scf.for %scan3A_52 = %scan3A_40 to %scan3A_42 step %scan3A_43 iter_args(%scan3A_53 = %scan3A_39) -> (i32)  : i32 {
      %mul3A_54 = arith.constant 2 : i32
      %mul3A_55 = arith.muli %scan3A_52, %mul3A_54 : i32
      %add3A_56 = arith.constant 0 : i32
      %add3A_57 = arith.addi %mul3A_55, %add3A_56 : i32
      %dma_wait3A_58 = arith.constant 0 : i32
      %dma_wait3A_59 = arith.constant 0 : i32
      %dma_wait3A_60 = tpu.memref_slice %arg2[%dma_wait3A_58, %dma_wait3A_59] : memref<10000x128xf32, #tpu.memory_space<hbm>> -> memref<10000x128xf32, #tpu.memory_space<hbm>>
      tpu.wait_indirect_dma semaphore(%arg13 : memref<!tpu.dma_semaphore, #tpu.memory_space<semaphore_mem>>) src(%dma_wait3A_60 : memref<10000x128xf32, #tpu.memory_space<hbm>>) dst(%arg10 : memref<128x128xf32, #tpu.memory_space<vmem>>)
      "tpu.region"() ({
        %run_scoped3A = tpu.sem_alloc : memref<!tpu.dma_semaphore, #tpu.memory_space<semaphore_mem>>
        %dma_start3A_93 = arith.constant 0 : i32
        %dma_start3A_94 = arith.constant 0 : i32
        %dma_start3A_95 = tpu.memref_slice %arg12[%dma_start3A_93, %dma_start3A_94] : memref<10112x128xf32, #tpu.memory_space<vmem_shared>> -> memref<10112x128xf32, #tpu.memory_space<vmem_shared>>
        tpu.enqueue_indirect_dma source(%arg10 : memref<128x128xf32, #tpu.memory_space<vmem>>) target(%dma_start3A_95 : memref<10112x128xf32, #tpu.memory_space<vmem_shared>>) offsets(%arg7 : memref<128xi32, #tpu.memory_space<vmem>>) semaphore(%run_scoped3A : memref<!tpu.dma_semaphore, #tpu.memory_space<semaphore_mem>>) {add = true}
        %dma_wait3A_96 = arith.constant 0 : i32
        %dma_wait3A_97 = arith.constant 0 : i32
        %dma_wait3A_98 = tpu.memref_slice %arg12[%dma_wait3A_96, %dma_wait3A_97] : memref<10112x128xf32, #tpu.memory_space<vmem_shared>> -> memref<10112x128xf32, #tpu.memory_space<vmem_shared>>
        tpu.wait_indirect_dma semaphore(%run_scoped3A : memref<!tpu.dma_semaphore, #tpu.memory_space<semaphore_mem>>) src(%arg10 : memref<128x128xf32, #tpu.memory_space<vmem>>) dst(%dma_wait3A_98 : memref<10112x128xf32, #tpu.memory_space<vmem_shared>>)
        tpu.yield
      }) : () -> ()
      %add3A_61 = arith.constant 2 : i32
      %add3A_62 = arith.addi %add3A_57, %add3A_61 : i32
      %scan3A_63 = arith.constant 0 : i32
      %scan3A_64 = arith.constant 0 : i32
      %scan3A_65 = arith.constant 8 : i32
      %scan3A_66 = arith.addi %scan3A_64, %scan3A_65 : i32
      %scan3A_67 = arith.constant 1 : i32
      %scan3A_68 = scf.for %scan3A_93 = %scan3A_64 to %scan3A_66 step %scan3A_67 iter_args(%scan3A_94 = %scan3A_63) -> (i32)  : i32 {
        %mul3A_95 = arith.constant 16 : i32
        %mul3A_96 = arith.muli %scan3A_93, %mul3A_95 : i32
        %get3A = arith.index_cast %add3A_62 : i32 to index
        %get3A_97 = arith.index_cast %mul3A_96 : i32 to index
        %get3A_98 = tpu.vector_load %arg5[%get3A, %get3A_97] {strides = array<i32>} : memref<80x128xi32, #tpu.memory_space<vmem>>, vector<1x16xi32>,
        %get3A_99 = vector.shape_cast %get3A_98 : vector<1x16xi32> to vector<16xi32>
        %and3A = arith.constant 65535 : i32
        %and3A_100 = vector.broadcast %and3A : i32 to vector<16xi32>
        %and3A_101 = arith.andi %get3A_99, %and3A_100 : vector<16xi32>
        %mul3A_102 = arith.constant 16 : i32
        %mul3A_103 = arith.muli %scan3A_93, %mul3A_102 : i32
        %swap3A = arith.index_cast %mul3A_103 : i32 to index
        %swap3A_104 = tpu.vector_load %arg6[%swap3A] {strides = array<i32>} : memref<128xi32, #tpu.memory_space<vmem>>, vector<16xi32>,
        %swap3A_105 = vector.shape_cast %swap3A_104 : vector<16xi32> to vector<16xi32>
        %swap3A_106 = vector.shape_cast %and3A_101 : vector<16xi32> to vector<16xi32>
        tpu.vector_store %arg6[%swap3A], %swap3A_106 {strides = array<i32>} : memref<128xi32, #tpu.memory_space<vmem>>, vector<16xi32>,
        %shift_right_arithmetic3A = arith.constant 16 : i32
        %shift_right_arithmetic3A_107 = vector.broadcast %shift_right_arithmetic3A : i32 to vector<16xi32>
        %shift_right_arithmetic3A_108 = arith.shrsi %get3A_99, %shift_right_arithmetic3A_107 : vector<16xi32>
        %mul3A_109 = arith.constant 16 : i32
        %mul3A_110 = arith.muli %scan3A_93, %mul3A_109 : i32
        %swap3A_111 = arith.index_cast %mul3A_110 : i32 to index
        %swap3A_112 = tpu.vector_load %arg7[%swap3A_111] {strides = array<i32>} : memref<128xi32, #tpu.memory_space<vmem>>, vector<16xi32>,
        %swap3A_113 = vector.shape_cast %swap3A_112 : vector<16xi32> to vector<16xi32>
        %swap3A_114 = vector.shape_cast %shift_right_arithmetic3A_108 : vector<16xi32> to vector<16xi32>
        tpu.vector_store %arg7[%swap3A_111], %swap3A_114 {strides = array<i32>} : memref<128xi32, #tpu.memory_space<vmem>>, vector<16xi32>,
        %scan3A_115 = arith.constant 0 : i32
        scf.yield %scan3A_115 : i32
      }
      %scan3A_69 = arith.constant 8 : i32
      %delay3A_70 = arith.constant 64 : i32
      tpu.delay %delay3A_70
      %dma_start3A_71 = arith.constant 0 : i32
      %dma_start3A_72 = arith.constant 0 : i32
      %dma_start3A_73 = tpu.memref_slice %arg2[%dma_start3A_71, %dma_start3A_72] : memref<10000x128xf32, #tpu.memory_space<hbm>> -> memref<10000x128xf32, #tpu.memory_space<hbm>>
      tpu.enqueue_indirect_dma source(%dma_start3A_73 : memref<10000x128xf32, #tpu.memory_space<hbm>>) target(%arg10 : memref<128x128xf32, #tpu.memory_space<vmem>>) offsets(%arg6 : memref<128xi32, #tpu.memory_space<vmem>>) semaphore(%arg13 : memref<!tpu.dma_semaphore, #tpu.memory_space<semaphore_mem>>)
      %add3A_74 = arith.constant 1 : i32
      %add3A_75 = arith.addi %mul3A_55, %add3A_74 : i32
      %dma_wait3A_76 = arith.constant 0 : i32
      %dma_wait3A_77 = arith.constant 0 : i32
      %dma_wait3A_78 = tpu.memref_slice %arg2[%dma_wait3A_76, %dma_wait3A_77] : memref<10000x128xf32, #tpu.memory_space<hbm>> -> memref<10000x128xf32, #tpu.memory_space<hbm>>
      tpu.wait_indirect_dma semaphore(%arg14 : memref<!tpu.dma_semaphore, #tpu.memory_space<semaphore_mem>>) src(%dma_wait3A_78 : memref<10000x128xf32, #tpu.memory_space<hbm>>) dst(%arg11 : memref<128x128xf32, #tpu.memory_space<vmem>>)
      "tpu.region"() ({
        %run_scoped3A = tpu.sem_alloc : memref<!tpu.dma_semaphore, #tpu.memory_space<semaphore_mem>>
        %dma_start3A_93 = arith.constant 0 : i32
        %dma_start3A_94 = arith.constant 0 : i32
        %dma_start3A_95 = tpu.memref_slice %arg12[%dma_start3A_93, %dma_start3A_94] : memref<10112x128xf32, #tpu.memory_space<vmem_shared>> -> memref<10112x128xf32, #tpu.memory_space<vmem_shared>>
        tpu.enqueue_indirect_dma source(%arg11 : memref<128x128xf32, #tpu.memory_space<vmem>>) target(%dma_start3A_95 : memref<10112x128xf32, #tpu.memory_space<vmem_shared>>) offsets(%arg9 : memref<128xi32, #tpu.memory_space<vmem>>) semaphore(%run_scoped3A : memref<!tpu.dma_semaphore, #tpu.memory_space<semaphore_mem>>) {add = true}
        %dma_wait3A_96 = arith.constant 0 : i32
        %dma_wait3A_97 = arith.constant 0 : i32
        %dma_wait3A_98 = tpu.memref_slice %arg12[%dma_wait3A_96, %dma_wait3A_97] : memref<10112x128xf32, #tpu.memory_space<vmem_shared>> -> memref<10112x128xf32, #tpu.memory_space<vmem_shared>>
        tpu.wait_indirect_dma semaphore(%run_scoped3A : memref<!tpu.dma_semaphore, #tpu.memory_space<semaphore_mem>>) src(%arg11 : memref<128x128xf32, #tpu.memory_space<vmem>>) dst(%dma_wait3A_98 : memref<10112x128xf32, #tpu.memory_space<vmem_shared>>)
        tpu.yield
      }) : () -> ()
      %add3A_79 = arith.constant 2 : i32
      %add3A_80 = arith.addi %add3A_75, %add3A_79 : i32
      %scan3A_81 = arith.constant 0 : i32
      %scan3A_82 = arith.constant 0 : i32
      %scan3A_83 = arith.constant 8 : i32
      %scan3A_84 = arith.addi %scan3A_82, %scan3A_83 : i32
      %scan3A_85 = arith.constant 1 : i32
      %scan3A_86 = scf.for %scan3A_93 = %scan3A_82 to %scan3A_84 step %scan3A_85 iter_args(%scan3A_94 = %scan3A_81) -> (i32)  : i32 {
        %mul3A_95 = arith.constant 16 : i32
        %mul3A_96 = arith.muli %scan3A_93, %mul3A_95 : i32
        %get3A = arith.index_cast %add3A_80 : i32 to index
        %get3A_97 = arith.index_cast %mul3A_96 : i32 to index
        %get3A_98 = tpu.vector_load %arg5[%get3A, %get3A_97] {strides = array<i32>} : memref<80x128xi32, #tpu.memory_space<vmem>>, vector<1x16xi32>,
        %get3A_99 = vector.shape_cast %get3A_98 : vector<1x16xi32> to vector<16xi32>
        %and3A = arith.constant 65535 : i32
        %and3A_100 = vector.broadcast %and3A : i32 to vector<16xi32>
        %and3A_101 = arith.andi %get3A_99, %and3A_100 : vector<16xi32>
        %mul3A_102 = arith.constant 16 : i32
        %mul3A_103 = arith.muli %scan3A_93, %mul3A_102 : i32
        %swap3A = arith.index_cast %mul3A_103 : i32 to index
        %swap3A_104 = tpu.vector_load %arg8[%swap3A] {strides = array<i32>} : memref<128xi32, #tpu.memory_space<vmem>>, vector<16xi32>,
        %swap3A_105 = vector.shape_cast %swap3A_104 : vector<16xi32> to vector<16xi32>
        %swap3A_106 = vector.shape_cast %and3A_101 : vector<16xi32> to vector<16xi32>
        tpu.vector_store %arg8[%swap3A], %swap3A_106 {strides = array<i32>} : memref<128xi32, #tpu.memory_space<vmem>>, vector<16xi32>,
        %shift_right_arithmetic3A = arith.constant 16 : i32
        %shift_right_arithmetic3A_107 = vector.broadcast %shift_right_arithmetic3A : i32 to vector<16xi32>
        %shift_right_arithmetic3A_108 = arith.shrsi %get3A_99, %shift_right_arithmetic3A_107 : vector<16xi32>
        %mul3A_109 = arith.constant 16 : i32
        %mul3A_110 = arith.muli %scan3A_93, %mul3A_109 : i32
        %swap3A_111 = arith.index_cast %mul3A_110 : i32 to index
        %swap3A_112 = tpu.vector_load %arg9[%swap3A_111] {strides = array<i32>} : memref<128xi32, #tpu.memory_space<vmem>>, vector<16xi32>,
        %swap3A_113 = vector.shape_cast %swap3A_112 : vector<16xi32> to vector<16xi32>
        %swap3A_114 = vector.shape_cast %shift_right_arithmetic3A_108 : vector<16xi32> to vector<16xi32>
        tpu.vector_store %arg9[%swap3A_111], %swap3A_114 {strides = array<i32>} : memref<128xi32, #tpu.memory_space<vmem>>, vector<16xi32>,
        %scan3A_115 = arith.constant 0 : i32
        scf.yield %scan3A_115 : i32
      }
      %scan3A_87 = arith.constant 8 : i32
      %delay3A_88 = arith.constant 64 : i32
      tpu.delay %delay3A_88
      %dma_start3A_89 = arith.constant 0 : i32
      %dma_start3A_90 = arith.constant 0 : i32
      %dma_start3A_91 = tpu.memref_slice %arg2[%dma_start3A_89, %dma_start3A_90] : memref<10000x128xf32, #tpu.memory_space<hbm>> -> memref<10000x128xf32, #tpu.memory_space<hbm>>
      tpu.enqueue_indirect_dma source(%dma_start3A_91 : memref<10000x128xf32, #tpu.memory_space<hbm>>) target(%arg11 : memref<128x128xf32, #tpu.memory_space<vmem>>) offsets(%arg8 : memref<128xi32, #tpu.memory_space<vmem>>) semaphore(%arg14 : memref<!tpu.dma_semaphore, #tpu.memory_space<semaphore_mem>>)
      %scan3A_92 = arith.constant 0 : i32
      scf.yield %scan3A_92 : i32
    }
    %scan3A_45 = arith.constant 39 : i32
    %dma_wait3A = arith.constant 0 : i32
    %dma_wait3A_46 = arith.constant 0 : i32
    %dma_wait3A_47 = tpu.memref_slice %arg2[%dma_wait3A, %dma_wait3A_46] : memref<10000x128xf32, #tpu.memory_space<hbm>> -> memref<10000x128xf32, #tpu.memory_space<hbm>>
    tpu.wait_indirect_dma semaphore(%arg13 : memref<!tpu.dma_semaphore, #tpu.memory_space<semaphore_mem>>) src(%dma_wait3A_47 : memref<10000x128xf32, #tpu.memory_space<hbm>>) dst(%arg10 : memref<128x128xf32, #tpu.memory_space<vmem>>)
    "tpu.region"() ({
      %run_scoped3A = tpu.sem_alloc : memref<!tpu.dma_semaphore, #tpu.memory_space<semaphore_mem>>
      %dma_start3A_52 = arith.constant 0 : i32
      %dma_start3A_53 = arith.constant 0 : i32
      %dma_start3A_54 = tpu.memref_slice %arg12[%dma_start3A_52, %dma_start3A_53] : memref<10112x128xf32, #tpu.memory_space<vmem_shared>> -> memref<10112x128xf32, #tpu.memory_space<vmem_shared>>
      tpu.enqueue_indirect_dma source(%arg10 : memref<128x128xf32, #tpu.memory_space<vmem>>) target(%dma_start3A_54 : memref<10112x128xf32, #tpu.memory_space<vmem_shared>>) offsets(%arg7 : memref<128xi32, #tpu.memory_space<vmem>>) semaphore(%run_scoped3A : memref<!tpu.dma_semaphore, #tpu.memory_space<semaphore_mem>>) {add = true}
      %dma_wait3A_55 = arith.constant 0 : i32
      %dma_wait3A_56 = arith.constant 0 : i32
      %dma_wait3A_57 = tpu.memref_slice %arg12[%dma_wait3A_55, %dma_wait3A_56] : memref<10112x128xf32, #tpu.memory_space<vmem_shared>> -> memref<10112x128xf32, #tpu.memory_space<vmem_shared>>
      tpu.wait_indirect_dma semaphore(%run_scoped3A : memref<!tpu.dma_semaphore, #tpu.memory_space<semaphore_mem>>) src(%arg10 : memref<128x128xf32, #tpu.memory_space<vmem>>) dst(%dma_wait3A_57 : memref<10112x128xf32, #tpu.memory_space<vmem_shared>>)
      tpu.yield
    }) : () -> ()
    %dma_wait3A_48 = arith.constant 0 : i32
    %dma_wait3A_49 = arith.constant 0 : i32
    %dma_wait3A_50 = tpu.memref_slice %arg2[%dma_wait3A_48, %dma_wait3A_49] : memref<10000x128xf32, #tpu.memory_space<hbm>> -> memref<10000x128xf32, #tpu.memory_space<hbm>>
    tpu.wait_indirect_dma semaphore(%arg14 : memref<!tpu.dma_semaphore, #tpu.memory_space<semaphore_mem>>) src(%dma_wait3A_50 : memref<10000x128xf32, #tpu.memory_space<hbm>>) dst(%arg11 : memref<128x128xf32, #tpu.memory_space<vmem>>)
    "tpu.region"() ({
      %run_scoped3A = tpu.sem_alloc : memref<!tpu.dma_semaphore, #tpu.memory_space<semaphore_mem>>
      %dma_start3A_52 = arith.constant 0 : i32
      %dma_start3A_53 = arith.constant 0 : i32
      %dma_start3A_54 = tpu.memref_slice %arg12[%dma_start3A_52, %dma_start3A_53] : memref<10112x128xf32, #tpu.memory_space<vmem_shared>> -> memref<10112x128xf32, #tpu.memory_space<vmem_shared>>
      tpu.enqueue_indirect_dma source(%arg11 : memref<128x128xf32, #tpu.memory_space<vmem>>) target(%dma_start3A_54 : memref<10112x128xf32, #tpu.memory_space<vmem_shared>>) offsets(%arg9 : memref<128xi32, #tpu.memory_space<vmem>>) semaphore(%run_scoped3A : memref<!tpu.dma_semaphore, #tpu.memory_space<semaphore_mem>>) {add = true}
      %dma_wait3A_55 = arith.constant 0 : i32
      %dma_wait3A_56 = arith.constant 0 : i32
      %dma_wait3A_57 = tpu.memref_slice %arg12[%dma_wait3A_55, %dma_wait3A_56] : memref<10112x128xf32, #tpu.memory_space<vmem_shared>> -> memref<10112x128xf32, #tpu.memory_space<vmem_shared>>
      tpu.wait_indirect_dma semaphore(%run_scoped3A : memref<!tpu.dma_semaphore, #tpu.memory_space<semaphore_mem>>) src(%arg11 : memref<128x128xf32, #tpu.memory_space<vmem>>) dst(%dma_wait3A_57 : memref<10112x128xf32, #tpu.memory_space<vmem_shared>>)
      tpu.yield
    }) : () -> ()
    %barrier3A_51 = arith.constant 0 : index
    tpu.barrier barrier_id(%barrier3A_51)
    "tpu.region"() ({
      %run_scoped3A = tpu.sem_alloc : memref<!tpu.dma_semaphore, #tpu.memory_space<semaphore_mem>>
      %dma_start3A_52 = arith.constant 0 : i32
      %dma_start3A_53 = tpu.memref_slice %arg4[%arg0, %mul3A_8, %dma_start3A_52] : memref<2x10112x128xf32, #tpu.memory_space<hbm>> -> memref<1x632x128xf32, #tpu.memory_space<hbm>>
      %dma_start3A_54 = tpu.memref_squeeze %dma_start3A_53 : memref<1x632x128xf32, #tpu.memory_space<hbm>> -> memref<632x128xf32, #tpu.memory_space<hbm>>
      %dma_start3A_55 = arith.constant 0 : i32
      %dma_start3A_56 = tpu.memref_slice %arg12[%mul3A_8, %dma_start3A_55] : memref<10112x128xf32, #tpu.memory_space<vmem_shared>> -> memref<632x128xf32, #tpu.memory_space<vmem_shared>>
      tpu.enqueue_dma source(%dma_start3A_56 : memref<632x128xf32, #tpu.memory_space<vmem_shared>>) target(%dma_start3A_54 : memref<632x128xf32, #tpu.memory_space<hbm>>) target_semaphore(%run_scoped3A : memref<!tpu.dma_semaphore, #tpu.memory_space<semaphore_mem>>)
      %dma_wait3A_57 = arith.constant 0 : i32
      %dma_wait3A_58 = tpu.memref_slice %arg4[%arg0, %mul3A_8, %dma_wait3A_57] : memref<2x10112x128xf32, #tpu.memory_space<hbm>> -> memref<1x632x128xf32, #tpu.memory_space<hbm>>
      %dma_wait3A_59 = tpu.memref_squeeze %dma_wait3A_58 : memref<1x632x128xf32, #tpu.memory_space<hbm>> -> memref<632x128xf32, #tpu.memory_space<hbm>>
      %dma_wait3A_60 = arith.constant 0 : i32
      %dma_wait3A_61 = tpu.memref_slice %arg12[%mul3A_8, %dma_wait3A_60] : memref<10112x128xf32, #tpu.memory_space<vmem_shared>> -> memref<632x128xf32, #tpu.memory_space<vmem_shared>>
      tpu.wait_dma2 semaphore(%run_scoped3A : memref<!tpu.dma_semaphore, #tpu.memory_space<semaphore_mem>>) src(%dma_wait3A_61 : memref<632x128xf32, #tpu.memory_space<vmem_shared>>) dst(%dma_wait3A_59 : memref<632x128xf32, #tpu.memory_space<hbm>>)
      tpu.yield
    }) : () -> ()
    return
  }
}

#map = affine_map<(d0, d1) -> (0, 0, 0)>
module attributes {stable_mosaic.version = 14 : i64} {
  func.func @_deg_sc(%arg0: i32, %arg1: i32, %arg2: memref<32x80x128xi32, #tpu.memory_space<hbm>>, %arg3: memref<2x10112x128xf32, #tpu.memory_space<hbm>>, %arg4: memref<80x128xi32, #tpu.memory_space<vmem>>, %arg5: memref<128xi32, #tpu.memory_space<vmem>>, %arg6: memref<128x128xf32, #tpu.memory_space<vmem>>, %arg7: memref<10112x128xf32, #tpu.memory_space<vmem_shared>>) attributes {dimension_semantics = [#tpu.dimension_semantics<core_parallel>, #tpu.dimension_semantics<subcore_parallel>], iteration_bounds = array<i64: 2, 16>, scalar_prefetch = 0 : i64, scratch_operands = 4 : i64, tpu.core_type = #tpu.core_type<sc_vector_subcore>, window_params = [{transform_indices = #map}, {transform_indices = #map}]} {
    %mul3A = arith.constant 2 : i32
    %mul3A_0 = arith.muli %arg1, %mul3A : i32
    %add3A = arith.addi %mul3A_0, %arg0 : i32
    %scan3A = arith.constant 0 : i32
    %scan3A_1 = arith.constant 0 : i32
    %scan3A_2 = arith.constant 128 : i32
    %scan3A_3 = arith.addi %scan3A_1, %scan3A_2 : i32
    %scan3A_4 = arith.constant 1 : i32
    %scan3A_5 = scf.for %scan3A_35 = %scan3A_1 to %scan3A_3 step %scan3A_4 iter_args(%scan3A_36 = %scan3A) -> (i32)  : i32 {
      %scan3A_37 = arith.constant 0 : i32
      %scan3A_38 = arith.constant 0 : i32
      %scan3A_39 = arith.constant 8 : i32
      %scan3A_40 = arith.addi %scan3A_38, %scan3A_39 : i32
      %scan3A_41 = arith.constant 1 : i32
      %scan3A_42 = scf.for %scan3A_44 = %scan3A_38 to %scan3A_40 step %scan3A_41 iter_args(%scan3A_45 = %scan3A_37) -> (i32)  : i32 {
        %broadcast_in_dim3A = arith.constant 0.000000e+00 : f32
        %broadcast_in_dim3A_46 = vector.broadcast %broadcast_in_dim3A : f32 to vector<16xf32>
        %mul3A_47 = arith.constant 16 : i32
        %mul3A_48 = arith.muli %scan3A_44, %mul3A_47 : i32
        %swap3A = arith.index_cast %scan3A_35 : i32 to index
        %swap3A_49 = arith.index_cast %mul3A_48 : i32 to index
        %swap3A_50 = tpu.vector_load %arg6[%swap3A, %swap3A_49] {strides = array<i32>} : memref<128x128xf32, #tpu.memory_space<vmem>>, vector<1x16xf32>,
        %swap3A_51 = vector.shape_cast %swap3A_50 : vector<1x16xf32> to vector<16xf32>
        %swap3A_52 = vector.shape_cast %broadcast_in_dim3A_46 : vector<16xf32> to vector<1x16xf32>
        tpu.vector_store %arg6[%swap3A, %swap3A_49], %swap3A_52 {strides = array<i32>} : memref<128x128xf32, #tpu.memory_space<vmem>>, vector<1x16xf32>,
        %scan3A_53 = arith.constant 0 : i32
        scf.yield %scan3A_53 : i32
      }
      %scan3A_43 = arith.constant 8 : i32
      scf.yield %scan3A_42 : i32
    }
    %scan3A_6 = arith.constant 128 : i32
    %delay3A = arith.constant 128 : i32
    tpu.delay %delay3A
    %mul3A_7 = arith.constant 632 : i32
    %mul3A_8 = arith.muli %arg1, %mul3A_7 : i32
    %add3A_9 = arith.constant 0 : i32
    %add3A_10 = arith.addi %mul3A_8, %add3A_9 : i32
    "tpu.region"() ({
      %run_scoped3A = tpu.sem_alloc : memref<!tpu.dma_semaphore, #tpu.memory_space<semaphore_mem>>
      %dma_start3A = arith.constant 0 : i32
      %dma_start3A_35 = arith.constant 0 : i32
      %dma_start3A_36 = tpu.memref_slice %arg6[%dma_start3A, %dma_start3A_35] : memref<128x128xf32, #tpu.memory_space<vmem>> -> memref<128x128xf32, #tpu.memory_space<vmem>>
      %dma_start3A_37 = arith.constant 0 : i32
      %dma_start3A_38 = tpu.memref_slice %arg7[%add3A_10, %dma_start3A_37] : memref<10112x128xf32, #tpu.memory_space<vmem_shared>> -> memref<128x128xf32, #tpu.memory_space<vmem_shared>>
      %dma_start3A_39 = arith.constant 0 : i32
      %dma_start3A_40 = tpu.memref_slice %arg7[%add3A_10, %dma_start3A_39] : memref<10112x128xf32, #tpu.memory_space<vmem_shared>> -> memref<128x128xf32, #tpu.memory_space<vmem_shared>>
      %dma_start3A_41 = arith.constant 0 : i32
      %dma_start3A_42 = arith.constant 0 : i32
      %dma_start3A_43 = tpu.memref_slice %arg6[%dma_start3A_41, %dma_start3A_42] : memref<128x128xf32, #tpu.memory_space<vmem>> -> memref<128x128xf32, #tpu.memory_space<vmem>>
      tpu.enqueue_dma source(%dma_start3A_43 : memref<128x128xf32, #tpu.memory_space<vmem>>) target(%dma_start3A_40 : memref<128x128xf32, #tpu.memory_space<vmem_shared>>) target_semaphore(%run_scoped3A : memref<!tpu.dma_semaphore, #tpu.memory_space<semaphore_mem>>)
      %dma_wait3A = arith.constant 0 : i32
      %dma_wait3A_44 = arith.constant 0 : i32
      %dma_wait3A_45 = tpu.memref_slice %arg6[%dma_wait3A, %dma_wait3A_44] : memref<128x128xf32, #tpu.memory_space<vmem>> -> memref<128x128xf32, #tpu.memory_space<vmem>>
      %dma_wait3A_46 = arith.constant 0 : i32
      %dma_wait3A_47 = tpu.memref_slice %arg7[%add3A_10, %dma_wait3A_46] : memref<10112x128xf32, #tpu.memory_space<vmem_shared>> -> memref<128x128xf32, #tpu.memory_space<vmem_shared>>
      %dma_wait3A_48 = arith.constant 0 : i32
      %dma_wait3A_49 = tpu.memref_slice %arg7[%add3A_10, %dma_wait3A_48] : memref<10112x128xf32, #tpu.memory_space<vmem_shared>> -> memref<128x128xf32, #tpu.memory_space<vmem_shared>>
      %dma_wait3A_50 = arith.constant 0 : i32
      %dma_wait3A_51 = arith.constant 0 : i32
      %dma_wait3A_52 = tpu.memref_slice %arg6[%dma_wait3A_50, %dma_wait3A_51] : memref<128x128xf32, #tpu.memory_space<vmem>> -> memref<128x128xf32, #tpu.memory_space<vmem>>
      tpu.wait_dma2 semaphore(%run_scoped3A : memref<!tpu.dma_semaphore, #tpu.memory_space<semaphore_mem>>) src(%dma_wait3A_52 : memref<128x128xf32, #tpu.memory_space<vmem>>) dst(%dma_wait3A_49 : memref<128x128xf32, #tpu.memory_space<vmem_shared>>)
      tpu.yield
    }) : () -> ()
    %add3A_11 = arith.constant 128 : i32
    %add3A_12 = arith.addi %mul3A_8, %add3A_11 : i32
    "tpu.region"() ({
      %run_scoped3A = tpu.sem_alloc : memref<!tpu.dma_semaphore, #tpu.memory_space<semaphore_mem>>
      %dma_start3A = arith.constant 0 : i32
      %dma_start3A_35 = arith.constant 0 : i32
      %dma_start3A_36 = tpu.memref_slice %arg6[%dma_start3A, %dma_start3A_35] : memref<128x128xf32, #tpu.memory_space<vmem>> -> memref<128x128xf32, #tpu.memory_space<vmem>>
      %dma_start3A_37 = arith.constant 0 : i32
      %dma_start3A_38 = tpu.memref_slice %arg7[%add3A_12, %dma_start3A_37] : memref<10112x128xf32, #tpu.memory_space<vmem_shared>> -> memref<128x128xf32, #tpu.memory_space<vmem_shared>>
      %dma_start3A_39 = arith.constant 0 : i32
      %dma_start3A_40 = tpu.memref_slice %arg7[%add3A_12, %dma_start3A_39] : memref<10112x128xf32, #tpu.memory_space<vmem_shared>> -> memref<128x128xf32, #tpu.memory_space<vmem_shared>>
      %dma_start3A_41 = arith.constant 0 : i32
      %dma_start3A_42 = arith.constant 0 : i32
      %dma_start3A_43 = tpu.memref_slice %arg6[%dma_start3A_41, %dma_start3A_42] : memref<128x128xf32, #tpu.memory_space<vmem>> -> memref<128x128xf32, #tpu.memory_space<vmem>>
      tpu.enqueue_dma source(%dma_start3A_43 : memref<128x128xf32, #tpu.memory_space<vmem>>) target(%dma_start3A_40 : memref<128x128xf32, #tpu.memory_space<vmem_shared>>) target_semaphore(%run_scoped3A : memref<!tpu.dma_semaphore, #tpu.memory_space<semaphore_mem>>)
      %dma_wait3A = arith.constant 0 : i32
      %dma_wait3A_44 = arith.constant 0 : i32
      %dma_wait3A_45 = tpu.memref_slice %arg6[%dma_wait3A, %dma_wait3A_44] : memref<128x128xf32, #tpu.memory_space<vmem>> -> memref<128x128xf32, #tpu.memory_space<vmem>>
      %dma_wait3A_46 = arith.constant 0 : i32
      %dma_wait3A_47 = tpu.memref_slice %arg7[%add3A_12, %dma_wait3A_46] : memref<10112x128xf32, #tpu.memory_space<vmem_shared>> -> memref<128x128xf32, #tpu.memory_space<vmem_shared>>
      %dma_wait3A_48 = arith.constant 0 : i32
      %dma_wait3A_49 = tpu.memref_slice %arg7[%add3A_12, %dma_wait3A_48] : memref<10112x128xf32, #tpu.memory_space<vmem_shared>> -> memref<128x128xf32, #tpu.memory_space<vmem_shared>>
      %dma_wait3A_50 = arith.constant 0 : i32
      %dma_wait3A_51 = arith.constant 0 : i32
      %dma_wait3A_52 = tpu.memref_slice %arg6[%dma_wait3A_50, %dma_wait3A_51] : memref<128x128xf32, #tpu.memory_space<vmem>> -> memref<128x128xf32, #tpu.memory_space<vmem>>
      tpu.wait_dma2 semaphore(%run_scoped3A : memref<!tpu.dma_semaphore, #tpu.memory_space<semaphore_mem>>) src(%dma_wait3A_52 : memref<128x128xf32, #tpu.memory_space<vmem>>) dst(%dma_wait3A_49 : memref<128x128xf32, #tpu.memory_space<vmem_shared>>)
      tpu.yield
    }) : () -> ()
    %add3A_13 = arith.constant 256 : i32
    %add3A_14 = arith.addi %mul3A_8, %add3A_13 : i32
    "tpu.region"() ({
      %run_scoped3A = tpu.sem_alloc : memref<!tpu.dma_semaphore, #tpu.memory_space<semaphore_mem>>
      %dma_start3A = arith.constant 0 : i32
      %dma_start3A_35 = arith.constant 0 : i32
      %dma_start3A_36 = tpu.memref_slice %arg6[%dma_start3A, %dma_start3A_35] : memref<128x128xf32, #tpu.memory_space<vmem>> -> memref<128x128xf32, #tpu.memory_space<vmem>>
      %dma_start3A_37 = arith.constant 0 : i32
      %dma_start3A_38 = tpu.memref_slice %arg7[%add3A_14, %dma_start3A_37] : memref<10112x128xf32, #tpu.memory_space<vmem_shared>> -> memref<128x128xf32, #tpu.memory_space<vmem_shared>>
      %dma_start3A_39 = arith.constant 0 : i32
      %dma_start3A_40 = tpu.memref_slice %arg7[%add3A_14, %dma_start3A_39] : memref<10112x128xf32, #tpu.memory_space<vmem_shared>> -> memref<128x128xf32, #tpu.memory_space<vmem_shared>>
      %dma_start3A_41 = arith.constant 0 : i32
      %dma_start3A_42 = arith.constant 0 : i32
      %dma_start3A_43 = tpu.memref_slice %arg6[%dma_start3A_41, %dma_start3A_42] : memref<128x128xf32, #tpu.memory_space<vmem>> -> memref<128x128xf32, #tpu.memory_space<vmem>>
      tpu.enqueue_dma source(%dma_start3A_43 : memref<128x128xf32, #tpu.memory_space<vmem>>) target(%dma_start3A_40 : memref<128x128xf32, #tpu.memory_space<vmem_shared>>) target_semaphore(%run_scoped3A : memref<!tpu.dma_semaphore, #tpu.memory_space<semaphore_mem>>)
      %dma_wait3A = arith.constant 0 : i32
      %dma_wait3A_44 = arith.constant 0 : i32
      %dma_wait3A_45 = tpu.memref_slice %arg6[%dma_wait3A, %dma_wait3A_44] : memref<128x128xf32, #tpu.memory_space<vmem>> -> memref<128x128xf32, #tpu.memory_space<vmem>>
      %dma_wait3A_46 = arith.constant 0 : i32
      %dma_wait3A_47 = tpu.memref_slice %arg7[%add3A_14, %dma_wait3A_46] : memref<10112x128xf32, #tpu.memory_space<vmem_shared>> -> memref<128x128xf32, #tpu.memory_space<vmem_shared>>
      %dma_wait3A_48 = arith.constant 0 : i32
      %dma_wait3A_49 = tpu.memref_slice %arg7[%add3A_14, %dma_wait3A_48] : memref<10112x128xf32, #tpu.memory_space<vmem_shared>> -> memref<128x128xf32, #tpu.memory_space<vmem_shared>>
      %dma_wait3A_50 = arith.constant 0 : i32
      %dma_wait3A_51 = arith.constant 0 : i32
      %dma_wait3A_52 = tpu.memref_slice %arg6[%dma_wait3A_50, %dma_wait3A_51] : memref<128x128xf32, #tpu.memory_space<vmem>> -> memref<128x128xf32, #tpu.memory_space<vmem>>
      tpu.wait_dma2 semaphore(%run_scoped3A : memref<!tpu.dma_semaphore, #tpu.memory_space<semaphore_mem>>) src(%dma_wait3A_52 : memref<128x128xf32, #tpu.memory_space<vmem>>) dst(%dma_wait3A_49 : memref<128x128xf32, #tpu.memory_space<vmem_shared>>)
      tpu.yield
    }) : () -> ()
    %add3A_15 = arith.constant 384 : i32
    %add3A_16 = arith.addi %mul3A_8, %add3A_15 : i32
    "tpu.region"() ({
      %run_scoped3A = tpu.sem_alloc : memref<!tpu.dma_semaphore, #tpu.memory_space<semaphore_mem>>
      %dma_start3A = arith.constant 0 : i32
      %dma_start3A_35 = arith.constant 0 : i32
      %dma_start3A_36 = tpu.memref_slice %arg6[%dma_start3A, %dma_start3A_35] : memref<128x128xf32, #tpu.memory_space<vmem>> -> memref<128x128xf32, #tpu.memory_space<vmem>>
      %dma_start3A_37 = arith.constant 0 : i32
      %dma_start3A_38 = tpu.memref_slice %arg7[%add3A_16, %dma_start3A_37] : memref<10112x128xf32, #tpu.memory_space<vmem_shared>> -> memref<128x128xf32, #tpu.memory_space<vmem_shared>>
      %dma_start3A_39 = arith.constant 0 : i32
      %dma_start3A_40 = tpu.memref_slice %arg7[%add3A_16, %dma_start3A_39] : memref<10112x128xf32, #tpu.memory_space<vmem_shared>> -> memref<128x128xf32, #tpu.memory_space<vmem_shared>>
      %dma_start3A_41 = arith.constant 0 : i32
      %dma_start3A_42 = arith.constant 0 : i32
      %dma_start3A_43 = tpu.memref_slice %arg6[%dma_start3A_41, %dma_start3A_42] : memref<128x128xf32, #tpu.memory_space<vmem>> -> memref<128x128xf32, #tpu.memory_space<vmem>>
      tpu.enqueue_dma source(%dma_start3A_43 : memref<128x128xf32, #tpu.memory_space<vmem>>) target(%dma_start3A_40 : memref<128x128xf32, #tpu.memory_space<vmem_shared>>) target_semaphore(%run_scoped3A : memref<!tpu.dma_semaphore, #tpu.memory_space<semaphore_mem>>)
      %dma_wait3A = arith.constant 0 : i32
      %dma_wait3A_44 = arith.constant 0 : i32
      %dma_wait3A_45 = tpu.memref_slice %arg6[%dma_wait3A, %dma_wait3A_44] : memref<128x128xf32, #tpu.memory_space<vmem>> -> memref<128x128xf32, #tpu.memory_space<vmem>>
      %dma_wait3A_46 = arith.constant 0 : i32
      %dma_wait3A_47 = tpu.memref_slice %arg7[%add3A_16, %dma_wait3A_46] : memref<10112x128xf32, #tpu.memory_space<vmem_shared>> -> memref<128x128xf32, #tpu.memory_space<vmem_shared>>
      %dma_wait3A_48 = arith.constant 0 : i32
      %dma_wait3A_49 = tpu.memref_slice %arg7[%add3A_16, %dma_wait3A_48] : memref<10112x128xf32, #tpu.memory_space<vmem_shared>> -> memref<128x128xf32, #tpu.memory_space<vmem_shared>>
      %dma_wait3A_50 = arith.constant 0 : i32
      %dma_wait3A_51 = arith.constant 0 : i32
      %dma_wait3A_52 = tpu.memref_slice %arg6[%dma_wait3A_50, %dma_wait3A_51] : memref<128x128xf32, #tpu.memory_space<vmem>> -> memref<128x128xf32, #tpu.memory_space<vmem>>
      tpu.wait_dma2 semaphore(%run_scoped3A : memref<!tpu.dma_semaphore, #tpu.memory_space<semaphore_mem>>) src(%dma_wait3A_52 : memref<128x128xf32, #tpu.memory_space<vmem>>) dst(%dma_wait3A_49 : memref<128x128xf32, #tpu.memory_space<vmem_shared>>)
      tpu.yield
    }) : () -> ()
    %add3A_17 = arith.constant 512 : i32
    %add3A_18 = arith.addi %mul3A_8, %add3A_17 : i32
    "tpu.region"() ({
      %run_scoped3A = tpu.sem_alloc : memref<!tpu.dma_semaphore, #tpu.memory_space<semaphore_mem>>
      %dma_start3A = arith.constant 0 : i32
      %dma_start3A_35 = arith.constant 0 : i32
      %dma_start3A_36 = tpu.memref_slice %arg6[%dma_start3A, %dma_start3A_35] : memref<128x128xf32, #tpu.memory_space<vmem>> -> memref<120x128xf32, #tpu.memory_space<vmem>>
      %dma_start3A_37 = arith.constant 0 : i32
      %dma_start3A_38 = tpu.memref_slice %arg7[%add3A_18, %dma_start3A_37] : memref<10112x128xf32, #tpu.memory_space<vmem_shared>> -> memref<120x128xf32, #tpu.memory_space<vmem_shared>>
      %dma_start3A_39 = arith.constant 0 : i32
      %dma_start3A_40 = tpu.memref_slice %arg7[%add3A_18, %dma_start3A_39] : memref<10112x128xf32, #tpu.memory_space<vmem_shared>> -> memref<120x128xf32, #tpu.memory_space<vmem_shared>>
      %dma_start3A_41 = arith.constant 0 : i32
      %dma_start3A_42 = arith.constant 0 : i32
      %dma_start3A_43 = tpu.memref_slice %arg6[%dma_start3A_41, %dma_start3A_42] : memref<128x128xf32, #tpu.memory_space<vmem>> -> memref<120x128xf32, #tpu.memory_space<vmem>>
      tpu.enqueue_dma source(%dma_start3A_43 : memref<120x128xf32, #tpu.memory_space<vmem>>) target(%dma_start3A_40 : memref<120x128xf32, #tpu.memory_space<vmem_shared>>) target_semaphore(%run_scoped3A : memref<!tpu.dma_semaphore, #tpu.memory_space<semaphore_mem>>)
      %dma_wait3A = arith.constant 0 : i32
      %dma_wait3A_44 = arith.constant 0 : i32
      %dma_wait3A_45 = tpu.memref_slice %arg6[%dma_wait3A, %dma_wait3A_44] : memref<128x128xf32, #tpu.memory_space<vmem>> -> memref<120x128xf32, #tpu.memory_space<vmem>>
      %dma_wait3A_46 = arith.constant 0 : i32
      %dma_wait3A_47 = tpu.memref_slice %arg7[%add3A_18, %dma_wait3A_46] : memref<10112x128xf32, #tpu.memory_space<vmem_shared>> -> memref<120x128xf32, #tpu.memory_space<vmem_shared>>
      %dma_wait3A_48 = arith.constant 0 : i32
      %dma_wait3A_49 = tpu.memref_slice %arg7[%add3A_18, %dma_wait3A_48] : memref<10112x128xf32, #tpu.memory_space<vmem_shared>> -> memref<120x128xf32, #tpu.memory_space<vmem_shared>>
      %dma_wait3A_50 = arith.constant 0 : i32
      %dma_wait3A_51 = arith.constant 0 : i32
      %dma_wait3A_52 = tpu.memref_slice %arg6[%dma_wait3A_50, %dma_wait3A_51] : memref<128x128xf32, #tpu.memory_space<vmem>> -> memref<120x128xf32, #tpu.memory_space<vmem>>
      tpu.wait_dma2 semaphore(%run_scoped3A : memref<!tpu.dma_semaphore, #tpu.memory_space<semaphore_mem>>) src(%dma_wait3A_52 : memref<120x128xf32, #tpu.memory_space<vmem>>) dst(%dma_wait3A_49 : memref<120x128xf32, #tpu.memory_space<vmem_shared>>)
      tpu.yield
    }) : () -> ()
    %scan3A_19 = arith.constant 0 : i32
    %scan3A_20 = arith.constant 0 : i32
    %scan3A_21 = arith.constant 128 : i32
    %scan3A_22 = arith.addi %scan3A_20, %scan3A_21 : i32
    %scan3A_23 = arith.constant 1 : i32
    %scan3A_24 = scf.for %scan3A_35 = %scan3A_20 to %scan3A_22 step %scan3A_23 iter_args(%scan3A_36 = %scan3A_19) -> (i32)  : i32 {
      %scan3A_37 = arith.constant 0 : i32
      %scan3A_38 = arith.constant 0 : i32
      %scan3A_39 = arith.constant 8 : i32
      %scan3A_40 = arith.addi %scan3A_38, %scan3A_39 : i32
      %scan3A_41 = arith.constant 1 : i32
      %scan3A_42 = scf.for %scan3A_44 = %scan3A_38 to %scan3A_40 step %scan3A_41 iter_args(%scan3A_45 = %scan3A_37) -> (i32)  : i32 {
        %broadcast_in_dim3A = arith.constant 1.000000e+00 : f32
        %broadcast_in_dim3A_46 = vector.broadcast %broadcast_in_dim3A : f32 to vector<16xf32>
        %mul3A_47 = arith.constant 16 : i32
        %mul3A_48 = arith.muli %scan3A_44, %mul3A_47 : i32
        %swap3A = arith.index_cast %scan3A_35 : i32 to index
        %swap3A_49 = arith.index_cast %mul3A_48 : i32 to index
        %swap3A_50 = tpu.vector_load %arg6[%swap3A, %swap3A_49] {strides = array<i32>} : memref<128x128xf32, #tpu.memory_space<vmem>>, vector<1x16xf32>,
        %swap3A_51 = vector.shape_cast %swap3A_50 : vector<1x16xf32> to vector<16xf32>
        %swap3A_52 = vector.shape_cast %broadcast_in_dim3A_46 : vector<16xf32> to vector<1x16xf32>
        tpu.vector_store %arg6[%swap3A, %swap3A_49], %swap3A_52 {strides = array<i32>} : memref<128x128xf32, #tpu.memory_space<vmem>>, vector<1x16xf32>,
        %scan3A_53 = arith.constant 0 : i32
        scf.yield %scan3A_53 : i32
      }
      %scan3A_43 = arith.constant 8 : i32
      scf.yield %scan3A_42 : i32
    }
    %scan3A_25 = arith.constant 128 : i32
    %delay3A_26 = arith.constant 128 : i32
    tpu.delay %delay3A_26
    "tpu.region"() ({
      %run_scoped3A = tpu.sem_alloc : memref<!tpu.dma_semaphore, #tpu.memory_space<semaphore_mem>>
      %dma_start3A = arith.constant 0 : i32
      %dma_start3A_35 = arith.constant 0 : i32
      %dma_start3A_36 = tpu.memref_slice %arg2[%add3A, %dma_start3A, %dma_start3A_35] : memref<32x80x128xi32, #tpu.memory_space<hbm>> -> memref<1x80x128xi32, #tpu.memory_space<hbm>>
      %dma_start3A_37 = tpu.memref_squeeze %dma_start3A_36 : memref<1x80x128xi32, #tpu.memory_space<hbm>> -> memref<80x128xi32, #tpu.memory_space<hbm>>
      %dma_start3A_38 = arith.constant 0 : i32
      %dma_start3A_39 = arith.constant 0 : i32
      %dma_start3A_40 = tpu.memref_slice %arg2[%add3A, %dma_start3A_38, %dma_start3A_39] : memref<32x80x128xi32, #tpu.memory_space<hbm>> -> memref<1x80x128xi32, #tpu.memory_space<hbm>>
      %dma_start3A_41 = tpu.memref_squeeze %dma_start3A_40 : memref<1x80x128xi32, #tpu.memory_space<hbm>> -> memref<80x128xi32, #tpu.memory_space<hbm>>
      tpu.enqueue_dma source(%dma_start3A_41 : memref<80x128xi32, #tpu.memory_space<hbm>>) target(%arg4 : memref<80x128xi32, #tpu.memory_space<vmem>>) target_semaphore(%run_scoped3A : memref<!tpu.dma_semaphore, #tpu.memory_space<semaphore_mem>>)
      %dma_wait3A = arith.constant 0 : i32
      %dma_wait3A_42 = arith.constant 0 : i32
      %dma_wait3A_43 = tpu.memref_slice %arg2[%add3A, %dma_wait3A, %dma_wait3A_42] : memref<32x80x128xi32, #tpu.memory_space<hbm>> -> memref<1x80x128xi32, #tpu.memory_space<hbm>>
      %dma_wait3A_44 = tpu.memref_squeeze %dma_wait3A_43 : memref<1x80x128xi32, #tpu.memory_space<hbm>> -> memref<80x128xi32, #tpu.memory_space<hbm>>
      %dma_wait3A_45 = arith.constant 0 : i32
      %dma_wait3A_46 = arith.constant 0 : i32
      %dma_wait3A_47 = tpu.memref_slice %arg2[%add3A, %dma_wait3A_45, %dma_wait3A_46] : memref<32x80x128xi32, #tpu.memory_space<hbm>> -> memref<1x80x128xi32, #tpu.memory_space<hbm>>
      %dma_wait3A_48 = tpu.memref_squeeze %dma_wait3A_47 : memref<1x80x128xi32, #tpu.memory_space<hbm>> -> memref<80x128xi32, #tpu.memory_space<hbm>>
      tpu.wait_dma2 semaphore(%run_scoped3A : memref<!tpu.dma_semaphore, #tpu.memory_space<semaphore_mem>>) src(%dma_wait3A_48 : memref<80x128xi32, #tpu.memory_space<hbm>>) dst(%arg4 : memref<80x128xi32, #tpu.memory_space<vmem>>)
      tpu.yield
    }) : () -> ()
    %barrier3A = arith.constant 0 : index
    tpu.barrier barrier_id(%barrier3A)
    %scan3A_27 = arith.constant 0 : i32
    %scan3A_28 = arith.constant 0 : i32
    %scan3A_29 = arith.constant 80 : i32
    %scan3A_30 = arith.addi %scan3A_28, %scan3A_29 : i32
    %scan3A_31 = arith.constant 1 : i32
    %scan3A_32 = scf.for %scan3A_35 = %scan3A_28 to %scan3A_30 step %scan3A_31 iter_args(%scan3A_36 = %scan3A_27) -> (i32)  : i32 {
      %scan3A_37 = arith.constant 0 : i32
      %scan3A_38 = arith.constant 0 : i32
      %scan3A_39 = arith.constant 8 : i32
      %scan3A_40 = arith.addi %scan3A_38, %scan3A_39 : i32
      %scan3A_41 = arith.constant 1 : i32
      %scan3A_42 = scf.for %scan3A_46 = %scan3A_38 to %scan3A_40 step %scan3A_41 iter_args(%scan3A_47 = %scan3A_37) -> (i32)  : i32 {
        %mul3A_48 = arith.constant 16 : i32
        %mul3A_49 = arith.muli %scan3A_46, %mul3A_48 : i32
        %get3A = arith.index_cast %scan3A_35 : i32 to index
        %get3A_50 = arith.index_cast %mul3A_49 : i32 to index
        %get3A_51 = tpu.vector_load %arg4[%get3A, %get3A_50] {strides = array<i32>} : memref<80x128xi32, #tpu.memory_space<vmem>>, vector<1x16xi32>,
        %get3A_52 = vector.shape_cast %get3A_51 : vector<1x16xi32> to vector<16xi32>
        %shift_right_arithmetic3A = arith.constant 16 : i32
        %shift_right_arithmetic3A_53 = vector.broadcast %shift_right_arithmetic3A : i32 to vector<16xi32>
        %shift_right_arithmetic3A_54 = arith.shrsi %get3A_52, %shift_right_arithmetic3A_53 : vector<16xi32>
        %mul3A_55 = arith.constant 16 : i32
        %mul3A_56 = arith.muli %scan3A_46, %mul3A_55 : i32
        %swap3A = arith.index_cast %mul3A_56 : i32 to index
        %swap3A_57 = tpu.vector_load %arg5[%swap3A] {strides = array<i32>} : memref<128xi32, #tpu.memory_space<vmem>>, vector<16xi32>,
        %swap3A_58 = vector.shape_cast %swap3A_57 : vector<16xi32> to vector<16xi32>
        %swap3A_59 = vector.shape_cast %shift_right_arithmetic3A_54 : vector<16xi32> to vector<16xi32>
        tpu.vector_store %arg5[%swap3A], %swap3A_59 {strides = array<i32>} : memref<128xi32, #tpu.memory_space<vmem>>, vector<16xi32>,
        %scan3A_60 = arith.constant 0 : i32
        scf.yield %scan3A_60 : i32
      }
      %scan3A_43 = arith.constant 8 : i32
      %delay3A_44 = arith.constant 64 : i32
      tpu.delay %delay3A_44
      "tpu.region"() ({
        %run_scoped3A = tpu.sem_alloc : memref<!tpu.dma_semaphore, #tpu.memory_space<semaphore_mem>>
        %dma_start3A = arith.constant 0 : i32
        %dma_start3A_46 = arith.constant 0 : i32
        %dma_start3A_47 = tpu.memref_slice %arg7[%dma_start3A, %dma_start3A_46] : memref<10112x128xf32, #tpu.memory_space<vmem_shared>> -> memref<10112x128xf32, #tpu.memory_space<vmem_shared>>
        tpu.enqueue_indirect_dma source(%arg6 : memref<128x128xf32, #tpu.memory_space<vmem>>) target(%dma_start3A_47 : memref<10112x128xf32, #tpu.memory_space<vmem_shared>>) offsets(%arg5 : memref<128xi32, #tpu.memory_space<vmem>>) semaphore(%run_scoped3A : memref<!tpu.dma_semaphore, #tpu.memory_space<semaphore_mem>>) {add = true}
        %dma_wait3A = arith.constant 0 : i32
        %dma_wait3A_48 = arith.constant 0 : i32
        %dma_wait3A_49 = tpu.memref_slice %arg7[%dma_wait3A, %dma_wait3A_48] : memref<10112x128xf32, #tpu.memory_space<vmem_shared>> -> memref<10112x128xf32, #tpu.memory_space<vmem_shared>>
        tpu.wait_indirect_dma semaphore(%run_scoped3A : memref<!tpu.dma_semaphore, #tpu.memory_space<semaphore_mem>>) src(%arg6 : memref<128x128xf32, #tpu.memory_space<vmem>>) dst(%dma_wait3A_49 : memref<10112x128xf32, #tpu.memory_space<vmem_shared>>)
        tpu.yield
      }) : () -> ()
      %scan3A_45 = arith.constant 0 : i32
      scf.yield %scan3A_45 : i32
    }
    %scan3A_33 = arith.constant 80 : i32
    %barrier3A_34 = arith.constant 0 : index
    tpu.barrier barrier_id(%barrier3A_34)
    "tpu.region"() ({
      %run_scoped3A = tpu.sem_alloc : memref<!tpu.dma_semaphore, #tpu.memory_space<semaphore_mem>>
      %dma_start3A = arith.constant 0 : i32
      %dma_start3A_35 = tpu.memref_slice %arg3[%arg0, %mul3A_8, %dma_start3A] : memref<2x10112x128xf32, #tpu.memory_space<hbm>> -> memref<1x632x128xf32, #tpu.memory_space<hbm>>
      %dma_start3A_36 = tpu.memref_squeeze %dma_start3A_35 : memref<1x632x128xf32, #tpu.memory_space<hbm>> -> memref<632x128xf32, #tpu.memory_space<hbm>>
      %dma_start3A_37 = arith.constant 0 : i32
      %dma_start3A_38 = tpu.memref_slice %arg7[%mul3A_8, %dma_start3A_37] : memref<10112x128xf32, #tpu.memory_space<vmem_shared>> -> memref<632x128xf32, #tpu.memory_space<vmem_shared>>
      tpu.enqueue_dma source(%dma_start3A_38 : memref<632x128xf32, #tpu.memory_space<vmem_shared>>) target(%dma_start3A_36 : memref<632x128xf32, #tpu.memory_space<hbm>>) target_semaphore(%run_scoped3A : memref<!tpu.dma_semaphore, #tpu.memory_space<semaphore_mem>>)
      %dma_wait3A = arith.constant 0 : i32
      %dma_wait3A_39 = tpu.memref_slice %arg3[%arg0, %mul3A_8, %dma_wait3A] : memref<2x10112x128xf32, #tpu.memory_space<hbm>> -> memref<1x632x128xf32, #tpu.memory_space<hbm>>
      %dma_wait3A_40 = tpu.memref_squeeze %dma_wait3A_39 : memref<1x632x128xf32, #tpu.memory_space<hbm>> -> memref<632x128xf32, #tpu.memory_space<hbm>>
      %dma_wait3A_41 = arith.constant 0 : i32
      %dma_wait3A_42 = tpu.memref_slice %arg7[%mul3A_8, %dma_wait3A_41] : memref<10112x128xf32, #tpu.memory_space<vmem_shared>> -> memref<632x128xf32, #tpu.memory_space<vmem_shared>>
      tpu.wait_dma2 semaphore(%run_scoped3A : memref<!tpu.dma_semaphore, #tpu.memory_space<semaphore_mem>>) src(%dma_wait3A_42 : memref<632x128xf32, #tpu.memory_space<vmem_shared>>) dst(%dma_wait3A_40 : memref<632x128xf32, #tpu.memory_space<hbm>>)
      tpu.yield
    }) : () -> ()
    return
  }
}

#map = affine_map<(d0, d1) -> (0, 0)>
#map1 = affine_map<(d0, d1) -> (0, 0, 0)>
module attributes {stable_mosaic.version = 14 : i64} {
  func.func @_scat_sc(%arg0: i32, %arg1: i32, %arg2: memref<10000x128xf32, #tpu.memory_space<hbm>>, %arg3: memref<32x80x128xi32, #tpu.memory_space<hbm>>, %arg4: memref<2x10112x128xf32, #tpu.memory_space<hbm>>, %arg5: memref<80x128xi32, #tpu.memory_space<vmem>>, %arg6: memref<128xi32, #tpu.memory_space<vmem>>, %arg7: memref<128xi32, #tpu.memory_space<vmem>>, %arg8: memref<128xi32, #tpu.memory_space<vmem>>, %arg9: memref<128xi32, #tpu.memory_space<vmem>>, %arg10: memref<128x128xf32, #tpu.memory_space<vmem>>, %arg11: memref<128x128xf32, #tpu.memory_space<vmem>>, %arg12: memref<10112x128xf32, #tpu.memory_space<vmem_shared>>, %arg13: memref<!tpu.dma_semaphore, #tpu.memory_space<semaphore_mem>>, %arg14: memref<!tpu.dma_semaphore, #tpu.memory_space<semaphore_mem>>) attributes {dimension_semantics = [#tpu.dimension_semantics<core_parallel>, #tpu.dimension_semantics<subcore_parallel>], iteration_bounds = array<i64: 2, 16>, scalar_prefetch = 0 : i64, scratch_operands = 10 : i64, tpu.core_type = #tpu.core_type<sc_vector_subcore>, window_params = [{transform_indices = #map}, {transform_indices = #map1}, {transform_indices = #map1}]} {
    %mul3A = arith.constant 2 : i32
    %mul3A_0 = arith.muli %arg1, %mul3A : i32
    %add3A = arith.addi %mul3A_0, %arg0 : i32
    %scan3A = arith.constant 0 : i32
    %scan3A_1 = arith.constant 0 : i32
    %scan3A_2 = arith.constant 128 : i32
    %scan3A_3 = arith.addi %scan3A_1, %scan3A_2 : i32
    %scan3A_4 = arith.constant 1 : i32
    %scan3A_5 = scf.for %scan3A_52 = %scan3A_1 to %scan3A_3 step %scan3A_4 iter_args(%scan3A_53 = %scan3A) -> (i32)  : i32 {
      %scan3A_54 = arith.constant 0 : i32
      %scan3A_55 = arith.constant 0 : i32
      %scan3A_56 = arith.constant 8 : i32
      %scan3A_57 = arith.addi %scan3A_55, %scan3A_56 : i32
      %scan3A_58 = arith.constant 1 : i32
      %scan3A_59 = scf.for %scan3A_61 = %scan3A_55 to %scan3A_57 step %scan3A_58 iter_args(%scan3A_62 = %scan3A_54) -> (i32)  : i32 {
        %broadcast_in_dim3A = arith.constant 0.000000e+00 : f32
        %broadcast_in_dim3A_63 = vector.broadcast %broadcast_in_dim3A : f32 to vector<16xf32>
        %mul3A_64 = arith.constant 16 : i32
        %mul3A_65 = arith.muli %scan3A_61, %mul3A_64 : i32
        %swap3A = arith.index_cast %scan3A_52 : i32 to index
        %swap3A_66 = arith.index_cast %mul3A_65 : i32 to index
        %swap3A_67 = tpu.vector_load %arg10[%swap3A, %swap3A_66] {strides = array<i32>} : memref<128x128xf32, #tpu.memory_space<vmem>>, vector<1x16xf32>,
        %swap3A_68 = vector.shape_cast %swap3A_67 : vector<1x16xf32> to vector<16xf32>
        %swap3A_69 = vector.shape_cast %broadcast_in_dim3A_63 : vector<16xf32> to vector<1x16xf32>
        tpu.vector_store %arg10[%swap3A, %swap3A_66], %swap3A_69 {strides = array<i32>} : memref<128x128xf32, #tpu.memory_space<vmem>>, vector<1x16xf32>,
        %scan3A_70 = arith.constant 0 : i32
        scf.yield %scan3A_70 : i32
      }
      %scan3A_60 = arith.constant 8 : i32
      scf.yield %scan3A_59 : i32
    }
    %scan3A_6 = arith.constant 128 : i32
    %delay3A = arith.constant 128 : i32
    tpu.delay %delay3A
    %mul3A_7 = arith.constant 632 : i32
    %mul3A_8 = arith.muli %arg1, %mul3A_7 : i32
    %add3A_9 = arith.constant 0 : i32
    %add3A_10 = arith.addi %mul3A_8, %add3A_9 : i32
    "tpu.region"() ({
      %run_scoped3A = tpu.sem_alloc : memref<!tpu.dma_semaphore, #tpu.memory_space<semaphore_mem>>
      %dma_start3A_52 = arith.constant 0 : i32
      %dma_start3A_53 = arith.constant 0 : i32
      %dma_start3A_54 = tpu.memref_slice %arg10[%dma_start3A_52, %dma_start3A_53] : memref<128x128xf32, #tpu.memory_space<vmem>> -> memref<128x128xf32, #tpu.memory_space<vmem>>
      %dma_start3A_55 = arith.constant 0 : i32
      %dma_start3A_56 = tpu.memref_slice %arg12[%add3A_10, %dma_start3A_55] : memref<10112x128xf32, #tpu.memory_space<vmem_shared>> -> memref<128x128xf32, #tpu.memory_space<vmem_shared>>
      %dma_start3A_57 = arith.constant 0 : i32
      %dma_start3A_58 = tpu.memref_slice %arg12[%add3A_10, %dma_start3A_57] : memref<10112x128xf32, #tpu.memory_space<vmem_shared>> -> memref<128x128xf32, #tpu.memory_space<vmem_shared>>
      %dma_start3A_59 = arith.constant 0 : i32
      %dma_start3A_60 = arith.constant 0 : i32
      %dma_start3A_61 = tpu.memref_slice %arg10[%dma_start3A_59, %dma_start3A_60] : memref<128x128xf32, #tpu.memory_space<vmem>> -> memref<128x128xf32, #tpu.memory_space<vmem>>
      tpu.enqueue_dma source(%dma_start3A_61 : memref<128x128xf32, #tpu.memory_space<vmem>>) target(%dma_start3A_58 : memref<128x128xf32, #tpu.memory_space<vmem_shared>>) target_semaphore(%run_scoped3A : memref<!tpu.dma_semaphore, #tpu.memory_space<semaphore_mem>>)
      %dma_wait3A_62 = arith.constant 0 : i32
      %dma_wait3A_63 = arith.constant 0 : i32
      %dma_wait3A_64 = tpu.memref_slice %arg10[%dma_wait3A_62, %dma_wait3A_63] : memref<128x128xf32, #tpu.memory_space<vmem>> -> memref<128x128xf32, #tpu.memory_space<vmem>>
      %dma_wait3A_65 = arith.constant 0 : i32
      %dma_wait3A_66 = tpu.memref_slice %arg12[%add3A_10, %dma_wait3A_65] : memref<10112x128xf32, #tpu.memory_space<vmem_shared>> -> memref<128x128xf32, #tpu.memory_space<vmem_shared>>
      %dma_wait3A_67 = arith.constant 0 : i32
      %dma_wait3A_68 = tpu.memref_slice %arg12[%add3A_10, %dma_wait3A_67] : memref<10112x128xf32, #tpu.memory_space<vmem_shared>> -> memref<128x128xf32, #tpu.memory_space<vmem_shared>>
      %dma_wait3A_69 = arith.constant 0 : i32
      %dma_wait3A_70 = arith.constant 0 : i32
      %dma_wait3A_71 = tpu.memref_slice %arg10[%dma_wait3A_69, %dma_wait3A_70] : memref<128x128xf32, #tpu.memory_space<vmem>> -> memref<128x128xf32, #tpu.memory_space<vmem>>
      tpu.wait_dma2 semaphore(%run_scoped3A : memref<!tpu.dma_semaphore, #tpu.memory_space<semaphore_mem>>) src(%dma_wait3A_71 : memref<128x128xf32, #tpu.memory_space<vmem>>) dst(%dma_wait3A_68 : memref<128x128xf32, #tpu.memory_space<vmem_shared>>)
      tpu.yield
    }) : () -> ()
    %add3A_11 = arith.constant 128 : i32
    %add3A_12 = arith.addi %mul3A_8, %add3A_11 : i32
    "tpu.region"() ({
      %run_scoped3A = tpu.sem_alloc : memref<!tpu.dma_semaphore, #tpu.memory_space<semaphore_mem>>
      %dma_start3A_52 = arith.constant 0 : i32
      %dma_start3A_53 = arith.constant 0 : i32
      %dma_start3A_54 = tpu.memref_slice %arg10[%dma_start3A_52, %dma_start3A_53] : memref<128x128xf32, #tpu.memory_space<vmem>> -> memref<128x128xf32, #tpu.memory_space<vmem>>
      %dma_start3A_55 = arith.constant 0 : i32
      %dma_start3A_56 = tpu.memref_slice %arg12[%add3A_12, %dma_start3A_55] : memref<10112x128xf32, #tpu.memory_space<vmem_shared>> -> memref<128x128xf32, #tpu.memory_space<vmem_shared>>
      %dma_start3A_57 = arith.constant 0 : i32
      %dma_start3A_58 = tpu.memref_slice %arg12[%add3A_12, %dma_start3A_57] : memref<10112x128xf32, #tpu.memory_space<vmem_shared>> -> memref<128x128xf32, #tpu.memory_space<vmem_shared>>
      %dma_start3A_59 = arith.constant 0 : i32
      %dma_start3A_60 = arith.constant 0 : i32
      %dma_start3A_61 = tpu.memref_slice %arg10[%dma_start3A_59, %dma_start3A_60] : memref<128x128xf32, #tpu.memory_space<vmem>> -> memref<128x128xf32, #tpu.memory_space<vmem>>
      tpu.enqueue_dma source(%dma_start3A_61 : memref<128x128xf32, #tpu.memory_space<vmem>>) target(%dma_start3A_58 : memref<128x128xf32, #tpu.memory_space<vmem_shared>>) target_semaphore(%run_scoped3A : memref<!tpu.dma_semaphore, #tpu.memory_space<semaphore_mem>>)
      %dma_wait3A_62 = arith.constant 0 : i32
      %dma_wait3A_63 = arith.constant 0 : i32
      %dma_wait3A_64 = tpu.memref_slice %arg10[%dma_wait3A_62, %dma_wait3A_63] : memref<128x128xf32, #tpu.memory_space<vmem>> -> memref<128x128xf32, #tpu.memory_space<vmem>>
      %dma_wait3A_65 = arith.constant 0 : i32
      %dma_wait3A_66 = tpu.memref_slice %arg12[%add3A_12, %dma_wait3A_65] : memref<10112x128xf32, #tpu.memory_space<vmem_shared>> -> memref<128x128xf32, #tpu.memory_space<vmem_shared>>
      %dma_wait3A_67 = arith.constant 0 : i32
      %dma_wait3A_68 = tpu.memref_slice %arg12[%add3A_12, %dma_wait3A_67] : memref<10112x128xf32, #tpu.memory_space<vmem_shared>> -> memref<128x128xf32, #tpu.memory_space<vmem_shared>>
      %dma_wait3A_69 = arith.constant 0 : i32
      %dma_wait3A_70 = arith.constant 0 : i32
      %dma_wait3A_71 = tpu.memref_slice %arg10[%dma_wait3A_69, %dma_wait3A_70] : memref<128x128xf32, #tpu.memory_space<vmem>> -> memref<128x128xf32, #tpu.memory_space<vmem>>
      tpu.wait_dma2 semaphore(%run_scoped3A : memref<!tpu.dma_semaphore, #tpu.memory_space<semaphore_mem>>) src(%dma_wait3A_71 : memref<128x128xf32, #tpu.memory_space<vmem>>) dst(%dma_wait3A_68 : memref<128x128xf32, #tpu.memory_space<vmem_shared>>)
      tpu.yield
    }) : () -> ()
    %add3A_13 = arith.constant 256 : i32
    %add3A_14 = arith.addi %mul3A_8, %add3A_13 : i32
    "tpu.region"() ({
      %run_scoped3A = tpu.sem_alloc : memref<!tpu.dma_semaphore, #tpu.memory_space<semaphore_mem>>
      %dma_start3A_52 = arith.constant 0 : i32
      %dma_start3A_53 = arith.constant 0 : i32
      %dma_start3A_54 = tpu.memref_slice %arg10[%dma_start3A_52, %dma_start3A_53] : memref<128x128xf32, #tpu.memory_space<vmem>> -> memref<128x128xf32, #tpu.memory_space<vmem>>
      %dma_start3A_55 = arith.constant 0 : i32
      %dma_start3A_56 = tpu.memref_slice %arg12[%add3A_14, %dma_start3A_55] : memref<10112x128xf32, #tpu.memory_space<vmem_shared>> -> memref<128x128xf32, #tpu.memory_space<vmem_shared>>
      %dma_start3A_57 = arith.constant 0 : i32
      %dma_start3A_58 = tpu.memref_slice %arg12[%add3A_14, %dma_start3A_57] : memref<10112x128xf32, #tpu.memory_space<vmem_shared>> -> memref<128x128xf32, #tpu.memory_space<vmem_shared>>
      %dma_start3A_59 = arith.constant 0 : i32
      %dma_start3A_60 = arith.constant 0 : i32
      %dma_start3A_61 = tpu.memref_slice %arg10[%dma_start3A_59, %dma_start3A_60] : memref<128x128xf32, #tpu.memory_space<vmem>> -> memref<128x128xf32, #tpu.memory_space<vmem>>
      tpu.enqueue_dma source(%dma_start3A_61 : memref<128x128xf32, #tpu.memory_space<vmem>>) target(%dma_start3A_58 : memref<128x128xf32, #tpu.memory_space<vmem_shared>>) target_semaphore(%run_scoped3A : memref<!tpu.dma_semaphore, #tpu.memory_space<semaphore_mem>>)
      %dma_wait3A_62 = arith.constant 0 : i32
      %dma_wait3A_63 = arith.constant 0 : i32
      %dma_wait3A_64 = tpu.memref_slice %arg10[%dma_wait3A_62, %dma_wait3A_63] : memref<128x128xf32, #tpu.memory_space<vmem>> -> memref<128x128xf32, #tpu.memory_space<vmem>>
      %dma_wait3A_65 = arith.constant 0 : i32
      %dma_wait3A_66 = tpu.memref_slice %arg12[%add3A_14, %dma_wait3A_65] : memref<10112x128xf32, #tpu.memory_space<vmem_shared>> -> memref<128x128xf32, #tpu.memory_space<vmem_shared>>
      %dma_wait3A_67 = arith.constant 0 : i32
      %dma_wait3A_68 = tpu.memref_slice %arg12[%add3A_14, %dma_wait3A_67] : memref<10112x128xf32, #tpu.memory_space<vmem_shared>> -> memref<128x128xf32, #tpu.memory_space<vmem_shared>>
      %dma_wait3A_69 = arith.constant 0 : i32
      %dma_wait3A_70 = arith.constant 0 : i32
      %dma_wait3A_71 = tpu.memref_slice %arg10[%dma_wait3A_69, %dma_wait3A_70] : memref<128x128xf32, #tpu.memory_space<vmem>> -> memref<128x128xf32, #tpu.memory_space<vmem>>
      tpu.wait_dma2 semaphore(%run_scoped3A : memref<!tpu.dma_semaphore, #tpu.memory_space<semaphore_mem>>) src(%dma_wait3A_71 : memref<128x128xf32, #tpu.memory_space<vmem>>) dst(%dma_wait3A_68 : memref<128x128xf32, #tpu.memory_space<vmem_shared>>)
      tpu.yield
    }) : () -> ()
    %add3A_15 = arith.constant 384 : i32
    %add3A_16 = arith.addi %mul3A_8, %add3A_15 : i32
    "tpu.region"() ({
      %run_scoped3A = tpu.sem_alloc : memref<!tpu.dma_semaphore, #tpu.memory_space<semaphore_mem>>
      %dma_start3A_52 = arith.constant 0 : i32
      %dma_start3A_53 = arith.constant 0 : i32
      %dma_start3A_54 = tpu.memref_slice %arg10[%dma_start3A_52, %dma_start3A_53] : memref<128x128xf32, #tpu.memory_space<vmem>> -> memref<128x128xf32, #tpu.memory_space<vmem>>
      %dma_start3A_55 = arith.constant 0 : i32
      %dma_start3A_56 = tpu.memref_slice %arg12[%add3A_16, %dma_start3A_55] : memref<10112x128xf32, #tpu.memory_space<vmem_shared>> -> memref<128x128xf32, #tpu.memory_space<vmem_shared>>
      %dma_start3A_57 = arith.constant 0 : i32
      %dma_start3A_58 = tpu.memref_slice %arg12[%add3A_16, %dma_start3A_57] : memref<10112x128xf32, #tpu.memory_space<vmem_shared>> -> memref<128x128xf32, #tpu.memory_space<vmem_shared>>
      %dma_start3A_59 = arith.constant 0 : i32
      %dma_start3A_60 = arith.constant 0 : i32
      %dma_start3A_61 = tpu.memref_slice %arg10[%dma_start3A_59, %dma_start3A_60] : memref<128x128xf32, #tpu.memory_space<vmem>> -> memref<128x128xf32, #tpu.memory_space<vmem>>
      tpu.enqueue_dma source(%dma_start3A_61 : memref<128x128xf32, #tpu.memory_space<vmem>>) target(%dma_start3A_58 : memref<128x128xf32, #tpu.memory_space<vmem_shared>>) target_semaphore(%run_scoped3A : memref<!tpu.dma_semaphore, #tpu.memory_space<semaphore_mem>>)
      %dma_wait3A_62 = arith.constant 0 : i32
      %dma_wait3A_63 = arith.constant 0 : i32
      %dma_wait3A_64 = tpu.memref_slice %arg10[%dma_wait3A_62, %dma_wait3A_63] : memref<128x128xf32, #tpu.memory_space<vmem>> -> memref<128x128xf32, #tpu.memory_space<vmem>>
      %dma_wait3A_65 = arith.constant 0 : i32
      %dma_wait3A_66 = tpu.memref_slice %arg12[%add3A_16, %dma_wait3A_65] : memref<10112x128xf32, #tpu.memory_space<vmem_shared>> -> memref<128x128xf32, #tpu.memory_space<vmem_shared>>
      %dma_wait3A_67 = arith.constant 0 : i32
      %dma_wait3A_68 = tpu.memref_slice %arg12[%add3A_16, %dma_wait3A_67] : memref<10112x128xf32, #tpu.memory_space<vmem_shared>> -> memref<128x128xf32, #tpu.memory_space<vmem_shared>>
      %dma_wait3A_69 = arith.constant 0 : i32
      %dma_wait3A_70 = arith.constant 0 : i32
      %dma_wait3A_71 = tpu.memref_slice %arg10[%dma_wait3A_69, %dma_wait3A_70] : memref<128x128xf32, #tpu.memory_space<vmem>> -> memref<128x128xf32, #tpu.memory_space<vmem>>
      tpu.wait_dma2 semaphore(%run_scoped3A : memref<!tpu.dma_semaphore, #tpu.memory_space<semaphore_mem>>) src(%dma_wait3A_71 : memref<128x128xf32, #tpu.memory_space<vmem>>) dst(%dma_wait3A_68 : memref<128x128xf32, #tpu.memory_space<vmem_shared>>)
      tpu.yield
    }) : () -> ()
    %add3A_17 = arith.constant 512 : i32
    %add3A_18 = arith.addi %mul3A_8, %add3A_17 : i32
    "tpu.region"() ({
      %run_scoped3A = tpu.sem_alloc : memref<!tpu.dma_semaphore, #tpu.memory_space<semaphore_mem>>
      %dma_start3A_52 = arith.constant 0 : i32
      %dma_start3A_53 = arith.constant 0 : i32
      %dma_start3A_54 = tpu.memref_slice %arg10[%dma_start3A_52, %dma_start3A_53] : memref<128x128xf32, #tpu.memory_space<vmem>> -> memref<120x128xf32, #tpu.memory_space<vmem>>
      %dma_start3A_55 = arith.constant 0 : i32
      %dma_start3A_56 = tpu.memref_slice %arg12[%add3A_18, %dma_start3A_55] : memref<10112x128xf32, #tpu.memory_space<vmem_shared>> -> memref<120x128xf32, #tpu.memory_space<vmem_shared>>
      %dma_start3A_57 = arith.constant 0 : i32
      %dma_start3A_58 = tpu.memref_slice %arg12[%add3A_18, %dma_start3A_57] : memref<10112x128xf32, #tpu.memory_space<vmem_shared>> -> memref<120x128xf32, #tpu.memory_space<vmem_shared>>
      %dma_start3A_59 = arith.constant 0 : i32
      %dma_start3A_60 = arith.constant 0 : i32
      %dma_start3A_61 = tpu.memref_slice %arg10[%dma_start3A_59, %dma_start3A_60] : memref<128x128xf32, #tpu.memory_space<vmem>> -> memref<120x128xf32, #tpu.memory_space<vmem>>
      tpu.enqueue_dma source(%dma_start3A_61 : memref<120x128xf32, #tpu.memory_space<vmem>>) target(%dma_start3A_58 : memref<120x128xf32, #tpu.memory_space<vmem_shared>>) target_semaphore(%run_scoped3A : memref<!tpu.dma_semaphore, #tpu.memory_space<semaphore_mem>>)
      %dma_wait3A_62 = arith.constant 0 : i32
      %dma_wait3A_63 = arith.constant 0 : i32
      %dma_wait3A_64 = tpu.memref_slice %arg10[%dma_wait3A_62, %dma_wait3A_63] : memref<128x128xf32, #tpu.memory_space<vmem>> -> memref<120x128xf32, #tpu.memory_space<vmem>>
      %dma_wait3A_65 = arith.constant 0 : i32
      %dma_wait3A_66 = tpu.memref_slice %arg12[%add3A_18, %dma_wait3A_65] : memref<10112x128xf32, #tpu.memory_space<vmem_shared>> -> memref<120x128xf32, #tpu.memory_space<vmem_shared>>
      %dma_wait3A_67 = arith.constant 0 : i32
      %dma_wait3A_68 = tpu.memref_slice %arg12[%add3A_18, %dma_wait3A_67] : memref<10112x128xf32, #tpu.memory_space<vmem_shared>> -> memref<120x128xf32, #tpu.memory_space<vmem_shared>>
      %dma_wait3A_69 = arith.constant 0 : i32
      %dma_wait3A_70 = arith.constant 0 : i32
      %dma_wait3A_71 = tpu.memref_slice %arg10[%dma_wait3A_69, %dma_wait3A_70] : memref<128x128xf32, #tpu.memory_space<vmem>> -> memref<120x128xf32, #tpu.memory_space<vmem>>
      tpu.wait_dma2 semaphore(%run_scoped3A : memref<!tpu.dma_semaphore, #tpu.memory_space<semaphore_mem>>) src(%dma_wait3A_71 : memref<120x128xf32, #tpu.memory_space<vmem>>) dst(%dma_wait3A_68 : memref<120x128xf32, #tpu.memory_space<vmem_shared>>)
      tpu.yield
    }) : () -> ()
    "tpu.region"() ({
      %run_scoped3A = tpu.sem_alloc : memref<!tpu.dma_semaphore, #tpu.memory_space<semaphore_mem>>
      %dma_start3A_52 = arith.constant 0 : i32
      %dma_start3A_53 = arith.constant 0 : i32
      %dma_start3A_54 = tpu.memref_slice %arg3[%add3A, %dma_start3A_52, %dma_start3A_53] : memref<32x80x128xi32, #tpu.memory_space<hbm>> -> memref<1x80x128xi32, #tpu.memory_space<hbm>>
      %dma_start3A_55 = tpu.memref_squeeze %dma_start3A_54 : memref<1x80x128xi32, #tpu.memory_space<hbm>> -> memref<80x128xi32, #tpu.memory_space<hbm>>
      %dma_start3A_56 = arith.constant 0 : i32
      %dma_start3A_57 = arith.constant 0 : i32
      %dma_start3A_58 = tpu.memref_slice %arg3[%add3A, %dma_start3A_56, %dma_start3A_57] : memref<32x80x128xi32, #tpu.memory_space<hbm>> -> memref<1x80x128xi32, #tpu.memory_space<hbm>>
      %dma_start3A_59 = tpu.memref_squeeze %dma_start3A_58 : memref<1x80x128xi32, #tpu.memory_space<hbm>> -> memref<80x128xi32, #tpu.memory_space<hbm>>
      tpu.enqueue_dma source(%dma_start3A_59 : memref<80x128xi32, #tpu.memory_space<hbm>>) target(%arg5 : memref<80x128xi32, #tpu.memory_space<vmem>>) target_semaphore(%run_scoped3A : memref<!tpu.dma_semaphore, #tpu.memory_space<semaphore_mem>>)
      %dma_wait3A_60 = arith.constant 0 : i32
      %dma_wait3A_61 = arith.constant 0 : i32
      %dma_wait3A_62 = tpu.memref_slice %arg3[%add3A, %dma_wait3A_60, %dma_wait3A_61] : memref<32x80x128xi32, #tpu.memory_space<hbm>> -> memref<1x80x128xi32, #tpu.memory_space<hbm>>
      %dma_wait3A_63 = tpu.memref_squeeze %dma_wait3A_62 : memref<1x80x128xi32, #tpu.memory_space<hbm>> -> memref<80x128xi32, #tpu.memory_space<hbm>>
      %dma_wait3A_64 = arith.constant 0 : i32
      %dma_wait3A_65 = arith.constant 0 : i32
      %dma_wait3A_66 = tpu.memref_slice %arg3[%add3A, %dma_wait3A_64, %dma_wait3A_65] : memref<32x80x128xi32, #tpu.memory_space<hbm>> -> memref<1x80x128xi32, #tpu.memory_space<hbm>>
      %dma_wait3A_67 = tpu.memref_squeeze %dma_wait3A_66 : memref<1x80x128xi32, #tpu.memory_space<hbm>> -> memref<80x128xi32, #tpu.memory_space<hbm>>
      tpu.wait_dma2 semaphore(%run_scoped3A : memref<!tpu.dma_semaphore, #tpu.memory_space<semaphore_mem>>) src(%dma_wait3A_67 : memref<80x128xi32, #tpu.memory_space<hbm>>) dst(%arg5 : memref<80x128xi32, #tpu.memory_space<vmem>>)
      tpu.yield
    }) : () -> ()
    %barrier3A = arith.constant 0 : index
    tpu.barrier barrier_id(%barrier3A)
    %scan3A_19 = arith.constant 0 : i32
    %scan3A_20 = arith.constant 0 : i32
    %scan3A_21 = arith.constant 8 : i32
    %scan3A_22 = arith.addi %scan3A_20, %scan3A_21 : i32
    %scan3A_23 = arith.constant 1 : i32
    %scan3A_24 = scf.for %scan3A_52 = %scan3A_20 to %scan3A_22 step %scan3A_23 iter_args(%scan3A_53 = %scan3A_19) -> (i32)  : i32 {
      %mul3A_54 = arith.constant 16 : i32
      %mul3A_55 = arith.muli %scan3A_52, %mul3A_54 : i32
      %get3A = arith.constant 0 : i32
      %get3A_56 = arith.index_cast %get3A : i32 to index
      %get3A_57 = arith.index_cast %mul3A_55 : i32 to index
      %get3A_58 = tpu.vector_load %arg5[%get3A_56, %get3A_57] {strides = array<i32>} : memref<80x128xi32, #tpu.memory_space<vmem>>, vector<1x16xi32>,
      %get3A_59 = vector.shape_cast %get3A_58 : vector<1x16xi32> to vector<16xi32>
      %and3A = arith.constant 65535 : i32
      %and3A_60 = vector.broadcast %and3A : i32 to vector<16xi32>
      %and3A_61 = arith.andi %get3A_59, %and3A_60 : vector<16xi32>
      %mul3A_62 = arith.constant 16 : i32
      %mul3A_63 = arith.muli %scan3A_52, %mul3A_62 : i32
      %swap3A = arith.index_cast %mul3A_63 : i32 to index
      %swap3A_64 = tpu.vector_load %arg6[%swap3A] {strides = array<i32>} : memref<128xi32, #tpu.memory_space<vmem>>, vector<16xi32>,
      %swap3A_65 = vector.shape_cast %swap3A_64 : vector<16xi32> to vector<16xi32>
      %swap3A_66 = vector.shape_cast %and3A_61 : vector<16xi32> to vector<16xi32>
      tpu.vector_store %arg6[%swap3A], %swap3A_66 {strides = array<i32>} : memref<128xi32, #tpu.memory_space<vmem>>, vector<16xi32>,
      %shift_right_arithmetic3A = arith.constant 16 : i32
      %shift_right_arithmetic3A_67 = vector.broadcast %shift_right_arithmetic3A : i32 to vector<16xi32>
      %shift_right_arithmetic3A_68 = arith.shrsi %get3A_59, %shift_right_arithmetic3A_67 : vector<16xi32>
      %mul3A_69 = arith.constant 16 : i32
      %mul3A_70 = arith.muli %scan3A_52, %mul3A_69 : i32
      %swap3A_71 = arith.index_cast %mul3A_70 : i32 to index
      %swap3A_72 = tpu.vector_load %arg7[%swap3A_71] {strides = array<i32>} : memref<128xi32, #tpu.memory_space<vmem>>, vector<16xi32>,
      %swap3A_73 = vector.shape_cast %swap3A_72 : vector<16xi32> to vector<16xi32>
      %swap3A_74 = vector.shape_cast %shift_right_arithmetic3A_68 : vector<16xi32> to vector<16xi32>
      tpu.vector_store %arg7[%swap3A_71], %swap3A_74 {strides = array<i32>} : memref<128xi32, #tpu.memory_space<vmem>>, vector<16xi32>,
      %scan3A_75 = arith.constant 0 : i32
      scf.yield %scan3A_75 : i32
    }
    %scan3A_25 = arith.constant 8 : i32
    %scan3A_26 = arith.constant 0 : i32
    %scan3A_27 = arith.constant 0 : i32
    %scan3A_28 = arith.constant 8 : i32
    %scan3A_29 = arith.addi %scan3A_27, %scan3A_28 : i32
    %scan3A_30 = arith.constant 1 : i32
    %scan3A_31 = scf.for %scan3A_52 = %scan3A_27 to %scan3A_29 step %scan3A_30 iter_args(%scan3A_53 = %scan3A_26) -> (i32)  : i32 {
      %mul3A_54 = arith.constant 16 : i32
      %mul3A_55 = arith.muli %scan3A_52, %mul3A_54 : i32
      %get3A = arith.constant 1 : i32
      %get3A_56 = arith.index_cast %get3A : i32 to index
      %get3A_57 = arith.index_cast %mul3A_55 : i32 to index
      %get3A_58 = tpu.vector_load %arg5[%get3A_56, %get3A_57] {strides = array<i32>} : memref<80x128xi32, #tpu.memory_space<vmem>>, vector<1x16xi32>,
      %get3A_59 = vector.shape_cast %get3A_58 : vector<1x16xi32> to vector<16xi32>
      %and3A = arith.constant 65535 : i32
      %and3A_60 = vector.broadcast %and3A : i32 to vector<16xi32>
      %and3A_61 = arith.andi %get3A_59, %and3A_60 : vector<16xi32>
      %mul3A_62 = arith.constant 16 : i32
      %mul3A_63 = arith.muli %scan3A_52, %mul3A_62 : i32
      %swap3A = arith.index_cast %mul3A_63 : i32 to index
      %swap3A_64 = tpu.vector_load %arg8[%swap3A] {strides = array<i32>} : memref<128xi32, #tpu.memory_space<vmem>>, vector<16xi32>,
      %swap3A_65 = vector.shape_cast %swap3A_64 : vector<16xi32> to vector<16xi32>
      %swap3A_66 = vector.shape_cast %and3A_61 : vector<16xi32> to vector<16xi32>
      tpu.vector_store %arg8[%swap3A], %swap3A_66 {strides = array<i32>} : memref<128xi32, #tpu.memory_space<vmem>>, vector<16xi32>,
      %shift_right_arithmetic3A = arith.constant 16 : i32
      %shift_right_arithmetic3A_67 = vector.broadcast %shift_right_arithmetic3A : i32 to vector<16xi32>
      %shift_right_arithmetic3A_68 = arith.shrsi %get3A_59, %shift_right_arithmetic3A_67 : vector<16xi32>
      %mul3A_69 = arith.constant 16 : i32
      %mul3A_70 = arith.muli %scan3A_52, %mul3A_69 : i32
      %swap3A_71 = arith.index_cast %mul3A_70 : i32 to index
      %swap3A_72 = tpu.vector_load %arg9[%swap3A_71] {strides = array<i32>} : memref<128xi32, #tpu.memory_space<vmem>>, vector<16xi32>,
      %swap3A_73 = vector.shape_cast %swap3A_72 : vector<16xi32> to vector<16xi32>
      %swap3A_74 = vector.shape_cast %shift_right_arithmetic3A_68 : vector<16xi32> to vector<16xi32>
      tpu.vector_store %arg9[%swap3A_71], %swap3A_74 {strides = array<i32>} : memref<128xi32, #tpu.memory_space<vmem>>, vector<16xi32>,
      %scan3A_75 = arith.constant 0 : i32
      scf.yield %scan3A_75 : i32
    }
    %scan3A_32 = arith.constant 8 : i32
    %delay3A_33 = arith.constant 128 : i32
    tpu.delay %delay3A_33
    %dma_start3A = arith.constant 0 : i32
    %dma_start3A_34 = arith.constant 0 : i32
    %dma_start3A_35 = tpu.memref_slice %arg2[%dma_start3A, %dma_start3A_34] : memref<10000x128xf32, #tpu.memory_space<hbm>> -> memref<10000x128xf32, #tpu.memory_space<hbm>>
    tpu.enqueue_indirect_dma source(%dma_start3A_35 : memref<10000x128xf32, #tpu.memory_space<hbm>>) target(%arg10 : memref<128x128xf32, #tpu.memory_space<vmem>>) offsets(%arg6 : memref<128xi32, #tpu.memory_space<vmem>>) semaphore(%arg13 : memref<!tpu.dma_semaphore, #tpu.memory_space<semaphore_mem>>)
    %dma_start3A_36 = arith.constant 0 : i32
    %dma_start3A_37 = arith.constant 0 : i32
    %dma_start3A_38 = tpu.memref_slice %arg2[%dma_start3A_36, %dma_start3A_37] : memref<10000x128xf32, #tpu.memory_space<hbm>> -> memref<10000x128xf32, #tpu.memory_space<hbm>>
    tpu.enqueue_indirect_dma source(%dma_start3A_38 : memref<10000x128xf32, #tpu.memory_space<hbm>>) target(%arg11 : memref<128x128xf32, #tpu.memory_space<vmem>>) offsets(%arg8 : memref<128xi32, #tpu.memory_space<vmem>>) semaphore(%arg14 : memref<!tpu.dma_semaphore, #tpu.memory_space<semaphore_mem>>)
    %scan3A_39 = arith.constant 0 : i32
    %scan3A_40 = arith.constant 0 : i32
    %scan3A_41 = arith.constant 39 : i32
    %scan3A_42 = arith.addi %scan3A_40, %scan3A_41 : i32
    %scan3A_43 = arith.constant 1 : i32
    %scan3A_44 = scf.for %scan3A_52 = %scan3A_40 to %scan3A_42 step %scan3A_43 iter_args(%scan3A_53 = %scan3A_39) -> (i32)  : i32 {
      %mul3A_54 = arith.constant 2 : i32
      %mul3A_55 = arith.muli %scan3A_52, %mul3A_54 : i32
      %add3A_56 = arith.constant 0 : i32
      %add3A_57 = arith.addi %mul3A_55, %add3A_56 : i32
      %dma_wait3A_58 = arith.constant 0 : i32
      %dma_wait3A_59 = arith.constant 0 : i32
      %dma_wait3A_60 = tpu.memref_slice %arg2[%dma_wait3A_58, %dma_wait3A_59] : memref<10000x128xf32, #tpu.memory_space<hbm>> -> memref<10000x128xf32, #tpu.memory_space<hbm>>
      tpu.wait_indirect_dma semaphore(%arg13 : memref<!tpu.dma_semaphore, #tpu.memory_space<semaphore_mem>>) src(%dma_wait3A_60 : memref<10000x128xf32, #tpu.memory_space<hbm>>) dst(%arg10 : memref<128x128xf32, #tpu.memory_space<vmem>>)
      "tpu.region"() ({
        %run_scoped3A = tpu.sem_alloc : memref<!tpu.dma_semaphore, #tpu.memory_space<semaphore_mem>>
        %dma_start3A_93 = arith.constant 0 : i32
        %dma_start3A_94 = arith.constant 0 : i32
        %dma_start3A_95 = tpu.memref_slice %arg12[%dma_start3A_93, %dma_start3A_94] : memref<10112x128xf32, #tpu.memory_space<vmem_shared>> -> memref<10112x128xf32, #tpu.memory_space<vmem_shared>>
        tpu.enqueue_indirect_dma source(%arg10 : memref<128x128xf32, #tpu.memory_space<vmem>>) target(%dma_start3A_95 : memref<10112x128xf32, #tpu.memory_space<vmem_shared>>) offsets(%arg7 : memref<128xi32, #tpu.memory_space<vmem>>) semaphore(%run_scoped3A : memref<!tpu.dma_semaphore, #tpu.memory_space<semaphore_mem>>) {add = true}
        %dma_wait3A_96 = arith.constant 0 : i32
        %dma_wait3A_97 = arith.constant 0 : i32
        %dma_wait3A_98 = tpu.memref_slice %arg12[%dma_wait3A_96, %dma_wait3A_97] : memref<10112x128xf32, #tpu.memory_space<vmem_shared>> -> memref<10112x128xf32, #tpu.memory_space<vmem_shared>>
        tpu.wait_indirect_dma semaphore(%run_scoped3A : memref<!tpu.dma_semaphore, #tpu.memory_space<semaphore_mem>>) src(%arg10 : memref<128x128xf32, #tpu.memory_space<vmem>>) dst(%dma_wait3A_98 : memref<10112x128xf32, #tpu.memory_space<vmem_shared>>)
        tpu.yield
      }) : () -> ()
      %add3A_61 = arith.constant 2 : i32
      %add3A_62 = arith.addi %add3A_57, %add3A_61 : i32
      %scan3A_63 = arith.constant 0 : i32
      %scan3A_64 = arith.constant 0 : i32
      %scan3A_65 = arith.constant 8 : i32
      %scan3A_66 = arith.addi %scan3A_64, %scan3A_65 : i32
      %scan3A_67 = arith.constant 1 : i32
      %scan3A_68 = scf.for %scan3A_93 = %scan3A_64 to %scan3A_66 step %scan3A_67 iter_args(%scan3A_94 = %scan3A_63) -> (i32)  : i32 {
        %mul3A_95 = arith.constant 16 : i32
        %mul3A_96 = arith.muli %scan3A_93, %mul3A_95 : i32
        %get3A = arith.index_cast %add3A_62 : i32 to index
        %get3A_97 = arith.index_cast %mul3A_96 : i32 to index
        %get3A_98 = tpu.vector_load %arg5[%get3A, %get3A_97] {strides = array<i32>} : memref<80x128xi32, #tpu.memory_space<vmem>>, vector<1x16xi32>,
        %get3A_99 = vector.shape_cast %get3A_98 : vector<1x16xi32> to vector<16xi32>
        %and3A = arith.constant 65535 : i32
        %and3A_100 = vector.broadcast %and3A : i32 to vector<16xi32>
        %and3A_101 = arith.andi %get3A_99, %and3A_100 : vector<16xi32>
        %mul3A_102 = arith.constant 16 : i32
        %mul3A_103 = arith.muli %scan3A_93, %mul3A_102 : i32
        %swap3A = arith.index_cast %mul3A_103 : i32 to index
        %swap3A_104 = tpu.vector_load %arg6[%swap3A] {strides = array<i32>} : memref<128xi32, #tpu.memory_space<vmem>>, vector<16xi32>,
        %swap3A_105 = vector.shape_cast %swap3A_104 : vector<16xi32> to vector<16xi32>
        %swap3A_106 = vector.shape_cast %and3A_101 : vector<16xi32> to vector<16xi32>
        tpu.vector_store %arg6[%swap3A], %swap3A_106 {strides = array<i32>} : memref<128xi32, #tpu.memory_space<vmem>>, vector<16xi32>,
        %shift_right_arithmetic3A = arith.constant 16 : i32
        %shift_right_arithmetic3A_107 = vector.broadcast %shift_right_arithmetic3A : i32 to vector<16xi32>
        %shift_right_arithmetic3A_108 = arith.shrsi %get3A_99, %shift_right_arithmetic3A_107 : vector<16xi32>
        %mul3A_109 = arith.constant 16 : i32
        %mul3A_110 = arith.muli %scan3A_93, %mul3A_109 : i32
        %swap3A_111 = arith.index_cast %mul3A_110 : i32 to index
        %swap3A_112 = tpu.vector_load %arg7[%swap3A_111] {strides = array<i32>} : memref<128xi32, #tpu.memory_space<vmem>>, vector<16xi32>,
        %swap3A_113 = vector.shape_cast %swap3A_112 : vector<16xi32> to vector<16xi32>
        %swap3A_114 = vector.shape_cast %shift_right_arithmetic3A_108 : vector<16xi32> to vector<16xi32>
        tpu.vector_store %arg7[%swap3A_111], %swap3A_114 {strides = array<i32>} : memref<128xi32, #tpu.memory_space<vmem>>, vector<16xi32>,
        %scan3A_115 = arith.constant 0 : i32
        scf.yield %scan3A_115 : i32
      }
      %scan3A_69 = arith.constant 8 : i32
      %delay3A_70 = arith.constant 64 : i32
      tpu.delay %delay3A_70
      %dma_start3A_71 = arith.constant 0 : i32
      %dma_start3A_72 = arith.constant 0 : i32
      %dma_start3A_73 = tpu.memref_slice %arg2[%dma_start3A_71, %dma_start3A_72] : memref<10000x128xf32, #tpu.memory_space<hbm>> -> memref<10000x128xf32, #tpu.memory_space<hbm>>
      tpu.enqueue_indirect_dma source(%dma_start3A_73 : memref<10000x128xf32, #tpu.memory_space<hbm>>) target(%arg10 : memref<128x128xf32, #tpu.memory_space<vmem>>) offsets(%arg6 : memref<128xi32, #tpu.memory_space<vmem>>) semaphore(%arg13 : memref<!tpu.dma_semaphore, #tpu.memory_space<semaphore_mem>>)
      %add3A_74 = arith.constant 1 : i32
      %add3A_75 = arith.addi %mul3A_55, %add3A_74 : i32
      %dma_wait3A_76 = arith.constant 0 : i32
      %dma_wait3A_77 = arith.constant 0 : i32
      %dma_wait3A_78 = tpu.memref_slice %arg2[%dma_wait3A_76, %dma_wait3A_77] : memref<10000x128xf32, #tpu.memory_space<hbm>> -> memref<10000x128xf32, #tpu.memory_space<hbm>>
      tpu.wait_indirect_dma semaphore(%arg14 : memref<!tpu.dma_semaphore, #tpu.memory_space<semaphore_mem>>) src(%dma_wait3A_78 : memref<10000x128xf32, #tpu.memory_space<hbm>>) dst(%arg11 : memref<128x128xf32, #tpu.memory_space<vmem>>)
      "tpu.region"() ({
        %run_scoped3A = tpu.sem_alloc : memref<!tpu.dma_semaphore, #tpu.memory_space<semaphore_mem>>
        %dma_start3A_93 = arith.constant 0 : i32
        %dma_start3A_94 = arith.constant 0 : i32
        %dma_start3A_95 = tpu.memref_slice %arg12[%dma_start3A_93, %dma_start3A_94] : memref<10112x128xf32, #tpu.memory_space<vmem_shared>> -> memref<10112x128xf32, #tpu.memory_space<vmem_shared>>
        tpu.enqueue_indirect_dma source(%arg11 : memref<128x128xf32, #tpu.memory_space<vmem>>) target(%dma_start3A_95 : memref<10112x128xf32, #tpu.memory_space<vmem_shared>>) offsets(%arg9 : memref<128xi32, #tpu.memory_space<vmem>>) semaphore(%run_scoped3A : memref<!tpu.dma_semaphore, #tpu.memory_space<semaphore_mem>>) {add = true}
        %dma_wait3A_96 = arith.constant 0 : i32
        %dma_wait3A_97 = arith.constant 0 : i32
        %dma_wait3A_98 = tpu.memref_slice %arg12[%dma_wait3A_96, %dma_wait3A_97] : memref<10112x128xf32, #tpu.memory_space<vmem_shared>> -> memref<10112x128xf32, #tpu.memory_space<vmem_shared>>
        tpu.wait_indirect_dma semaphore(%run_scoped3A : memref<!tpu.dma_semaphore, #tpu.memory_space<semaphore_mem>>) src(%arg11 : memref<128x128xf32, #tpu.memory_space<vmem>>) dst(%dma_wait3A_98 : memref<10112x128xf32, #tpu.memory_space<vmem_shared>>)
        tpu.yield
      }) : () -> ()
      %add3A_79 = arith.constant 2 : i32
      %add3A_80 = arith.addi %add3A_75, %add3A_79 : i32
      %scan3A_81 = arith.constant 0 : i32
      %scan3A_82 = arith.constant 0 : i32
      %scan3A_83 = arith.constant 8 : i32
      %scan3A_84 = arith.addi %scan3A_82, %scan3A_83 : i32
      %scan3A_85 = arith.constant 1 : i32
      %scan3A_86 = scf.for %scan3A_93 = %scan3A_82 to %scan3A_84 step %scan3A_85 iter_args(%scan3A_94 = %scan3A_81) -> (i32)  : i32 {
        %mul3A_95 = arith.constant 16 : i32
        %mul3A_96 = arith.muli %scan3A_93, %mul3A_95 : i32
        %get3A = arith.index_cast %add3A_80 : i32 to index
        %get3A_97 = arith.index_cast %mul3A_96 : i32 to index
        %get3A_98 = tpu.vector_load %arg5[%get3A, %get3A_97] {strides = array<i32>} : memref<80x128xi32, #tpu.memory_space<vmem>>, vector<1x16xi32>,
        %get3A_99 = vector.shape_cast %get3A_98 : vector<1x16xi32> to vector<16xi32>
        %and3A = arith.constant 65535 : i32
        %and3A_100 = vector.broadcast %and3A : i32 to vector<16xi32>
        %and3A_101 = arith.andi %get3A_99, %and3A_100 : vector<16xi32>
        %mul3A_102 = arith.constant 16 : i32
        %mul3A_103 = arith.muli %scan3A_93, %mul3A_102 : i32
        %swap3A = arith.index_cast %mul3A_103 : i32 to index
        %swap3A_104 = tpu.vector_load %arg8[%swap3A] {strides = array<i32>} : memref<128xi32, #tpu.memory_space<vmem>>, vector<16xi32>,
        %swap3A_105 = vector.shape_cast %swap3A_104 : vector<16xi32> to vector<16xi32>
        %swap3A_106 = vector.shape_cast %and3A_101 : vector<16xi32> to vector<16xi32>
        tpu.vector_store %arg8[%swap3A], %swap3A_106 {strides = array<i32>} : memref<128xi32, #tpu.memory_space<vmem>>, vector<16xi32>,
        %shift_right_arithmetic3A = arith.constant 16 : i32
        %shift_right_arithmetic3A_107 = vector.broadcast %shift_right_arithmetic3A : i32 to vector<16xi32>
        %shift_right_arithmetic3A_108 = arith.shrsi %get3A_99, %shift_right_arithmetic3A_107 : vector<16xi32>
        %mul3A_109 = arith.constant 16 : i32
        %mul3A_110 = arith.muli %scan3A_93, %mul3A_109 : i32
        %swap3A_111 = arith.index_cast %mul3A_110 : i32 to index
        %swap3A_112 = tpu.vector_load %arg9[%swap3A_111] {strides = array<i32>} : memref<128xi32, #tpu.memory_space<vmem>>, vector<16xi32>,
        %swap3A_113 = vector.shape_cast %swap3A_112 : vector<16xi32> to vector<16xi32>
        %swap3A_114 = vector.shape_cast %shift_right_arithmetic3A_108 : vector<16xi32> to vector<16xi32>
        tpu.vector_store %arg9[%swap3A_111], %swap3A_114 {strides = array<i32>} : memref<128xi32, #tpu.memory_space<vmem>>, vector<16xi32>,
        %scan3A_115 = arith.constant 0 : i32
        scf.yield %scan3A_115 : i32
      }
      %scan3A_87 = arith.constant 8 : i32
      %delay3A_88 = arith.constant 64 : i32
      tpu.delay %delay3A_88
      %dma_start3A_89 = arith.constant 0 : i32
      %dma_start3A_90 = arith.constant 0 : i32
      %dma_start3A_91 = tpu.memref_slice %arg2[%dma_start3A_89, %dma_start3A_90] : memref<10000x128xf32, #tpu.memory_space<hbm>> -> memref<10000x128xf32, #tpu.memory_space<hbm>>
      tpu.enqueue_indirect_dma source(%dma_start3A_91 : memref<10000x128xf32, #tpu.memory_space<hbm>>) target(%arg11 : memref<128x128xf32, #tpu.memory_space<vmem>>) offsets(%arg8 : memref<128xi32, #tpu.memory_space<vmem>>) semaphore(%arg14 : memref<!tpu.dma_semaphore, #tpu.memory_space<semaphore_mem>>)
      %scan3A_92 = arith.constant 0 : i32
      scf.yield %scan3A_92 : i32
    }
    %scan3A_45 = arith.constant 39 : i32
    %dma_wait3A = arith.constant 0 : i32
    %dma_wait3A_46 = arith.constant 0 : i32
    %dma_wait3A_47 = tpu.memref_slice %arg2[%dma_wait3A, %dma_wait3A_46] : memref<10000x128xf32, #tpu.memory_space<hbm>> -> memref<10000x128xf32, #tpu.memory_space<hbm>>
    tpu.wait_indirect_dma semaphore(%arg13 : memref<!tpu.dma_semaphore, #tpu.memory_space<semaphore_mem>>) src(%dma_wait3A_47 : memref<10000x128xf32, #tpu.memory_space<hbm>>) dst(%arg10 : memref<128x128xf32, #tpu.memory_space<vmem>>)
    "tpu.region"() ({
      %run_scoped3A = tpu.sem_alloc : memref<!tpu.dma_semaphore, #tpu.memory_space<semaphore_mem>>
      %dma_start3A_52 = arith.constant 0 : i32
      %dma_start3A_53 = arith.constant 0 : i32
      %dma_start3A_54 = tpu.memref_slice %arg12[%dma_start3A_52, %dma_start3A_53] : memref<10112x128xf32, #tpu.memory_space<vmem_shared>> -> memref<10112x128xf32, #tpu.memory_space<vmem_shared>>
      tpu.enqueue_indirect_dma source(%arg10 : memref<128x128xf32, #tpu.memory_space<vmem>>) target(%dma_start3A_54 : memref<10112x128xf32, #tpu.memory_space<vmem_shared>>) offsets(%arg7 : memref<128xi32, #tpu.memory_space<vmem>>) semaphore(%run_scoped3A : memref<!tpu.dma_semaphore, #tpu.memory_space<semaphore_mem>>) {add = true}
      %dma_wait3A_55 = arith.constant 0 : i32
      %dma_wait3A_56 = arith.constant 0 : i32
      %dma_wait3A_57 = tpu.memref_slice %arg12[%dma_wait3A_55, %dma_wait3A_56] : memref<10112x128xf32, #tpu.memory_space<vmem_shared>> -> memref<10112x128xf32, #tpu.memory_space<vmem_shared>>
      tpu.wait_indirect_dma semaphore(%run_scoped3A : memref<!tpu.dma_semaphore, #tpu.memory_space<semaphore_mem>>) src(%arg10 : memref<128x128xf32, #tpu.memory_space<vmem>>) dst(%dma_wait3A_57 : memref<10112x128xf32, #tpu.memory_space<vmem_shared>>)
      tpu.yield
    }) : () -> ()
    %dma_wait3A_48 = arith.constant 0 : i32
    %dma_wait3A_49 = arith.constant 0 : i32
    %dma_wait3A_50 = tpu.memref_slice %arg2[%dma_wait3A_48, %dma_wait3A_49] : memref<10000x128xf32, #tpu.memory_space<hbm>> -> memref<10000x128xf32, #tpu.memory_space<hbm>>
    tpu.wait_indirect_dma semaphore(%arg14 : memref<!tpu.dma_semaphore, #tpu.memory_space<semaphore_mem>>) src(%dma_wait3A_50 : memref<10000x128xf32, #tpu.memory_space<hbm>>) dst(%arg11 : memref<128x128xf32, #tpu.memory_space<vmem>>)
    "tpu.region"() ({
      %run_scoped3A = tpu.sem_alloc : memref<!tpu.dma_semaphore, #tpu.memory_space<semaphore_mem>>
      %dma_start3A_52 = arith.constant 0 : i32
      %dma_start3A_53 = arith.constant 0 : i32
      %dma_start3A_54 = tpu.memref_slice %arg12[%dma_start3A_52, %dma_start3A_53] : memref<10112x128xf32, #tpu.memory_space<vmem_shared>> -> memref<10112x128xf32, #tpu.memory_space<vmem_shared>>
      tpu.enqueue_indirect_dma source(%arg11 : memref<128x128xf32, #tpu.memory_space<vmem>>) target(%dma_start3A_54 : memref<10112x128xf32, #tpu.memory_space<vmem_shared>>) offsets(%arg9 : memref<128xi32, #tpu.memory_space<vmem>>) semaphore(%run_scoped3A : memref<!tpu.dma_semaphore, #tpu.memory_space<semaphore_mem>>) {add = true}
      %dma_wait3A_55 = arith.constant 0 : i32
      %dma_wait3A_56 = arith.constant 0 : i32
      %dma_wait3A_57 = tpu.memref_slice %arg12[%dma_wait3A_55, %dma_wait3A_56] : memref<10112x128xf32, #tpu.memory_space<vmem_shared>> -> memref<10112x128xf32, #tpu.memory_space<vmem_shared>>
      tpu.wait_indirect_dma semaphore(%run_scoped3A : memref<!tpu.dma_semaphore, #tpu.memory_space<semaphore_mem>>) src(%arg11 : memref<128x128xf32, #tpu.memory_space<vmem>>) dst(%dma_wait3A_57 : memref<10112x128xf32, #tpu.memory_space<vmem_shared>>)
      tpu.yield
    }) : () -> ()
    %barrier3A_51 = arith.constant 0 : index
    tpu.barrier barrier_id(%barrier3A_51)
    "tpu.region"() ({
      %run_scoped3A = tpu.sem_alloc : memref<!tpu.dma_semaphore, #tpu.memory_space<semaphore_mem>>
      %dma_start3A_52 = arith.constant 0 : i32
      %dma_start3A_53 = tpu.memref_slice %arg4[%arg0, %mul3A_8, %dma_start3A_52] : memref<2x10112x128xf32, #tpu.memory_space<hbm>> -> memref<1x632x128xf32, #tpu.memory_space<hbm>>
      %dma_start3A_54 = tpu.memref_squeeze %dma_start3A_53 : memref<1x632x128xf32, #tpu.memory_space<hbm>> -> memref<632x128xf32, #tpu.memory_space<hbm>>
      %dma_start3A_55 = arith.constant 0 : i32
      %dma_start3A_56 = tpu.memref_slice %arg12[%mul3A_8, %dma_start3A_55] : memref<10112x128xf32, #tpu.memory_space<vmem_shared>> -> memref<632x128xf32, #tpu.memory_space<vmem_shared>>
      tpu.enqueue_dma source(%dma_start3A_56 : memref<632x128xf32, #tpu.memory_space<vmem_shared>>) target(%dma_start3A_54 : memref<632x128xf32, #tpu.memory_space<hbm>>) target_semaphore(%run_scoped3A : memref<!tpu.dma_semaphore, #tpu.memory_space<semaphore_mem>>)
      %dma_wait3A_57 = arith.constant 0 : i32
      %dma_wait3A_58 = tpu.memref_slice %arg4[%arg0, %mul3A_8, %dma_wait3A_57] : memref<2x10112x128xf32, #tpu.memory_space<hbm>> -> memref<1x632x128xf32, #tpu.memory_space<hbm>>
      %dma_wait3A_59 = tpu.memref_squeeze %dma_wait3A_58 : memref<1x632x128xf32, #tpu.memory_space<hbm>> -> memref<632x128xf32, #tpu.memory_space<hbm>>
      %dma_wait3A_60 = arith.constant 0 : i32
      %dma_wait3A_61 = tpu.memref_slice %arg12[%mul3A_8, %dma_wait3A_60] : memref<10112x128xf32, #tpu.memory_space<vmem_shared>> -> memref<632x128xf32, #tpu.memory_space<vmem_shared>>
      tpu.wait_dma2 semaphore(%run_scoped3A : memref<!tpu.dma_semaphore, #tpu.memory_space<semaphore_mem>>) src(%dma_wait3A_61 : memref<632x128xf32, #tpu.memory_space<vmem_shared>>) dst(%dma_wait3A_59 : memref<632x128xf32, #tpu.memory_space<hbm>>)
      tpu.yield
    }) : () -> ()
    return
  }
}

module attributes {stable_mosaic.version = 14 : i64} {
  func.func @_tc1_body(%arg0: i32, %arg1: memref<400x128xf32, #tpu.memory_space<vmem>>, %arg2: memref<400x128xf32, #tpu.memory_space<vmem>>, %arg3: memref<400x128xf32, #tpu.memory_space<vmem>>, %arg4: memref<128x128xf32, #tpu.memory_space<vmem>>, %arg5: memref<1x128xf32, #tpu.memory_space<vmem>>, %arg6: memref<400x128xf32, #tpu.memory_space<vmem>>, %arg7: memref<400x128xf32, #tpu.memory_space<vmem>>) attributes {dimension_semantics = [#tpu.dimension_semantics<arbitrary>], iteration_bounds = array<i64: 25>, scalar_prefetch = 0 : i64, scratch_operands = 0 : i64, tpu.core_type = #tpu.core_type<tc>, window_params = [{transform_indices = @transform_0, window_bounds = array<i64: 400, 128>}, {transform_indices = @transform_1, window_bounds = array<i64: 400, 128>}, {transform_indices = @transform_2, window_bounds = array<i64: 400, 128>}, {pipeline_mode = #tpu.pipeline_mode<synchronous>, transform_indices = @transform_3, window_bounds = array<i64: 128, 128>}, {pipeline_mode = #tpu.pipeline_mode<synchronous>, transform_indices = @transform_4, window_bounds = array<i64: 1, 128>}, {transform_indices = @transform_5, window_bounds = array<i64: 400, 128>}, {transform_indices = @transform_6, window_bounds = array<i64: 400, 128>}]} {
    %get3A = arith.constant 0 : index
    %get3A_0 = arith.constant 0 : index
    %get3A_1 = vector.load %arg2[%get3A, %get3A_0] : memref<400x128xf32, #tpu.memory_space<vmem>>, vector<400x128xf32>
    %reduce_max3A = arith.constant dense<0xFF800000> : vector<400xf32>
    %reduce_max3A_2 = vector.multi_reduction <maximumf>, %get3A_1, %reduce_max3A [1] : vector<400x128xf32> to vector<400xf32>
    %broadcast_in_dim3A = vector.shape_cast %reduce_max3A_2 : vector<400xf32> to vector<400x1xf32>
    %get3A_3 = arith.constant 0 : index
    %get3A_4 = arith.constant 0 : index
    %get3A_5 = vector.load %arg3[%get3A_3, %get3A_4] : memref<400x128xf32, #tpu.memory_space<vmem>>, vector<400x128xf32>
    %reduce_max3A_6 = arith.constant dense<0xFF800000> : vector<400xf32>
    %reduce_max3A_7 = vector.multi_reduction <maximumf>, %get3A_5, %reduce_max3A_6 [1] : vector<400x128xf32> to vector<400xf32>
    %broadcast_in_dim3A_8 = vector.shape_cast %reduce_max3A_7 : vector<400xf32> to vector<400x1xf32>
    %add3A = arith.addf %broadcast_in_dim3A, %broadcast_in_dim3A_8 : vector<400x1xf32>
    %add3A_9 = arith.constant 1.000000e+00 : f32
    %add3A_10 = vector.broadcast %add3A_9 : f32 to vector<400x1xf32>
    %add3A_11 = arith.addf %add3A, %add3A_10 : vector<400x1xf32>
    %sqrt3A = math.sqrt %add3A_11 : vector<400x1xf32>
    %div3A = arith.constant 1.000000e+00 : f32
    %div3A_12 = vector.broadcast %div3A : f32 to vector<400x1xf32>
    %div3A_13 = arith.divf %div3A_12, %sqrt3A : vector<400x1xf32>
    %broadcast_in_dim3A_14 = vector.shape_cast %div3A_13 : vector<400x1xf32> to vector<400x1xf32>
    %broadcast_in_dim3A_15 = vector.broadcast %broadcast_in_dim3A_14 : vector<400x1xf32> to vector<400x128xf32>
    %swap3A = arith.constant 0 : index
    %swap3A_16 = arith.constant 0 : index
    %swap3A_17 = vector.load %arg7[%swap3A, %swap3A_16] : memref<400x128xf32, #tpu.memory_space<vmem>>, vector<400x128xf32>
    tpu.vector_store %arg7[%swap3A, %swap3A_16], %broadcast_in_dim3A_15 {strides = array<i32>} : memref<400x128xf32, #tpu.memory_space<vmem>>, vector<400x128xf32>,
    %get3A_18 = arith.constant 0 : index
    %get3A_19 = arith.constant 0 : index
    %get3A_20 = vector.load %arg1[%get3A_18, %get3A_19] : memref<400x128xf32, #tpu.memory_space<vmem>>, vector<400x128xf32>
    %get3A_21 = arith.constant 0 : index
    %get3A_22 = arith.constant 0 : index
    %get3A_23 = vector.load %arg4[%get3A_21, %get3A_22] : memref<128x128xf32, #tpu.memory_space<vmem>>, vector<128x128xf32>
    %dot_general3A = arith.constant dense<0.000000e+00> : vector<400x128xf32>
    %dot_general3A_24 = tpu.matmul %get3A_20, %get3A_23, %dot_general3A {dimension_numbers = #tpu.dot_dimension_numbers<[1], [0], [0], [1], [0, 0, 1, 1], [], []>, transpose_lhs_hint = false} : vector<400x128xf32>, vector<128x128xf32>, vector<400x128xf32> -> vector<400x128xf32>
    %get3A_25 = arith.constant 0 : index
    %get3A_26 = arith.constant 0 : index
    %get3A_27 = vector.load %arg5[%get3A_25, %get3A_26] : memref<1x128xf32, #tpu.memory_space<vmem>>, vector<1x128xf32>
    %add3A_28 = vector.broadcast %get3A_27 : vector<1x128xf32> to vector<400x128xf32>
    %add3A_29 = arith.addf %dot_general3A_24, %add3A_28 : vector<400x128xf32>
    %mul3A = vector.broadcast %div3A_13 : vector<400x1xf32> to vector<400x128xf32>
    %mul3A_30 = arith.mulf %add3A_29, %mul3A : vector<400x128xf32>
    %swap3A_31 = arith.constant 0 : index
    %swap3A_32 = arith.constant 0 : index
    %swap3A_33 = vector.load %arg6[%swap3A_31, %swap3A_32] : memref<400x128xf32, #tpu.memory_space<vmem>>, vector<400x128xf32>
    tpu.vector_store %arg6[%swap3A_31, %swap3A_32], %mul3A_30 {strides = array<i32>} : memref<400x128xf32, #tpu.memory_space<vmem>>, vector<400x128xf32>,
    return
  }
  func.func @transform_0(%arg0: i32) -> (i32, i32) {
    %c0_i32 = arith.constant 0 : i32
    %c0_i32_0 = arith.constant 0 : i32
    return %arg0, %c0_i32 : i32, i32
  }
  func.func @transform_1(%arg0: i32) -> (i32, i32) {
    %c0_i32 = arith.constant 0 : i32
    %c0_i32_0 = arith.constant 0 : i32
    return %arg0, %c0_i32 : i32, i32
  }
  func.func @transform_2(%arg0: i32) -> (i32, i32) {
    %c0_i32 = arith.constant 0 : i32
    %c0_i32_0 = arith.constant 0 : i32
    return %arg0, %c0_i32 : i32, i32
  }
  func.func @transform_3(%arg0: i32) -> (i32, i32) {
    %c0_i32 = arith.constant 0 : i32
    %c0_i32_0 = arith.constant 0 : i32
    %c0_i32_1 = arith.constant 0 : i32
    return %c0_i32, %c0_i32_0 : i32, i32
  }
  func.func @transform_4(%arg0: i32) -> (i32, i32) {
    %c0_i32 = arith.constant 0 : i32
    %c0_i32_0 = arith.constant 0 : i32
    %c0_i32_1 = arith.constant 0 : i32
    return %c0_i32, %c0_i32_0 : i32, i32
  }
  func.func @transform_5(%arg0: i32) -> (i32, i32) {
    %c0_i32 = arith.constant 0 : i32
    %c0_i32_0 = arith.constant 0 : i32
    return %arg0, %c0_i32 : i32, i32
  }
  func.func @transform_6(%arg0: i32) -> (i32, i32) {
    %c0_i32 = arith.constant 0 : i32
    %c0_i32_0 = arith.constant 0 : i32
    return %arg0, %c0_i32 : i32, i32
  }
}

module attributes {stable_mosaic.version = 14 : i64} {
  func.func @_tc2_body(%arg0: i32, %arg1: memref<400x128xf32, #tpu.memory_space<vmem>>, %arg2: memref<400x128xf32, #tpu.memory_space<vmem>>, %arg3: memref<400x128xf32, #tpu.memory_space<vmem>>, %arg4: memref<400x128xf32, #tpu.memory_space<vmem>>, %arg5: memref<128x128xf32, #tpu.memory_space<vmem>>, %arg6: memref<1x128xf32, #tpu.memory_space<vmem>>, %arg7: memref<400x128xf32, #tpu.memory_space<vmem>>) attributes {dimension_semantics = [#tpu.dimension_semantics<arbitrary>], iteration_bounds = array<i64: 25>, scalar_prefetch = 0 : i64, scratch_operands = 0 : i64, tpu.core_type = #tpu.core_type<tc>, window_params = [{transform_indices = @transform_0, window_bounds = array<i64: 400, 128>}, {transform_indices = @transform_1, window_bounds = array<i64: 400, 128>}, {transform_indices = @transform_2, window_bounds = array<i64: 400, 128>}, {transform_indices = @transform_3, window_bounds = array<i64: 400, 128>}, {pipeline_mode = #tpu.pipeline_mode<synchronous>, transform_indices = @transform_4, window_bounds = array<i64: 128, 128>}, {pipeline_mode = #tpu.pipeline_mode<synchronous>, transform_indices = @transform_5, window_bounds = array<i64: 1, 128>}, {transform_indices = @transform_6, window_bounds = array<i64: 400, 128>}]} {
    %get3A = arith.constant 0 : index
    %get3A_0 = arith.constant 0 : index
    %get3A_1 = vector.load %arg4[%get3A, %get3A_0] : memref<400x128xf32, #tpu.memory_space<vmem>>, vector<400x128xf32>
    %get3A_2 = arith.constant 0 : index
    %get3A_3 = arith.constant 0 : index
    %get3A_4 = vector.load %arg1[%get3A_2, %get3A_3] : memref<400x128xf32, #tpu.memory_space<vmem>>, vector<400x128xf32>
    %get3A_5 = arith.constant 0 : index
    %get3A_6 = arith.constant 0 : index
    %get3A_7 = vector.load %arg2[%get3A_5, %get3A_6] : memref<400x128xf32, #tpu.memory_space<vmem>>, vector<400x128xf32>
    %add3A = arith.addf %get3A_4, %get3A_7 : vector<400x128xf32>
    %get3A_8 = arith.constant 0 : index
    %get3A_9 = arith.constant 0 : index
    %get3A_10 = vector.load %arg3[%get3A_8, %get3A_9] : memref<400x128xf32, #tpu.memory_space<vmem>>, vector<400x128xf32>
    %add3A_11 = arith.addf %add3A, %get3A_10 : vector<400x128xf32>
    %mul3A = arith.mulf %get3A_1, %add3A_11 : vector<400x128xf32>
    %max3A = arith.constant 0.000000e+00 : f32
    %max3A_12 = vector.broadcast %max3A : f32 to vector<400x128xf32>
    %max3A_13 = arith.maximumf %mul3A, %max3A_12 : vector<400x128xf32>
    %get3A_14 = arith.constant 0 : index
    %get3A_15 = arith.constant 0 : index
    %get3A_16 = vector.load %arg5[%get3A_14, %get3A_15] : memref<128x128xf32, #tpu.memory_space<vmem>>, vector<128x128xf32>
    %dot_general3A = arith.constant dense<0.000000e+00> : vector<400x128xf32>
    %dot_general3A_17 = tpu.matmul %max3A_13, %get3A_16, %dot_general3A {dimension_numbers = #tpu.dot_dimension_numbers<[1], [0], [0], [1], [0, 0, 1, 1], [], []>, transpose_lhs_hint = false} : vector<400x128xf32>, vector<128x128xf32>, vector<400x128xf32> -> vector<400x128xf32>
    %get3A_18 = arith.constant 0 : index
    %get3A_19 = arith.constant 0 : index
    %get3A_20 = vector.load %arg6[%get3A_18, %get3A_19] : memref<1x128xf32, #tpu.memory_space<vmem>>, vector<1x128xf32>
    %add3A_21 = vector.broadcast %get3A_20 : vector<1x128xf32> to vector<400x128xf32>
    %add3A_22 = arith.addf %dot_general3A_17, %add3A_21 : vector<400x128xf32>
    %mul3A_23 = arith.mulf %add3A_22, %get3A_1 : vector<400x128xf32>
    %swap3A = arith.constant 0 : index
    %swap3A_24 = arith.constant 0 : index
    %swap3A_25 = vector.load %arg7[%swap3A, %swap3A_24] : memref<400x128xf32, #tpu.memory_space<vmem>>, vector<400x128xf32>
    tpu.vector_store %arg7[%swap3A, %swap3A_24], %mul3A_23 {strides = array<i32>} : memref<400x128xf32, #tpu.memory_space<vmem>>, vector<400x128xf32>,
    return
  }
  func.func @transform_0(%arg0: i32) -> (i32, i32) {
    %c0_i32 = arith.constant 0 : i32
    %c0_i32_0 = arith.constant 0 : i32
    return %arg0, %c0_i32 : i32, i32
  }
  func.func @transform_1(%arg0: i32) -> (i32, i32) {
    %c0_i32 = arith.constant 0 : i32
    %c0_i32_0 = arith.constant 0 : i32
    return %arg0, %c0_i32 : i32, i32
  }
  func.func @transform_2(%arg0: i32) -> (i32, i32) {
    %c0_i32 = arith.constant 0 : i32
    %c0_i32_0 = arith.constant 0 : i32
    return %arg0, %c0_i32 : i32, i32
  }
  func.func @transform_3(%arg0: i32) -> (i32, i32) {
    %c0_i32 = arith.constant 0 : i32
    %c0_i32_0 = arith.constant 0 : i32
    return %arg0, %c0_i32 : i32, i32
  }
  func.func @transform_4(%arg0: i32) -> (i32, i32) {
    %c0_i32 = arith.constant 0 : i32
    %c0_i32_0 = arith.constant 0 : i32
    %c0_i32_1 = arith.constant 0 : i32
    return %c0_i32, %c0_i32_0 : i32, i32
  }
  func.func @transform_5(%arg0: i32) -> (i32, i32) {
    %c0_i32 = arith.constant 0 : i32
    %c0_i32_0 = arith.constant 0 : i32
    %c0_i32_1 = arith.constant 0 : i32
    return %c0_i32, %c0_i32_0 : i32, i32
  }
  func.func @transform_6(%arg0: i32) -> (i32, i32) {
    %c0_i32 = arith.constant 0 : i32
    %c0_i32_0 = arith.constant 0 : i32
    return %arg0, %c0_i32 : i32, i32
  }
}

module attributes {stable_mosaic.version = 14 : i64} {
  func.func @_tc3_body(%arg0: i32, %arg1: memref<400x128xf32, #tpu.memory_space<vmem>>, %arg2: memref<400x128xf32, #tpu.memory_space<vmem>>, %arg3: memref<400x128xf32, #tpu.memory_space<vmem>>, %arg4: memref<400x128xf32, #tpu.memory_space<vmem>>, %arg5: memref<128x128xf32, #tpu.memory_space<vmem>>, %arg6: memref<1x128xf32, #tpu.memory_space<vmem>>, %arg7: memref<128x128xf32, #tpu.memory_space<vmem>>, %arg8: memref<1x128xf32, #tpu.memory_space<vmem>>, %arg9: memref<128x128xf32, #tpu.memory_space<vmem>>, %arg10: memref<1x128xf32, #tpu.memory_space<vmem>>, %arg11: memref<128x128xf32, #tpu.memory_space<vmem>>, %arg12: memref<1x128xf32, #tpu.memory_space<vmem>>, %arg13: memref<400x128xf32, #tpu.memory_space<vmem>>) attributes {dimension_semantics = [#tpu.dimension_semantics<arbitrary>], iteration_bounds = array<i64: 25>, scalar_prefetch = 0 : i64, scratch_operands = 0 : i64, tpu.core_type = #tpu.core_type<tc>, window_params = [{transform_indices = @transform_0, window_bounds = array<i64: 400, 128>}, {transform_indices = @transform_1, window_bounds = array<i64: 400, 128>}, {transform_indices = @transform_2, window_bounds = array<i64: 400, 128>}, {transform_indices = @transform_3, window_bounds = array<i64: 400, 128>}, {pipeline_mode = #tpu.pipeline_mode<synchronous>, transform_indices = @transform_4, window_bounds = array<i64: 128, 128>}, {pipeline_mode = #tpu.pipeline_mode<synchronous>, transform_indices = @transform_5, window_bounds = array<i64: 1, 128>}, {pipeline_mode = #tpu.pipeline_mode<synchronous>, transform_indices = @transform_6, window_bounds = array<i64: 128, 128>}, {pipeline_mode = #tpu.pipeline_mode<synchronous>, transform_indices = @transform_7, window_bounds = array<i64: 1, 128>}, {pipeline_mode = #tpu.pipeline_mode<synchronous>, transform_indices = @transform_8, window_bounds = array<i64: 128, 128>}, {pipeline_mode = #tpu.pipeline_mode<synchronous>, transform_indices = @transform_9, window_bounds = array<i64: 1, 128>}, {pipeline_mode = #tpu.pipeline_mode<synchronous>, transform_indices = @transform_10, window_bounds = array<i64: 128, 128>}, {pipeline_mode = #tpu.pipeline_mode<synchronous>, transform_indices = @transform_11, window_bounds = array<i64: 1, 128>}, {transform_indices = @transform_12, window_bounds = array<i64: 400, 128>}]} {
    %get3A = arith.constant 0 : index
    %get3A_0 = arith.constant 0 : index
    %get3A_1 = vector.load %arg4[%get3A, %get3A_0] : memref<400x128xf32, #tpu.memory_space<vmem>>, vector<400x128xf32>
    %get3A_2 = arith.constant 0 : index
    %get3A_3 = arith.constant 0 : index
    %get3A_4 = vector.load %arg1[%get3A_2, %get3A_3] : memref<400x128xf32, #tpu.memory_space<vmem>>, vector<400x128xf32>
    %get3A_5 = arith.constant 0 : index
    %get3A_6 = arith.constant 0 : index
    %get3A_7 = vector.load %arg2[%get3A_5, %get3A_6] : memref<400x128xf32, #tpu.memory_space<vmem>>, vector<400x128xf32>
    %add3A = arith.addf %get3A_4, %get3A_7 : vector<400x128xf32>
    %get3A_8 = arith.constant 0 : index
    %get3A_9 = arith.constant 0 : index
    %get3A_10 = vector.load %arg3[%get3A_8, %get3A_9] : memref<400x128xf32, #tpu.memory_space<vmem>>, vector<400x128xf32>
    %add3A_11 = arith.addf %add3A, %get3A_10 : vector<400x128xf32>
    %mul3A = arith.mulf %get3A_1, %add3A_11 : vector<400x128xf32>
    %get3A_12 = arith.constant 0 : index
    %get3A_13 = arith.constant 0 : index
    %get3A_14 = vector.load %arg5[%get3A_12, %get3A_13] : memref<128x128xf32, #tpu.memory_space<vmem>>, vector<128x128xf32>
    %dot_general3A = arith.constant dense<0.000000e+00> : vector<400x128xf32>
    %dot_general3A_15 = tpu.matmul %mul3A, %get3A_14, %dot_general3A {dimension_numbers = #tpu.dot_dimension_numbers<[1], [0], [0], [1], [0, 0, 1, 1], [], []>, transpose_lhs_hint = false} : vector<400x128xf32>, vector<128x128xf32>, vector<400x128xf32> -> vector<400x128xf32>
    %get3A_16 = arith.constant 0 : index
    %get3A_17 = arith.constant 0 : index
    %get3A_18 = vector.load %arg6[%get3A_16, %get3A_17] : memref<1x128xf32, #tpu.memory_space<vmem>>, vector<1x128xf32>
    %add3A_19 = vector.broadcast %get3A_18 : vector<1x128xf32> to vector<400x128xf32>
    %add3A_20 = arith.addf %dot_general3A_15, %add3A_19 : vector<400x128xf32>
    %max3A = arith.constant 0.000000e+00 : f32
    %max3A_21 = vector.broadcast %max3A : f32 to vector<400x128xf32>
    %max3A_22 = arith.maximumf %add3A_20, %max3A_21 : vector<400x128xf32>
    %get3A_23 = arith.constant 0 : index
    %get3A_24 = arith.constant 0 : index
    %get3A_25 = vector.load %arg7[%get3A_23, %get3A_24] : memref<128x128xf32, #tpu.memory_space<vmem>>, vector<128x128xf32>
    %dot_general3A_26 = arith.constant dense<0.000000e+00> : vector<400x128xf32>
    %dot_general3A_27 = tpu.matmul %max3A_22, %get3A_25, %dot_general3A_26 {dimension_numbers = #tpu.dot_dimension_numbers<[1], [0], [0], [1], [0, 0, 1, 1], [], []>, transpose_lhs_hint = false} : vector<400x128xf32>, vector<128x128xf32>, vector<400x128xf32> -> vector<400x128xf32>
    %get3A_28 = arith.constant 0 : index
    %get3A_29 = arith.constant 0 : index
    %get3A_30 = vector.load %arg8[%get3A_28, %get3A_29] : memref<1x128xf32, #tpu.memory_space<vmem>>, vector<1x128xf32>
    %add3A_31 = vector.broadcast %get3A_30 : vector<1x128xf32> to vector<400x128xf32>
    %add3A_32 = arith.addf %dot_general3A_27, %add3A_31 : vector<400x128xf32>
    %max3A_33 = arith.constant 0.000000e+00 : f32
    %max3A_34 = vector.broadcast %max3A_33 : f32 to vector<400x128xf32>
    %max3A_35 = arith.maximumf %add3A_32, %max3A_34 : vector<400x128xf32>
    %get3A_36 = arith.constant 0 : index
    %get3A_37 = arith.constant 0 : index
    %get3A_38 = vector.load %arg9[%get3A_36, %get3A_37] : memref<128x128xf32, #tpu.memory_space<vmem>>, vector<128x128xf32>
    %dot_general3A_39 = arith.constant dense<0.000000e+00> : vector<400x128xf32>
    %dot_general3A_40 = tpu.matmul %max3A_35, %get3A_38, %dot_general3A_39 {dimension_numbers = #tpu.dot_dimension_numbers<[1], [0], [0], [1], [0, 0, 1, 1], [], []>, transpose_lhs_hint = false} : vector<400x128xf32>, vector<128x128xf32>, vector<400x128xf32> -> vector<400x128xf32>
    %get3A_41 = arith.constant 0 : index
    %get3A_42 = arith.constant 0 : index
    %get3A_43 = vector.load %arg10[%get3A_41, %get3A_42] : memref<1x128xf32, #tpu.memory_space<vmem>>, vector<1x128xf32>
    %add3A_44 = vector.broadcast %get3A_43 : vector<1x128xf32> to vector<400x128xf32>
    %add3A_45 = arith.addf %dot_general3A_40, %add3A_44 : vector<400x128xf32>
    %max3A_46 = arith.constant 0.000000e+00 : f32
    %max3A_47 = vector.broadcast %max3A_46 : f32 to vector<400x128xf32>
    %max3A_48 = arith.maximumf %add3A_45, %max3A_47 : vector<400x128xf32>
    %get3A_49 = arith.constant 0 : index
    %get3A_50 = arith.constant 0 : index
    %get3A_51 = vector.load %arg11[%get3A_49, %get3A_50] : memref<128x128xf32, #tpu.memory_space<vmem>>, vector<128x128xf32>
    %dot_general3A_52 = arith.constant dense<0.000000e+00> : vector<400x128xf32>
    %dot_general3A_53 = tpu.matmul %mul3A, %get3A_51, %dot_general3A_52 {dimension_numbers = #tpu.dot_dimension_numbers<[1], [0], [0], [1], [0, 0, 1, 1], [], []>, transpose_lhs_hint = false} : vector<400x128xf32>, vector<128x128xf32>, vector<400x128xf32> -> vector<400x128xf32>
    %add3A_54 = arith.addf %max3A_48, %dot_general3A_53 : vector<400x128xf32>
    %get3A_55 = arith.constant 0 : index
    %get3A_56 = arith.constant 0 : index
    %get3A_57 = vector.load %arg12[%get3A_55, %get3A_56] : memref<1x128xf32, #tpu.memory_space<vmem>>, vector<1x128xf32>
    %add3A_58 = vector.broadcast %get3A_57 : vector<1x128xf32> to vector<400x128xf32>
    %add3A_59 = arith.addf %add3A_54, %add3A_58 : vector<400x128xf32>
    %swap3A = arith.constant 0 : index
    %swap3A_60 = arith.constant 0 : index
    %swap3A_61 = vector.load %arg13[%swap3A, %swap3A_60] : memref<400x128xf32, #tpu.memory_space<vmem>>, vector<400x128xf32>
    tpu.vector_store %arg13[%swap3A, %swap3A_60], %add3A_59 {strides = array<i32>} : memref<400x128xf32, #tpu.memory_space<vmem>>, vector<400x128xf32>,
    return
  }
  func.func @transform_0(%arg0: i32) -> (i32, i32) {
    %c0_i32 = arith.constant 0 : i32
    %c0_i32_0 = arith.constant 0 : i32
    return %arg0, %c0_i32 : i32, i32
  }
  func.func @transform_1(%arg0: i32) -> (i32, i32) {
    %c0_i32 = arith.constant 0 : i32
    %c0_i32_0 = arith.constant 0 : i32
    return %arg0, %c0_i32 : i32, i32
  }
  func.func @transform_2(%arg0: i32) -> (i32, i32) {
    %c0_i32 = arith.constant 0 : i32
    %c0_i32_0 = arith.constant 0 : i32
    return %arg0, %c0_i32 : i32, i32
  }
  func.func @transform_3(%arg0: i32) -> (i32, i32) {
    %c0_i32 = arith.constant 0 : i32
    %c0_i32_0 = arith.constant 0 : i32
    return %arg0, %c0_i32 : i32, i32
  }
  func.func @transform_4(%arg0: i32) -> (i32, i32) {
    %c0_i32 = arith.constant 0 : i32
    %c0_i32_0 = arith.constant 0 : i32
    %c0_i32_1 = arith.constant 0 : i32
    return %c0_i32, %c0_i32_0 : i32, i32
  }
  func.func @transform_5(%arg0: i32) -> (i32, i32) {
    %c0_i32 = arith.constant 0 : i32
    %c0_i32_0 = arith.constant 0 : i32
    %c0_i32_1 = arith.constant 0 : i32
    return %c0_i32, %c0_i32_0 : i32, i32
  }
  func.func @transform_6(%arg0: i32) -> (i32, i32) {
    %c0_i32 = arith.constant 0 : i32
    %c0_i32_0 = arith.constant 0 : i32
    %c0_i32_1 = arith.constant 0 : i32
    return %c0_i32, %c0_i32_0 : i32, i32
  }
  func.func @transform_7(%arg0: i32) -> (i32, i32) {
    %c0_i32 = arith.constant 0 : i32
    %c0_i32_0 = arith.constant 0 : i32
    %c0_i32_1 = arith.constant 0 : i32
    return %c0_i32, %c0_i32_0 : i32, i32
  }
  func.func @transform_8(%arg0: i32) -> (i32, i32) {
    %c0_i32 = arith.constant 0 : i32
    %c0_i32_0 = arith.constant 0 : i32
    %c0_i32_1 = arith.constant 0 : i32
    return %c0_i32, %c0_i32_0 : i32, i32
  }
  func.func @transform_9(%arg0: i32) -> (i32, i32) {
    %c0_i32 = arith.constant 0 : i32
    %c0_i32_0 = arith.constant 0 : i32
    %c0_i32_1 = arith.constant 0 : i32
    return %c0_i32, %c0_i32_0 : i32, i32
  }
  func.func @transform_10(%arg0: i32) -> (i32, i32) {
    %c0_i32 = arith.constant 0 : i32
    %c0_i32_0 = arith.constant 0 : i32
    %c0_i32_1 = arith.constant 0 : i32
    return %c0_i32, %c0_i32_0 : i32, i32
  }
  func.func @transform_11(%arg0: i32) -> (i32, i32) {
    %c0_i32 = arith.constant 0 : i32
    %c0_i32_0 = arith.constant 0 : i32
    %c0_i32_1 = arith.constant 0 : i32
    return %c0_i32, %c0_i32_0 : i32, i32
  }
  func.func @transform_12(%arg0: i32) -> (i32, i32) {
    %c0_i32 = arith.constant 0 : i32
    %c0_i32_0 = arith.constant 0 : i32
    return %arg0, %c0_i32 : i32, i32
  }
}

</mosaic_0001>

<sc_bundles>
// kernel: kernel.11.cloned.1.call-start
scs
__scs_entry_jumppad:
0x0: {  	(pc) =	sbr.rel $0x88, $3  }
0x1: {  	(tag) =	ssettag $0x0;
	lr =	simm.s32 $0x1  }
0x2: {  	[smem:$0x3F93] =	sst lr;
	_ =	strace $0xD0000000  }
0x3: {  	_ = 	snop  }
0x4: {  	_ = 	snop  }
0x5: {  	_ = 	snop  }
0x6: {  	_ = 	snop  }
0x7: {  	_ = 	snop  }
__scs_overlays_trampoline_lowered:
0x8: {  	[smem:$0x3FA2] =	sst s0  }
0x9: {  	[smem:$0x3FA3] =	sst s1  }
0xa: {  	[smem:$0x3FA4] =	sst s2  }
0xb: {  	[smem:$0x3FA5] =	sst s3  }
0xc: {  	[smem:$0x3FA6] =	sst s4  }
0xd: {  	[smem:$0x3FA7] =	sst s5  }
0xe: {  	[smem:$0x3FA8] =	sst s6  }
0xf: {  	[smem:$0x3FA9] =	sst s7  }
0x10: {  	[smem:$0x3FAA] =	sst s8  }
0x11: {  	[smem:$0x3FAB] =	sst s9;
	s0 =	simm.s32 @!p0 $0x0  }
0x12: {  	s1 =	sld [smem:$0x3F91];
	s0 =	simm.s32 @p0 $0x1  }
0x13: {  	[smem:$0x3FAC] =	sst s0;
	s0 =	simm.s32 @!p1 $0x0  }
0x14: {  	s2 =	sld [smem:$0x3F90];
	s0 =	simm.s32 @p1 $0x1  }
0x15: {  	[smem:$0x3FAD] =	sst s0;
	s0 =	simm.s32 @!p2 $0x0  }
0x16: {  	s3 =	sld [smem:$0x3FDB];
	s0 =	simm.s32 @p2 $0x1  }
0x17: {  	s4 =	simm.s32 $0x1BF5;
	[smem:$0x3FAF] =	sst s0  }
0x18: {  	s0 =	sld [smem:$0x3F92];
	_ =	swait.ge [sflag:s4], $0x0  }
0x19: {  	s7 =	sld [smem:$0x3F93]  }
0x1a: {  	s8 =	sadd.s32 $0xFFFFE003, lr  }
0x1b: {  	s9 =	sadd.s32 $0xFFFFFEF7, lr;
	s5 =	simm.s32 $0xFFFFFFFF;
	p2 =	slt.u32 s8, $0xFFFFF086  }
0x1c: {  	p1 =	slt.u32 s9, $0xF7A;
	s5 =	simm.s32 @!p2 $0x0  }
0x1d: {  	s5 =	simm.s32 @p1 $0x1;
	p0 =	seq.s32 s7, s2  }
0x1e: {  	s7 =	smul.u32 @!p0 $0xF7A, s2;
	p2 =	seq.s32 @!p0 s5, $0x0  }
0x1f: {  	s9 =	smul.u32 $0xF7A, s1;
	s8 =	simm.s32 @!p0 $0x1BF5;
	p2 =	por !p2, p0  }
0x20: {  	[sflag:s8] =	ssyncset.s32 @!p0 $0xFFFFF086;
	s6 =	sadd.s32 @!p0 s3, s7;
	s7 =	simm.s32 @!p0 $0x108  }
0x21: {  	s3 =	sadd.s32 s3, s9;
	s6 =	sadd.s32 @!p0 $0x88, s6;
	s7 =	simm.s32 @p2 $0x1082  }
0x22: {  	[simem:s7], [sflag:s8] =	dma.local @!p0 [hbm:s6], $0xF7A  }
0x23: {  	s9 =	sor.u32 $0xD0000000, s2;
	s6 =	simm.s32 $0x108;
	_ =	swait.ge @!p0 [sflag:s8], $0x0  }
0x24: {  	s3 =	sadd.s32 $0x88, s3;
	s6 =	simm.s32 @!p1 $0x1082;
	[sflag:s4] =	ssyncset.s32 $0xFFFFF086  }
0x25: {  	[simem:s6], [sflag:s4] =	dma.local [hbm:s3], $0xF7A  }
0x26: {  	[smem:$0x3F93] =	sst s1;
	(tag) =	ssettag s2;
	_ =	strace s9  }
0x27: {  	s1 =	sld [smem:$0x3FA3]  }
0x28: {  	s2 =	sld [smem:$0x3FA4]  }
0x29: {  	s4 =	sld [smem:$0x3FA6]  }
0x2a: {  	p0 =	seq.s32 s5, $0x0;
	s5 =	sld [smem:$0x3FA7]  }
0x2b: {  	s6 =	sld [smem:$0x3FA8]  }
0x2c: {  	s7 =	sld [smem:$0x3FA9]  }
0x2d: {  	s3 =	simm.s32 $0x108;
	s8 =	sld [smem:$0x3FAA]  }
0x2e: {  	s3 =	simm.s32 @!p0 $0x1082;
	s9 =	sld [smem:$0x3FAB]  }
0x2f: {  	lr =	sadd.s32 s0, s3;
	s0 =	sld [smem:$0x3FA2]  }
0x30: {  	s3 =	sld [smem:$0x3FA5]  }
0x31: {  	[smem:$0x3FAE] =	sst s10  }
0x32: {  	s10 =	sld [smem:$0x3FAC];
	_ =	sdelay $0x3  }
0x33: {  	p0 =	seq.s32 s10, $0x1;
	s10 =	sld [smem:$0x3FAE];
	_ =	sdelay $0x3  }
0x34: {  	[smem:$0x3FAE] =	sst s10  }
0x35: {  	s10 =	sld [smem:$0x3FAD];
	_ =	sdelay $0x3  }
0x36: {  	p1 =	seq.s32 s10, $0x1;
	s10 =	sld [smem:$0x3FAE];
	_ =	sdelay $0x3  }
0x37: {  	[smem:$0x3FAE] =	sst s10  }
0x38: {  	s10 =	sld [smem:$0x3FAF]  }
0x39: {  	_ = 	snop;
	(pc) =	sbr.ind lr, $3  }
0x3a: {  	_ = 	snop  }
0x3b: {  	_ = 	snop  }
0x3c: {  	p2 =	seq.s32 s10, $0x1;
	s10 =	sld [smem:$0x3FAE]  }
0x3d: {  	_ =	shalt  }
0x3e: {  	_ =	shalt  }
0x3f: {  	_ =	shalt  }
0x40: {  	_ =	shalt  }
0x41: {  	_ =	shalt  }
0x42: {  	_ =	shalt  }
0x43: {  	_ =	shalt  }
0x44: {  	_ =	shalt  }
0x45: {  	_ =	shalt  }
0x46: {  	_ =	shalt  }
0x47: {  	_ =	shalt  }
0x48: {  	_ =	shalt  }
0x49: {  	_ =	shalt  }
0x4a: {  	_ =	shalt  }
0x4b: {  	_ =	shalt  }
0x4c: {  	_ =	shalt  }
0x4d: {  	_ =	shalt  }
0x4e: {  	_ =	shalt  }
0x4f: {  	_ =	shalt  }
0x50: {  	_ =	shalt  }
0x51: {  	_ =	shalt  }
0x52: {  	_ =	shalt  }
0x53: {  	_ =	shalt  }
0x54: {  	_ =	shalt  }
0x55: {  	_ =	shalt  }
0x56: {  	_ =	shalt  }
0x57: {  	_ =	shalt  }
0x58: {  	_ =	shalt  }
0x59: {  	_ =	shalt  }
0x5a: {  	_ =	shalt  }
0x5b: {  	_ =	shalt  }
0x5c: {  	_ =	shalt  }
0x5d: {  	_ =	shalt  }
0x5e: {  	_ =	shalt  }
0x5f: {  	_ =	shalt  }
0x60: {  	_ =	shalt  }
0x61: {  	_ =	shalt  }
0x62: {  	_ =	shalt  }
0x63: {  	_ =	shalt  }
0x64: {  	_ =	shalt  }
0x65: {  	_ =	shalt  }
0x66: {  	_ =	shalt  }
0x67: {  	_ =	shalt  }
0x68: {  	_ =	shalt  }
0x69: {  	_ =	shalt  }
0x6a: {  	_ =	shalt  }
0x6b: {  	_ =	shalt  }
0x6c: {  	_ =	shalt  }
0x6d: {  	_ =	shalt  }
0x6e: {  	_ =	shalt  }
0x6f: {  	_ =	shalt  }
0x70: {  	_ =	shalt  }
0x71: {  	_ =	shalt  }
0x72: {  	_ =	shalt  }
0x73: {  	_ =	shalt  }
0x74: {  	_ =	shalt  }
0x75: {  	_ =	shalt  }
0x76: {  	_ =	shalt  }
0x77: {  	_ =	shalt  }
0x78: {  	_ =	shalt  }
0x79: {  	_ =	shalt  }
0x7a: {  	_ =	shalt  }
0x7b: {  	_ =	shalt  }
0x7c: {  	_ =	shalt  }
0x7d: {  	_ =	shalt  }
0x7e: {  	_ =	shalt  }
0x7f: {  	_ =	shalt  }
0x80: {  	_ =	shalt  }
0x81: {  	_ =	shalt  }
0x82: {  	_ =	shalt  }
0x83: {  	_ =	shalt  }
0x84: {  	_ =	shalt  }
0x85: {  	_ =	shalt  }
0x86: {  	_ =	shalt  }
0x87: {  	_ =	shalt  }
.Lfunc_end0:
.L_simem_size_0:
called_computation.1_lowered:
.L_overlay_start_0:
0x88: {  	s2 =	sld [smem:$0x3FD9]  }
0x89: {  	s3 =	sld [smem:$0x3FFE];
	_ =	sdelay $0x1  }
0x8a: {  	s1 =	srdreg.scid  }
0x8b: {  	s0 =	sand.u32 $0x1, s1  }
0x8c: {  	s17 =	sshll.u32 s0, $0xA;
	s2 =	sadd.s32 s3, s2  }
0x8d: {  	s2 =	sadd.s32 s2, s17  }
0x8e: {  	[smem:$0x3FBA] =	sst s2  }
0x8f: {  	_ = 	snop  }
0x90: {  	s2 =	sld [smem:$0x3FD0];
	(tm) =	ssettm $0x1  }
0x91: {  	s18 =	sld [smem:$0x3FFB];
	_ =	sdelay $0x3  }
0x92: {  	_ =	strace s18  }
0x93: {  	s3 =	sld [smem:$0x3FFC];
	_ =	sdelay $0x3  }
0x94: {  	_ =	strace s3  }
0x95: {  	s3 =	sld [smem:$0x3FFD];
	_ =	sdelay $0x3  }
0x96: {  	_ =	strace s3  }
0x97: {  	_ =	strace $0x8FFFFFFF  }
0x98: {  	s19 =	sld [smem:$0x3FDB];
	_ =	sdelay $0x1  }
0x99: {  	s4 =	simm.s32 $_scs_section_size  }
0x9a: {  	s5 =	simm.s32 $_size__tile_overlayer_lowered;
	s6 =	simm.s32 $_tile_overlayer_lowered  }
0x9b: {  	s22 =	simm.s32 $0x1BFF;
	s21 =	sshll.u32 s6, $0x1;
	s3 =	sadd.s32 s4, s19  }
0x9c: {  	s7 =	simm.s32 $0x0;
	s20 =	sshll.u32 s5, $0x1;
	s5 =	sadd.s32 s21, s3  }
0x9d: {  	[timem:s7], [sflag:s22] =	dma.local [hbm:s5], s20  }
0x9e: {  	_ =	swait.ge [sflag:s22], s20  }
0x9f: {  	s4 =	ssub.s32 $0x0, s20;
	[sflag:s22] =	ssyncset.done $0x0  }
0xa0: {  	[sflag:s22] =	ssyncadd.s32 s4;
	_ =	sdelay $0x1  }
0xa1: {  	s23 =	simm.s32 $0x1B8B  }
0xa2: {  	_ =	swait.ge [sflag:s23], $0x1  }
0xa3: {  	[sflag:s23] =	ssyncset.done $0x0  }
0xa4: {  	s25 =	simm.s32 $0x1B8E;
	s24 =	sld [smem:$0x3FFE];
	[sflag:s23] =	ssyncadd.s32 $0xFFFFFFFF  }
0xa5: {  	s26 =	simm.s32 $execute0_lowered;
	[smem:$0x3FD2] =	sst s25  }
0xa6: {  	s5 =	sshll.u32 s26, $0x1;
	_ =	strace $0x80000049;
	[dreg:$0x1] =	wrdreg $0xFFFFFFFF  }
0xa7: {  	s28 =	simm.s32 $_size_execute0_lowered;
	s3 =	sadd.s32 s3, s5;
	[dreg:$0x0] =	wrdreg $0x0  }
0xa8: {  	s5 =	sshll.u32 s28, $0x1;
	[dreg:$0x2] =	wrdreg s3  }
0xa9: {  	[dreg:$0x3] =	wrdreg s5  }
0xaa: {  	[dreg:$0x4] =	wrdreg $0xC0  }
0xab: {  	_ =	task [dreg:s7], $0x5FFFF  }
0xac: {  	[dreg:$0x1] =	wrdreg $0xFFFFFFFF  }
0xad: {  	[dreg:$0x0] =	wrdreg $0x60  }
0xae: {  	[dreg:$0x2] =	wrdreg s2  }
0xaf: {  	[dreg:$0x3] =	wrdreg s24  }
0xb0: {  	[dreg:$0x4] =	wrdreg $0xAA000  }
0xb1: {  	[dreg:$0x5] =	wrdreg $0x9  }
0xb2: {  	_ =	task.clear_ibuf [dreg:s7], $0x6FFFF;
	_ =	strace $0x90000049  }
0xb3: {  	s29 =	simm.s32 $0x9;
	_ =	strace $0x8000004B  }
0xb4: {  	_ =	swait.ge [sflag:s29], $0x1  }
0xb5: {  	[sflag:s29] =	ssyncadd.s32 $0xFFFFFFFF  }
0xb6: {  	_ =	strace $0x9000004B  }
0xb7: {  	_ =	sfence  }
0xb8: {  	s30 =	sld [smem:$0x0];
	_ =	sdelay $0x2  }
0xb9: {  	s31 =	sshll.u32 s1, $0xD;
	s1 =	sshrl.u32 s1, $0x2  }
0xba: {  	s3 =	sand.u32 $0x4000, s31;
	s1 =	sadd.s32 s1, s30  }
0xbb: {  	s0 =	sor.u32 s3, s0;
	s1 =	sshll.u32 s1, $0x11  }
0xbc: {  	s0 =	sor.u32 s1, s0  }
0xbd: {  	s0 =	sadd.s32 $0x8F2B, s0  }
0xbe: {  	[sflag:s0] =	ssyncadd.remote.s32 $0x1  }
0xbf: {  	_ =	sfence.sel $0xFFFF  }
0xc0: {  	[dreg:$0x0] =	wrdreg $0xFFFFFFFF;
	(pc) =	sbr.abs _section_cstart, $3  }
0xc1: {  	[dreg:$0x1] =	wrdreg $0xFFFFFFFF  }
0xc2: {  	_ =	task.clear_ibuf [dreg:s7], $0x2FFFF;
	_ =	strace $0x9FFFFFFF  }
0xc3: {  	(tm) =	ssettm $0x7FFFFFFF  }
tec
execute0_lowered:
.L_overlay_start_1:
0x0: {  	(tag) =	ssettag $0x1  }
0x1: {  	s2 =	rddreg [dreg:$0x0]  }
0x2: {  	s1 =	srdreg.scid;
	s6 =	rddreg [dreg:$0x1]  }
0x3: {  	s0 =	stileid.u32;
	s3 =	rddreg [dreg:$0x2];
	s4 =	simm.s32 $0x0  }
0x4: {  	s14 =	simm.s32 $0x3;
	s15 =	simm.s32 $0x80;
	s16 =	simm.s32 $0x2800  }
0x5: {  	s17 =	simm.s32 $0x2900;
	s18 =	simm.s32 $0x6A00;
	s19 =	simm.s32 $0x1  }
0x6: {  	s20 =	simm.s32 $0x2880;
	s21 =	simm.s32 $0x2;
	s9 =	smul.u32 $0x13C00, s0  }
0x7: {  	s5 =	sand.u32 $0x1, s1;
	s26 =	sshll.u32 s0, $0x1;
	s10 =	smul.u32 $0x4F000, s0  }
0x8: {  	s22 =	simm.s32 $0x2980;
	s1 =	sor.u32 s5, s26;
	s8 =	smul.u32 $0x13C000, s5  }
0x9: {  	[smem:$0x7FF] =	sst s4;
	s29 =	ssub.s32 $0x2, s5;
	s7 =	smul.u32 $0x500, s1  }
0xa: {  	s1 =	rddreg [dreg:$0x3];
	_ =	strace $0x8000004A;
	s30 =	sshrl.u32 s10, $0x2  }
0xb: {  	s31 =	sshrl.u32 s29, $0x1;
	s28 =	sadd.s32 s9, s8;
	s5 =	sadd.s32 s30, s3  }
0xc: {  	s13 =	ssub.s32 s29, s31;
	s11 =	sadd.s32 s7, s6;
	s7 =	sshrl.u32 s28, $0x3  }
0xd: {  	s8 =	sadd.s32 $0xC000, s5;
	s9 =	sadd.s32 $0x10000, s5;
	s12 =	sadd.s32 s7, s6  }
0xe: {  	s6 =	sadd.s32 $0x4000, s5;
	s7 =	sadd.s32 $0x8000, s5;
	s10 =	sadd.s32 $0x3A00, s11  }
0xf: {  	v0 =	vimm.f32 $0.0e+00;
	s11 =	sadd.s32 $0xDA00, s12;
	s12 =	smax.u32 s13, $0x1;
	s13 =	simm.s32 $0x2A00  }
.LBB2_1:
0x10: {  	s23 =	simm.s32 $0x0;
	s24 =	simm.s32 $0x200  }
.LBB2_2:
0x11: {  	p0 =	sne.s32 s24, $0xFE00;
	[tilespmem:s23+$0x2A70] =	vst v0  }
0x12: {  	[tilespmem:s23+$0x2A00] =	vst v0  }
0x13: {  	[tilespmem:s23+$0x2A10] =	vst v0  }
.Ltmp0:
0x14: {  	[tilespmem:s23+$0x2A20] =	vst v0;
	(pc) =	sbr.rel @p0 .LBB2_2-.Ltmp0, $4  }
0x15: {  	[tilespmem:s23+$0x2A30] =	vst v0  }
0x16: {  	[tilespmem:s23+$0x2A40] =	vst v0  }
0x17: {  	[tilespmem:s23+$0x2A50] =	vst v0  }
0x18: {  	[tilespmem:s23+$0x2A60] =	vst v0;
	s23 =	sshra.s32 s24, $0x2;
	s24 =	sadd.s32 $0x200, s24  }
0x19: {  	[tilespmem:s23+$0x2A70] =	vst v0  }
0x1a: {  	[tilespmem:s23+$0x2A00] =	vst v0  }
0x1b: {  	[tilespmem:s23+$0x2A10] =	vst v0  }
0x1c: {  	[tilespmem:s23+$0x2A20] =	vst v0  }
0x1d: {  	[tilespmem:s23+$0x2A30] =	vst v0  }
0x1e: {  	[tilespmem:s23+$0x2A40] =	vst v0  }
0x1f: {  	[tilespmem:s23+$0x2A50] =	vst v0  }
0x20: {  	[tilespmem:s23+$0x2A60] =	vst v0  }
0x21: {  	_ =	sdelay $0x7ff  }
0x22: {  	_ =	sdelay $0xe0  }
0x23: {  	[spmem:s5] =	stream.linear.scatter [tilespmem:s13], [sflag:$0x3], $0x4000, $0x38;
	[tilespmem:$0x1E600] =	vst v63  }
0x24: {  	_ =	swait.ge [sflag:s14], $0x4000  }
0x25: {  	[sflag:s14] =	ssyncset.done $0x0  }
0x26: {  	[sflag:s14] =	ssyncadd.s32 $0xFFFFC000  }
0x27: {  	[spmem:s6] =	stream.linear.scatter [tilespmem:s13], [sflag:$0x3], $0x4000, $0x38;
	[tilespmem:$0x1E600] =	vst v63  }
0x28: {  	_ =	swait.ge [sflag:s14], $0x4000  }
0x29: {  	[sflag:s14] =	ssyncset.done $0x0  }
0x2a: {  	[sflag:s14] =	ssyncadd.s32 $0xFFFFC000  }
0x2b: {  	[spmem:s7] =	stream.linear.scatter [tilespmem:s13], [sflag:$0x3], $0x4000, $0x38;
	[tilespmem:$0x1E600] =	vst v63  }
0x2c: {  	_ =	swait.ge [sflag:s14], $0x4000  }
0x2d: {  	[sflag:s14] =	ssyncset.done $0x0  }
0x2e: {  	[sflag:s14] =	ssyncadd.s32 $0xFFFFC000  }
0x2f: {  	[spmem:s8] =	stream.linear.scatter [tilespmem:s13], [sflag:$0x3], $0x4000, $0x38;
	[tilespmem:$0x1E600] =	vst v63  }
0x30: {  	_ =	swait.ge [sflag:s14], $0x4000  }
0x31: {  	[sflag:s14] =	ssyncset.done $0x0  }
0x32: {  	[sflag:s14] =	ssyncadd.s32 $0xFFFFC000  }
0x33: {  	[spmem:s9] =	stream.linear.scatter [tilespmem:s13], [sflag:$0x3], $0x3C00, $0x38;
	[tilespmem:$0x1E600] =	vst v63  }
0x34: {  	_ =	swait.ge [sflag:s14], $0x3C00  }
0x35: {  	[sflag:s14] =	ssyncset.done $0x0  }
0x36: {  	s31 =	simm.s32 $0x0;
	[sflag:s14] =	ssyncadd.s32 $0xFFFFC400  }
0x37: {  	[tilespmem:s31], [sflag:$0x3] =	stream.linear.gather [hbm4b:s10+s31], $0x2800, $0x38;
	[tilespmem:$0x1E600] =	vst v63  }
0x38: {  	_ =	swait.ge [sflag:s14], $0x2800  }
0x39: {  	[sflag:s14] =	ssyncset.done $0x0  }
0x3a: {  	[sflag:s14] =	ssyncadd.s32 $0xFFFFD800  }
0x3b: {  	[bflag:$0x0] =	sbarrier.arrive $0xFFFF  }
0x3c: {  	v1 =	vld [tilespmem:$0x0];
	_ =	sdelay $0x1  }
0x3d: {  	v2 =	vld [tilespmem:$0x10];
	_ =	sdelay $0x1  }
0x3e: {  	v3 =	vld [tilespmem:$0x20]  }
0x3f: {  	v4 =	vand.u32 $0xFFFF, v1  }
0x40: {  	v59 =	vld [tilespmem:$0x30];
	v1 =	vshra.s32 v1, $0x10;
	[tilespmem:$0x2800] =	vst v4  }
0x41: {  	[tilespmem:$0x2880] =	vst v1;
	v1 =	vand.u32 $0xFFFF, v2  }
0x42: {  	[tilespmem:$0x2810] =	vst v1;
	v1 =	vshra.s32 v2, $0x10;
	v2 =	vld [tilespmem:$0x40]  }
0x43: {  	[tilespmem:$0x2890] =	vst v1;
	v1 =	vand.u32 $0xFFFF, v3  }
0x44: {  	[tilespmem:$0x2820] =	vst v1;
	v1 =	vshra.s32 v3, $0x10;
	v3 =	vld [tilespmem:$0x50]  }
0x45: {  	[tilespmem:$0x28A0] =	vst v1;
	v1 =	vand.u32 $0xFFFF, v59  }
0x46: {  	v60 =	vld [tilespmem:$0x60];
	[tilespmem:$0x2830] =	vst v1;
	v1 =	vshra.s32 v59, $0x10  }
0x47: {  	[tilespmem:$0x28B0] =	vst v1;
	v1 =	vand.u32 $0xFFFF, v2  }
0x48: {  	[tilespmem:$0x2840] =	vst v1;
	v1 =	vshra.s32 v2, $0x10;
	v2 =	vld [tilespmem:$0x70]  }
0x49: {  	[tilespmem:$0x28C0] =	vst v1;
	v1 =	vand.u32 $0xFFFF, v3  }
0x4a: {  	[tilespmem:$0x2850] =	vst v1;
	v1 =	vshra.s32 v3, $0x10;
	v3 =	vld [tilespmem:$0x80]  }
0x4b: {  	[tilespmem:$0x28D0] =	vst v1;
	v1 =	vand.u32 $0xFFFF, v60  }
0x4c: {  	v61 =	vld [tilespmem:$0x90];
	[tilespmem:$0x2860] =	vst v1;
	v1 =	vshra.s32 v60, $0x10  }
0x4d: {  	[tilespmem:$0x28E0] =	vst v1;
	v1 =	vand.u32 $0xFFFF, v2  }
0x4e: {  	[tilespmem:$0x2870] =	vst v1;
	v1 =	vshra.s32 v2, $0x10;
	v2 =	vld [tilespmem:$0xA0]  }
0x4f: {  	[tilespmem:$0x28F0] =	vst v1;
	v1 =	vand.u32 $0xFFFF, v3  }
0x50: {  	[tilespmem:$0x2900] =	vst v1;
	v1 =	vshra.s32 v3, $0x10;
	v3 =	vld [tilespmem:$0xB0]  }
0x51: {  	[tilespmem:$0x2980] =	vst v1;
	v1 =	vand.u32 $0xFFFF, v61  }
0x52: {  	v62 =	vld [tilespmem:$0xC0];
	[tilespmem:$0x2910] =	vst v1;
	v1 =	vshra.s32 v61, $0x10  }
0x53: {  	[tilespmem:$0x2990] =	vst v1;
	v1 =	vand.u32 $0xFFFF, v2  }
0x54: {  	[tilespmem:$0x2920] =	vst v1;
	v1 =	vshra.s32 v2, $0x10;
	v2 =	vld [tilespmem:$0xD0]  }
0x55: {  	[tilespmem:$0x29A0] =	vst v1;
	v1 =	vand.u32 $0xFFFF, v3  }
0x56: {  	[tilespmem:$0x2930] =	vst v1;
	v1 =	vshra.s32 v3, $0x10;
	v3 =	vld [tilespmem:$0xE0]  }
0x57: {  	[tilespmem:$0x29B0] =	vst v1;
	v1 =	vand.u32 $0xFFFF, v62  }
0x58: {  	v63 =	vld [tilespmem:$0xF0];
	[tilespmem:$0x2940] =	vst v1;
	v1 =	vshra.s32 v62, $0x10  }
0x59: {  	[tilespmem:$0x29C0] =	vst v1;
	v1 =	vand.u32 $0xFFFF, v2  }
0x5a: {  	[tilespmem:$0x2950] =	vst v1;
	v1 =	vshra.s32 v2, $0x10  }
0x5b: {  	[tilespmem:$0x29D0] =	vst v1;
	v1 =	vand.u32 $0xFFFF, v3  }
0x5c: {  	[tilespmem:$0x2960] =	vst v1;
	v1 =	vshra.s32 v3, $0x10  }
0x5d: {  	[tilespmem:$0x29E0] =	vst v1;
	v1 =	vand.u32 $0xFFFF, v63  }
0x5e: {  	[tilespmem:$0x2970] =	vst v1;
	v1 =	vshra.s32 v63, $0x10  }
0x5f: {  	[tilespmem:$0x29F0] =	vst v1  }
0x60: {  	_ =	sdelay $0x7ff  }
0x61: {  	_ =	sdelay $0xe0  }
0x62: {  	[tilespmem:s13], [sflag:$0x1] =	stream.indirect.gather [hbm4b:s2+s15], $0x80, s16, s15, $0xb8;
	[tilespmem:$0x1E600] =	vst v63  }
0x63: {  	_ = 	snop  }
0x64: {  	[tilespmem:s18], [sflag:$0x2] =	stream.indirect.gather [hbm4b:s2+s15], $0x80, s17, s15, $0xb8;
	[tilespmem:$0x1E600] =	vst v63  }
0x65: {  	_ =	swait.ge [sflag:s19], $0x4000  }
0x66: {  	[sflag:s19] =	ssyncset.done $0x0  }
0x67: {  	[sflag:s19] =	ssyncadd.s32 $0xFFFFC000  }
0x68: {  	[spmem:s3] =	stream.indirect.scatter.add.f32 [tilespmem:s13], [sflag:$0x3], $0x80, s20, s15, $0xb8;
	[tilespmem:$0x1E600] =	vst v63  }
0x69: {  	_ =	swait.ge [sflag:s14], $0x4000  }
0x6a: {  	[sflag:s14] =	ssyncset.done $0x0  }
0x6b: {  	s23 =	simm.s32 $0x0;
	[sflag:s14] =	ssyncadd.s32 $0xFFFFC000  }
0x6c: {  	v1 =	vld [tilespmem:s23+$0x100];
	_ =	sdelay $0x4  }
0x6d: {  	v2 =	vand.u32 $0xFFFF, v1  }
0x6e: {  	v1 =	vshra.s32 v1, $0x10;
	[tilespmem:$0x2800] =	vst v2  }
0x6f: {  	[tilespmem:$0x2880] =	vst v1  }
0x70: {  	v1 =	vld [tilespmem:s23+$0x110];
	_ =	sdelay $0x4  }
0x71: {  	v2 =	vand.u32 $0xFFFF, v1  }
0x72: {  	v1 =	vshra.s32 v1, $0x10;
	[tilespmem:$0x2810] =	vst v2  }
0x73: {  	[tilespmem:$0x2890] =	vst v1  }
0x74: {  	v1 =	vld [tilespmem:s23+$0x120];
	_ =	sdelay $0x4  }
0x75: {  	v2 =	vand.u32 $0xFFFF, v1  }
0x76: {  	v1 =	vshra.s32 v1, $0x10;
	[tilespmem:$0x2820] =	vst v2  }
0x77: {  	[tilespmem:$0x28A0] =	vst v1  }
0x78: {  	v1 =	vld [tilespmem:s23+$0x130];
	_ =	sdelay $0x4  }
0x79: {  	v2 =	vand.u32 $0xFFFF, v1  }
0x7a: {  	v1 =	vshra.s32 v1, $0x10;
	[tilespmem:$0x2830] =	vst v2  }
0x7b: {  	[tilespmem:$0x28B0] =	vst v1  }
0x7c: {  	v1 =	vld [tilespmem:s23+$0x140];
	_ =	sdelay $0x4  }
0x7d: {  	v2 =	vand.u32 $0xFFFF, v1  }
0x7e: {  	v1 =	vshra.s32 v1, $0x10;
	[tilespmem:$0x2840] =	vst v2  }
0x7f: {  	[tilespmem:$0x28C0] =	vst v1  }
0x80: {  	v1 =	vld [tilespmem:s23+$0x150];
	_ =	sdelay $0x4  }
0x81: {  	v2 =	vand.u32 $0xFFFF, v1  }
0x82: {  	v1 =	vshra.s32 v1, $0x10;
	[tilespmem:$0x2850] =	vst v2  }
0x83: {  	[tilespmem:$0x28D0] =	vst v1  }
0x84: {  	v1 =	vld [tilespmem:s23+$0x160];
	_ =	sdelay $0x4  }
0x85: {  	v2 =	vand.u32 $0xFFFF, v1  }
0x86: {  	v1 =	vshra.s32 v1, $0x10;
	[tilespmem:$0x2860] =	vst v2  }
0x87: {  	[tilespmem:$0x28E0] =	vst v1  }
0x88: {  	v1 =	vld [tilespmem:s23+$0x170];
	_ =	sdelay $0x4  }
0x89: {  	v2 =	vand.u32 $0xFFFF, v1  }
0x8a: {  	v1 =	vshra.s32 v1, $0x10;
	[tilespmem:$0x2870] =	vst v2  }
0x8b: {  	[tilespmem:$0x28F0] =	vst v1  }
0x8c: {  	_ =	sdelay $0x7ff  }
0x8d: {  	_ =	sdelay $0x70  }
0x8e: {  	[tilespmem:s13], [sflag:$0x1] =	stream.indirect.gather [hbm4b:s2+s15], $0x80, s16, s15, $0xb8;
	[tilespmem:$0x1E600] =	vst v63  }
0x8f: {  	_ =	swait.ge [sflag:s21], $0x4000  }
0x90: {  	[sflag:s21] =	ssyncset.done $0x0  }
0x91: {  	[sflag:s21] =	ssyncadd.s32 $0xFFFFC000  }
0x92: {  	[spmem:s3] =	stream.indirect.scatter.add.f32 [tilespmem:s18], [sflag:$0x3], $0x80, s22, s15, $0xb8;
	[tilespmem:$0x1E600] =	vst v63  }
0x93: {  	_ =	swait.ge [sflag:s14], $0x4000  }
0x94: {  	[sflag:s14] =	ssyncset.done $0x0  }
0x95: {  	[sflag:s14] =	ssyncadd.s32 $0xFFFFC000  }
0x96: {  	v1 =	vld [tilespmem:s23+$0x180];
	_ =	sdelay $0x4  }
0x97: {  	v2 =	vand.u32 $0xFFFF, v1  }
0x98: {  	v1 =	vshra.s32 v1, $0x10;
	[tilespmem:$0x2900] =	vst v2  }
0x99: {  	[tilespmem:$0x2980] =	vst v1  }
0x9a: {  	v1 =	vld [tilespmem:s23+$0x190];
	_ =	sdelay $0x4  }
0x9b: {  	v2 =	vand.u32 $0xFFFF, v1  }
0x9c: {  	v1 =	vshra.s32 v1, $0x10;
	[tilespmem:$0x2910] =	vst v2  }
0x9d: {  	[tilespmem:$0x2990] =	vst v1  }
0x9e: {  	v1 =	vld [tilespmem:s23+$0x1A0];
	_ =	sdelay $0x4  }
0x9f: {  	v2 =	vand.u32 $0xFFFF, v1  }
0xa0: {  	v1 =	vshra.s32 v1, $0x10;
	[tilespmem:$0x2920] =	vst v2  }
0xa1: {  	[tilespmem:$0x29A0] =	vst v1  }
0xa2: {  	v1 =	vld [tilespmem:s23+$0x1B0];
	_ =	sdelay $0x4  }
0xa3: {  	v2 =	vand.u32 $0xFFFF, v1  }
0xa4: {  	v1 =	vshra.s32 v1, $0x10;
	[tilespmem:$0x2930] =	vst v2  }
0xa5: {  	[tilespmem:$0x29B0] =	vst v1  }
0xa6: {  	v1 =	vld [tilespmem:s23+$0x1C0];
	_ =	sdelay $0x4  }
0xa7: {  	v2 =	vand.u32 $0xFFFF, v1  }
0xa8: {  	v1 =	vshra.s32 v1, $0x10;
	[tilespmem:$0x2940] =	vst v2  }
0xa9: {  	[tilespmem:$0x29C0] =	vst v1  }
0xaa: {  	v1 =	vld [tilespmem:s23+$0x1D0];
	_ =	sdelay $0x4  }
0xab: {  	v2 =	vand.u32 $0xFFFF, v1  }
0xac: {  	v1 =	vshra.s32 v1, $0x10;
	[tilespmem:$0x2950] =	vst v2  }
0xad: {  	[tilespmem:$0x29D0] =	vst v1  }
0xae: {  	s24 =	simm.s32 $0x400;
	v1 =	vld [tilespmem:s23+$0x1E0]  }
.LBB2_4:
0xaf: {  	_ = 	snop  }
0xb0: {  	p0 =	sne.s32 s24, $0x9800;
	s25 =	smov.u32 s24;
	s24 =	sadd.s32 $0x400, s24  }
0xb1: {  	_ =	sdelay $0x1  }
0xb2: {  	v2 =	vand.u32 $0xFFFF, v1;
	v1 =	vshra.s32 v1, $0x10  }
0xb3: {  	[tilespmem:$0x2960] =	vst v2  }
0xb4: {  	[tilespmem:$0x29E0] =	vst v1  }
0xb5: {  	v1 =	vld [tilespmem:s23+$0x1F0];
	_ =	sdelay $0x4  }
0xb6: {  	v2 =	vand.u32 $0xFFFF, v1;
	v1 =	vshra.s32 v1, $0x10  }
0xb7: {  	[tilespmem:$0x2970] =	vst v2  }
0xb8: {  	[tilespmem:$0x29F0] =	vst v1  }
0xb9: {  	_ =	sdelay $0x7ff  }
0xba: {  	_ =	sdelay $0x70  }
0xbb: {  	[tilespmem:s18], [sflag:$0x2] =	stream.indirect.gather [hbm4b:s2+s15], $0x80, s17, s15, $0xb8;
	[tilespmem:$0x1E600] =	vst v63  }
0xbc: {  	_ =	swait.ge [sflag:s19], $0x4000  }
0xbd: {  	[sflag:s19] =	ssyncset.done $0x0  }
0xbe: {  	[sflag:s19] =	ssyncadd.s32 $0xFFFFC000  }
0xbf: {  	[spmem:s3] =	stream.indirect.scatter.add.f32 [tilespmem:s13], [sflag:$0x3], $0x80, s20, s15, $0xb8;
	[tilespmem:$0x1E600] =	vst v63  }
0xc0: {  	_ =	swait.ge [sflag:s14], $0x4000  }
0xc1: {  	[sflag:s14] =	ssyncset.done $0x0  }
0xc2: {  	s23 =	sshra.s32 s25, $0x2;
	[sflag:s14] =	ssyncadd.s32 $0xFFFFC000  }
0xc3: {  	v1 =	vld [tilespmem:s23+$0x100];
	_ =	sdelay $0x4  }
0xc4: {  	v2 =	vand.u32 $0xFFFF, v1;
	v1 =	vshra.s32 v1, $0x10  }
0xc5: {  	[tilespmem:$0x2800] =	vst v2  }
0xc6: {  	[tilespmem:$0x2880] =	vst v1  }
0xc7: {  	v1 =	vld [tilespmem:s23+$0x110];
	_ =	sdelay $0x4  }
0xc8: {  	v2 =	vand.u32 $0xFFFF, v1;
	v1 =	vshra.s32 v1, $0x10  }
0xc9: {  	[tilespmem:$0x2810] =	vst v2  }
0xca: {  	[tilespmem:$0x2890] =	vst v1  }
0xcb: {  	v1 =	vld [tilespmem:s23+$0x120];
	_ =	sdelay $0x4  }
0xcc: {  	v2 =	vand.u32 $0xFFFF, v1;
	v1 =	vshra.s32 v1, $0x10  }
0xcd: {  	[tilespmem:$0x2820] =	vst v2  }
0xce: {  	[tilespmem:$0x28A0] =	vst v1  }
0xcf: {  	v1 =	vld [tilespmem:s23+$0x130];
	_ =	sdelay $0x4  }
0xd0: {  	v2 =	vand.u32 $0xFFFF, v1;
	v1 =	vshra.s32 v1, $0x10  }
0xd1: {  	[tilespmem:$0x2830] =	vst v2  }
0xd2: {  	[tilespmem:$0x28B0] =	vst v1  }
0xd3: {  	v1 =	vld [tilespmem:s23+$0x140];
	_ =	sdelay $0x4  }
0xd4: {  	v2 =	vand.u32 $0xFFFF, v1;
	v1 =	vshra.s32 v1, $0x10  }
0xd5: {  	[tilespmem:$0x2840] =	vst v2  }
0xd6: {  	[tilespmem:$0x28C0] =	vst v1  }
0xd7: {  	v1 =	vld [tilespmem:s23+$0x150];
	_ =	sdelay $0x4  }
0xd8: {  	v2 =	vand.u32 $0xFFFF, v1;
	v1 =	vshra.s32 v1, $0x10  }
0xd9: {  	[tilespmem:$0x2850] =	vst v2  }
0xda: {  	[tilespmem:$0x28D0] =	vst v1  }
0xdb: {  	v1 =	vld [tilespmem:s23+$0x160];
	_ =	sdelay $0x4  }
0xdc: {  	v2 =	vand.u32 $0xFFFF, v1;
	v1 =	vshra.s32 v1, $0x10  }
0xdd: {  	[tilespmem:$0x2860] =	vst v2  }
0xde: {  	[tilespmem:$0x28E0] =	vst v1  }
0xdf: {  	v1 =	vld [tilespmem:s23+$0x170];
	_ =	sdelay $0x4  }
0xe0: {  	v2 =	vand.u32 $0xFFFF, v1;
	v1 =	vshra.s32 v1, $0x10  }
0xe1: {  	[tilespmem:$0x2870] =	vst v2  }
0xe2: {  	[tilespmem:$0x28F0] =	vst v1  }
0xe3: {  	_ =	sdelay $0x7ff  }
0xe4: {  	_ =	sdelay $0x70  }
0xe5: {  	[tilespmem:s13], [sflag:$0x1] =	stream.indirect.gather [hbm4b:s2+s15], $0x80, s16, s15, $0xb8;
	[tilespmem:$0x1E600] =	vst v63  }
0xe6: {  	_ =	swait.ge [sflag:s21], $0x4000  }
0xe7: {  	[sflag:s21] =	ssyncset.done $0x0  }
0xe8: {  	[sflag:s21] =	ssyncadd.s32 $0xFFFFC000  }
0xe9: {  	[spmem:s3] =	stream.indirect.scatter.add.f32 [tilespmem:s18], [sflag:$0x3], $0x80, s22, s15, $0xb8;
	[tilespmem:$0x1E600] =	vst v63  }
0xea: {  	_ =	swait.ge [sflag:s14], $0x4000  }
0xeb: {  	[sflag:s14] =	ssyncset.done $0x0  }
0xec: {  	[sflag:s14] =	ssyncadd.s32 $0xFFFFC000  }
0xed: {  	v1 =	vld [tilespmem:s23+$0x180];
	_ =	sdelay $0x4  }
0xee: {  	v2 =	vand.u32 $0xFFFF, v1;
	v1 =	vshra.s32 v1, $0x10  }
0xef: {  	[tilespmem:$0x2900] =	vst v2  }
0xf0: {  	[tilespmem:$0x2980] =	vst v1  }
0xf1: {  	v1 =	vld [tilespmem:s23+$0x190];
	_ =	sdelay $0x4  }
0xf2: {  	v2 =	vand.u32 $0xFFFF, v1;
	v1 =	vshra.s32 v1, $0x10  }
0xf3: {  	[tilespmem:$0x2910] =	vst v2  }
0xf4: {  	[tilespmem:$0x2990] =	vst v1  }
0xf5: {  	v1 =	vld [tilespmem:s23+$0x1A0];
	_ =	sdelay $0x4  }
0xf6: {  	v2 =	vand.u32 $0xFFFF, v1;
	v1 =	vshra.s32 v1, $0x10  }
0xf7: {  	[tilespmem:$0x2920] =	vst v2  }
0xf8: {  	[tilespmem:$0x29A0] =	vst v1  }
0xf9: {  	v1 =	vld [tilespmem:s23+$0x1B0];
	_ =	sdelay $0x4  }
0xfa: {  	v2 =	vand.u32 $0xFFFF, v1;
	v1 =	vshra.s32 v1, $0x10  }
0xfb: {  	[tilespmem:$0x2930] =	vst v2  }
0xfc: {  	[tilespmem:$0x29B0] =	vst v1  }
0xfd: {  	v1 =	vld [tilespmem:s23+$0x1C0];
	_ =	sdelay $0x4  }
0xfe: {  	v2 =	vand.u32 $0xFFFF, v1;
	v1 =	vshra.s32 v1, $0x10  }
0xff: {  	[tilespmem:$0x2940] =	vst v2  }
0x100: {  	[tilespmem:$0x29C0] =	vst v1  }
0x101: {  	v1 =	vld [tilespmem:s23+$0x1D0];
	_ =	sdelay $0x3  }
.Ltmp1:
0x102: {  	(pc) =	sbr.rel @p0 .LBB2_4-.Ltmp1, $4  }
0x103: {  	v2 =	vand.u32 $0xFFFF, v1;
	v1 =	vshra.s32 v1, $0x10  }
0x104: {  	[tilespmem:$0x2950] =	vst v2  }
0x105: {  	[tilespmem:$0x29D0] =	vst v1  }
0x106: {  	v1 =	vld [tilespmem:s23+$0x1E0]  }
0x107: {  	_ =	sdelay $0x3  }
0x108: {  	v2 =	vand.u32 $0xFFFF, v1  }
0x109: {  	v1 =	vshra.s32 v1, $0x10;
	[tilespmem:$0x2960] =	vst v2  }
0x10a: {  	[tilespmem:$0x29E0] =	vst v1  }
0x10b: {  	v1 =	vld [tilespmem:s23+$0x1F0];
	_ =	sdelay $0x4  }
0x10c: {  	v2 =	vand.u32 $0xFFFF, v1  }
0x10d: {  	v1 =	vshra.s32 v1, $0x10;
	[tilespmem:$0x2970] =	vst v2  }
0x10e: {  	[tilespmem:$0x29F0] =	vst v1  }
0x10f: {  	_ =	sdelay $0x7ff  }
0x110: {  	_ =	sdelay $0x70  }
0x111: {  	[tilespmem:s18], [sflag:$0x2] =	stream.indirect.gather [hbm4b:s2+s15], $0x80, s17, s15, $0xb8;
	[tilespmem:$0x1E600] =	vst v63  }
0x112: {  	_ =	swait.ge [sflag:s19], $0x4000  }
0x113: {  	[sflag:s19] =	ssyncset.done $0x0  }
0x114: {  	[sflag:s19] =	ssyncadd.s32 $0xFFFFC000  }
0x115: {  	[spmem:s3] =	stream.indirect.scatter.add.f32 [tilespmem:s13], [sflag:$0x3], $0x80, s20, s15, $0xb8;
	[tilespmem:$0x1E600] =	vst v63  }
0x116: {  	_ =	swait.ge [sflag:s14], $0x4000  }
0x117: {  	[sflag:s14] =	ssyncset.done $0x0  }
0x118: {  	[sflag:s14] =	ssyncadd.s32 $0xFFFFC000  }
0x119: {  	_ =	swait.ge [sflag:s21], $0x4000  }
0x11a: {  	[sflag:s21] =	ssyncset.done $0x0  }
0x11b: {  	[sflag:s21] =	ssyncadd.s32 $0xFFFFC000  }
0x11c: {  	[spmem:s3] =	stream.indirect.scatter.add.f32 [tilespmem:s18], [sflag:$0x3], $0x80, s22, s15, $0xb8;
	[tilespmem:$0x1E600] =	vst v63  }
0x11d: {  	_ =	swait.ge [sflag:s14], $0x4000  }
0x11e: {  	s31 =	sshll.u32 s0, $0x6;
	s4 =	sadd.s32 $0x1, s4;
	[sflag:s14] =	ssyncset.done $0x0  }
0x11f: {  	s24 =	sshrl.u32 s5, $0x3;
	p0 =	sne.s32 s4, s12;
	[sflag:s14] =	ssyncadd.s32 $0xFFFFC000  }
.Ltmp2:
0x120: {  	s23 =	sor.u32 $0x1C03, s31;
	[bflag:$0x0] =	sbarrier.arrive $0xFFFF;
	(pc) =	sbr.rel @p0 .LBB2_1-.Ltmp2, $4  }
0x121: {  	[hbm:s11], [sflag:s23] =	dma.local [spmem:s24], $0x2780  }
0x122: {  	_ =	swait.ge [sflag:s14], $0x2780  }
0x123: {  	[sflag:s14] =	ssyncset.done $0x0  }
0x124: {  	[sflag:s14] =	ssyncadd.s32 $0xFFFFD880  }
0x125: {  	_ =	sfence.sel $0x180000  }
0x126: {  	[bflag:$0x0] =	sbarrier.arrive $0xFFFF  }
0x127: {  	p0 =	sne.s32 s0, $0x0;
	_ =	strace $0x9000004A  }
0x128: {  	s0 =	sadd.s32 @!p0 $0x100000, s1;
	[bflag:$0x2] =	sbarrier.arrive $0xFFFF  }
0x129: {  	[sflag:s0] =	ssyncadd.tile.s32 @!p0 $0x1;
	_ =	shalt  }
.Lfunc_end2:
_tile_overlayer_lowered:
.L_overlay_start_2:
0x12a: {  	(tag) =	ssettag $0x2  }
0x12b: {  	s0 =	rddreg [dreg:$0x0];
	s2 =	stileid.u32  }
0x12c: {  	s1 =	rddreg [dreg:$0x1];
	p0 =	sne.s32 s2, $0x0  }
0x12d: {  	s3 =	rddreg [dreg:$0x2];
	[bflag:$0x3] =	sbarrier.arrive $0xFFFF;
	s2 =	simm.s32 @!p0 $0x1C03  }
0x12e: {  	[timem:s3], [sflag:s2] =	dma.local @!p0 [hbm:s0], s1  }
0x12f: {  	s0 =	simm.s32 @!p0 $0x3  }
0x130: {  	_ =	swait.ge @!p0 [sflag:s0], s1  }
0x131: {  	s1 =	ssub.s32 @!p0 $0x0, s1;
	[sflag:s0] =	ssyncset.done @!p0 $0x0  }
0x132: {  	[sflag:s0] =	ssyncadd.s32 @!p0 s1  }
0x133: {  	[bflag:$0x3] =	sbarrier.arrive $0xFFFF  }
0x134: {  	_ =	shalt  }

// kernel: kernel.14.cloned.1.call-start
scs
__scs_entry_jumppad:
0x0: {  	(pc) =	sbr.rel $0x88, $3  }
0x1: {  	(tag) =	ssettag $0x0;
	lr =	simm.s32 $0x1  }
0x2: {  	[smem:$0x3F93] =	sst lr;
	_ =	strace $0xD0000000  }
0x3: {  	_ = 	snop  }
0x4: {  	_ = 	snop  }
0x5: {  	_ = 	snop  }
0x6: {  	_ = 	snop  }
0x7: {  	_ = 	snop  }
__scs_overlays_trampoline_lowered:
0x8: {  	[smem:$0x3FA2] =	sst s0  }
0x9: {  	[smem:$0x3FA3] =	sst s1  }
0xa: {  	[smem:$0x3FA4] =	sst s2  }
0xb: {  	[smem:$0x3FA5] =	sst s3  }
0xc: {  	[smem:$0x3FA6] =	sst s4  }
0xd: {  	[smem:$0x3FA7] =	sst s5  }
0xe: {  	[smem:$0x3FA8] =	sst s6  }
0xf: {  	[smem:$0x3FA9] =	sst s7  }
0x10: {  	[smem:$0x3FAA] =	sst s8  }
0x11: {  	[smem:$0x3FAB] =	sst s9;
	s0 =	simm.s32 @!p0 $0x0  }
0x12: {  	s1 =	sld [smem:$0x3F91];
	s0 =	simm.s32 @p0 $0x1  }
0x13: {  	[smem:$0x3FAC] =	sst s0;
	s0 =	simm.s32 @!p1 $0x0  }
0x14: {  	s2 =	sld [smem:$0x3F90];
	s0 =	simm.s32 @p1 $0x1  }
0x15: {  	[smem:$0x3FAD] =	sst s0;
	s0 =	simm.s32 @!p2 $0x0  }
0x16: {  	s3 =	sld [smem:$0x3FDB];
	s0 =	simm.s32 @p2 $0x1  }
0x17: {  	s4 =	simm.s32 $0x1BF5;
	[smem:$0x3FAF] =	sst s0  }
0x18: {  	s0 =	sld [smem:$0x3F92];
	_ =	swait.ge [sflag:s4], $0x0  }
0x19: {  	s7 =	sld [smem:$0x3F93]  }
0x1a: {  	s8 =	sadd.s32 $0xFFFFE003, lr  }
0x1b: {  	s9 =	sadd.s32 $0xFFFFFEF7, lr;
	s5 =	simm.s32 $0xFFFFFFFF;
	p2 =	slt.u32 s8, $0xFFFFF086  }
0x1c: {  	p1 =	slt.u32 s9, $0xF7A;
	s5 =	simm.s32 @!p2 $0x0  }
0x1d: {  	s5 =	simm.s32 @p1 $0x1;
	p0 =	seq.s32 s7, s2  }
0x1e: {  	s7 =	smul.u32 @!p0 $0xF7A, s2;
	p2 =	seq.s32 @!p0 s5, $0x0  }
0x1f: {  	s9 =	smul.u32 $0xF7A, s1;
	s8 =	simm.s32 @!p0 $0x1BF5;
	p2 =	por !p2, p0  }
0x20: {  	[sflag:s8] =	ssyncset.s32 @!p0 $0xFFFFF086;
	s6 =	sadd.s32 @!p0 s3, s7;
	s7 =	simm.s32 @!p0 $0x108  }
0x21: {  	s3 =	sadd.s32 s3, s9;
	s6 =	sadd.s32 @!p0 $0x88, s6;
	s7 =	simm.s32 @p2 $0x1082  }
0x22: {  	[simem:s7], [sflag:s8] =	dma.local @!p0 [hbm:s6], $0xF7A  }
0x23: {  	s9 =	sor.u32 $0xD0000000, s2;
	s6 =	simm.s32 $0x108;
	_ =	swait.ge @!p0 [sflag:s8], $0x0  }
0x24: {  	s3 =	sadd.s32 $0x88, s3;
	s6 =	simm.s32 @!p1 $0x1082;
	[sflag:s4] =	ssyncset.s32 $0xFFFFF086  }
0x25: {  	[simem:s6], [sflag:s4] =	dma.local [hbm:s3], $0xF7A  }
0x26: {  	[smem:$0x3F93] =	sst s1;
	(tag) =	ssettag s2;
	_ =	strace s9  }
0x27: {  	s1 =	sld [smem:$0x3FA3]  }
0x28: {  	s2 =	sld [smem:$0x3FA4]  }
0x29: {  	s4 =	sld [smem:$0x3FA6]  }
0x2a: {  	p0 =	seq.s32 s5, $0x0;
	s5 =	sld [smem:$0x3FA7]  }
0x2b: {  	s6 =	sld [smem:$0x3FA8]  }
0x2c: {  	s7 =	sld [smem:$0x3FA9]  }
0x2d: {  	s3 =	simm.s32 $0x108;
	s8 =	sld [smem:$0x3FAA]  }
0x2e: {  	s3 =	simm.s32 @!p0 $0x1082;
	s9 =	sld [smem:$0x3FAB]  }
0x2f: {  	lr =	sadd.s32 s0, s3;
	s0 =	sld [smem:$0x3FA2]  }
0x30: {  	s3 =	sld [smem:$0x3FA5]  }
0x31: {  	[smem:$0x3FAE] =	sst s10  }
0x32: {  	s10 =	sld [smem:$0x3FAC];
	_ =	sdelay $0x3  }
0x33: {  	p0 =	seq.s32 s10, $0x1;
	s10 =	sld [smem:$0x3FAE];
	_ =	sdelay $0x3  }
0x34: {  	[smem:$0x3FAE] =	sst s10  }
0x35: {  	s10 =	sld [smem:$0x3FAD];
	_ =	sdelay $0x3  }
0x36: {  	p1 =	seq.s32 s10, $0x1;
	s10 =	sld [smem:$0x3FAE];
	_ =	sdelay $0x3  }
0x37: {  	[smem:$0x3FAE] =	sst s10  }
0x38: {  	s10 =	sld [smem:$0x3FAF]  }
0x39: {  	_ = 	snop;
	(pc) =	sbr.ind lr, $3  }
0x3a: {  	_ = 	snop  }
0x3b: {  	_ = 	snop  }
0x3c: {  	p2 =	seq.s32 s10, $0x1;
	s10 =	sld [smem:$0x3FAE]  }
0x3d: {  	_ =	shalt  }
0x3e: {  	_ =	shalt  }
0x3f: {  	_ =	shalt  }
0x40: {  	_ =	shalt  }
0x41: {  	_ =	shalt  }
0x42: {  	_ =	shalt  }
0x43: {  	_ =	shalt  }
0x44: {  	_ =	shalt  }
0x45: {  	_ =	shalt  }
0x46: {  	_ =	shalt  }
0x47: {  	_ =	shalt  }
0x48: {  	_ =	shalt  }
0x49: {  	_ =	shalt  }
0x4a: {  	_ =	shalt  }
0x4b: {  	_ =	shalt  }
0x4c: {  	_ =	shalt  }
0x4d: {  	_ =	shalt  }
0x4e: {  	_ =	shalt  }
0x4f: {  	_ =	shalt  }
0x50: {  	_ =	shalt  }
0x51: {  	_ =	shalt  }
0x52: {  	_ =	shalt  }
0x53: {  	_ =	shalt  }
0x54: {  	_ =	shalt  }
0x55: {  	_ =	shalt  }
0x56: {  	_ =	shalt  }
0x57: {  	_ =	shalt  }
0x58: {  	_ =	shalt  }
0x59: {  	_ =	shalt  }
0x5a: {  	_ =	shalt  }
0x5b: {  	_ =	shalt  }
0x5c: {  	_ =	shalt  }
0x5d: {  	_ =	shalt  }
0x5e: {  	_ =	shalt  }
0x5f: {  	_ =	shalt  }
0x60: {  	_ =	shalt  }
0x61: {  	_ =	shalt  }
0x62: {  	_ =	shalt  }
0x63: {  	_ =	shalt  }
0x64: {  	_ =	shalt  }
0x65: {  	_ =	shalt  }
0x66: {  	_ =	shalt  }
0x67: {  	_ =	shalt  }
0x68: {  	_ =	shalt  }
0x69: {  	_ =	shalt  }
0x6a: {  	_ =	shalt  }
0x6b: {  	_ =	shalt  }
0x6c: {  	_ =	shalt  }
0x6d: {  	_ =	shalt  }
0x6e: {  	_ =	shalt  }
0x6f: {  	_ =	shalt  }
0x70: {  	_ =	shalt  }
0x71: {  	_ =	shalt  }
0x72: {  	_ =	shalt  }
0x73: {  	_ =	shalt  }
0x74: {  	_ =	shalt  }
0x75: {  	_ =	shalt  }
0x76: {  	_ =	shalt  }
0x77: {  	_ =	shalt  }
0x78: {  	_ =	shalt  }
0x79: {  	_ =	shalt  }
0x7a: {  	_ =	shalt  }
0x7b: {  	_ =	shalt  }
0x7c: {  	_ =	shalt  }
0x7d: {  	_ =	shalt  }
0x7e: {  	_ =	shalt  }
0x7f: {  	_ =	shalt  }
0x80: {  	_ =	shalt  }
0x81: {  	_ =	shalt  }
0x82: {  	_ =	shalt  }
0x83: {  	_ =	shalt  }
0x84: {  	_ =	shalt  }
0x85: {  	_ =	shalt  }
0x86: {  	_ =	shalt  }
0x87: {  	_ =	shalt  }
.Lfunc_end0:
.L_simem_size_0:
called_computation.2_lowered:
.L_overlay_start_0:
0x88: {  	s2 =	sld [smem:$0x3FD9]  }
0x89: {  	s3 =	sld [smem:$0x3FFE];
	_ =	sdelay $0x1  }
0x8a: {  	s1 =	srdreg.scid  }
0x8b: {  	s0 =	sand.u32 $0x1, s1  }
0x8c: {  	s17 =	sshll.u32 s0, $0xA;
	s2 =	sadd.s32 s3, s2  }
0x8d: {  	s2 =	sadd.s32 s2, s17  }
0x8e: {  	[smem:$0x3FBA] =	sst s2  }
0x8f: {  	_ = 	snop  }
0x90: {  	s2 =	sld [smem:$0x3FD0];
	(tm) =	ssettm $0x1  }
0x91: {  	s18 =	sld [smem:$0x3FFB];
	_ =	sdelay $0x3  }
0x92: {  	_ =	strace s18  }
0x93: {  	s3 =	sld [smem:$0x3FFC];
	_ =	sdelay $0x3  }
0x94: {  	_ =	strace s3  }
0x95: {  	s3 =	sld [smem:$0x3FFD];
	_ =	sdelay $0x3  }
0x96: {  	_ =	strace s3  }
0x97: {  	_ =	strace $0x8FFFFFFF  }
0x98: {  	s19 =	sld [smem:$0x3FDB];
	_ =	sdelay $0x1  }
0x99: {  	s4 =	simm.s32 $_scs_section_size  }
0x9a: {  	s5 =	simm.s32 $_size__tile_overlayer_lowered;
	s6 =	simm.s32 $_tile_overlayer_lowered  }
0x9b: {  	s22 =	simm.s32 $0x1BFF;
	s21 =	sshll.u32 s6, $0x1;
	s3 =	sadd.s32 s4, s19  }
0x9c: {  	s7 =	simm.s32 $0x0;
	s20 =	sshll.u32 s5, $0x1;
	s5 =	sadd.s32 s21, s3  }
0x9d: {  	[timem:s7], [sflag:s22] =	dma.local [hbm:s5], s20  }
0x9e: {  	_ =	swait.ge [sflag:s22], s20  }
0x9f: {  	s4 =	ssub.s32 $0x0, s20;
	[sflag:s22] =	ssyncset.done $0x0  }
0xa0: {  	[sflag:s22] =	ssyncadd.s32 s4;
	_ =	sdelay $0x1  }
0xa1: {  	s23 =	simm.s32 $0x1B8B  }
0xa2: {  	_ =	swait.ge [sflag:s23], $0x1  }
0xa3: {  	[sflag:s23] =	ssyncset.done $0x0  }
0xa4: {  	s25 =	simm.s32 $0x1B8E;
	s24 =	sld [smem:$0x3FFE];
	[sflag:s23] =	ssyncadd.s32 $0xFFFFFFFF  }
0xa5: {  	s26 =	simm.s32 $execute0_lowered;
	[smem:$0x3FD2] =	sst s25  }
0xa6: {  	s5 =	sshll.u32 s26, $0x1;
	_ =	strace $0x8000004C;
	[dreg:$0x1] =	wrdreg $0xFFFFFFFF  }
0xa7: {  	s28 =	simm.s32 $_size_execute0_lowered;
	s3 =	sadd.s32 s3, s5;
	[dreg:$0x0] =	wrdreg $0x0  }
0xa8: {  	s5 =	sshll.u32 s28, $0x1;
	[dreg:$0x2] =	wrdreg s3  }
0xa9: {  	[dreg:$0x3] =	wrdreg s5  }
0xaa: {  	[dreg:$0x4] =	wrdreg $0xC0  }
0xab: {  	_ =	task [dreg:s7], $0x5FFFF  }
0xac: {  	[dreg:$0x1] =	wrdreg $0xFFFFFFFF  }
0xad: {  	[dreg:$0x0] =	wrdreg $0x60  }
0xae: {  	[dreg:$0x2] =	wrdreg s2  }
0xaf: {  	[dreg:$0x3] =	wrdreg s24  }
0xb0: {  	[dreg:$0x4] =	wrdreg $0xAA000  }
0xb1: {  	[dreg:$0x5] =	wrdreg $0x9  }
0xb2: {  	_ =	task.clear_ibuf [dreg:s7], $0x6FFFF;
	_ =	strace $0x9000004C  }
0xb3: {  	s29 =	simm.s32 $0x9;
	_ =	strace $0x8000004E  }
0xb4: {  	_ =	swait.ge [sflag:s29], $0x1  }
0xb5: {  	[sflag:s29] =	ssyncadd.s32 $0xFFFFFFFF  }
0xb6: {  	_ =	strace $0x9000004E  }
0xb7: {  	_ =	sfence  }
0xb8: {  	s30 =	sld [smem:$0x0];
	_ =	sdelay $0x2  }
0xb9: {  	s31 =	sshll.u32 s1, $0xD;
	s1 =	sshrl.u32 s1, $0x2  }
0xba: {  	s3 =	sand.u32 $0x4000, s31;
	s1 =	sadd.s32 s1, s30  }
0xbb: {  	s0 =	sor.u32 s3, s0;
	s1 =	sshll.u32 s1, $0x11  }
0xbc: {  	s0 =	sor.u32 s1, s0  }
0xbd: {  	s0 =	sadd.s32 $0x8F2B, s0  }
0xbe: {  	[sflag:s0] =	ssyncadd.remote.s32 $0x1  }
0xbf: {  	_ =	sfence.sel $0xFFFF  }
0xc0: {  	[dreg:$0x0] =	wrdreg $0xFFFFFFFF;
	(pc) =	sbr.abs _section_cstart, $3  }
0xc1: {  	[dreg:$0x1] =	wrdreg $0xFFFFFFFF  }
0xc2: {  	_ =	task.clear_ibuf [dreg:s7], $0x2FFFF;
	_ =	strace $0x9FFFFFFF  }
0xc3: {  	(tm) =	ssettm $0x7FFFFFFF  }
tec
execute0_lowered:
.L_overlay_start_1:
0x0: {  	(tag) =	ssettag $0x1  }
0x1: {  	s2 =	rddreg [dreg:$0x0]  }
0x2: {  	s1 =	srdreg.scid;
	s6 =	rddreg [dreg:$0x1]  }
0x3: {  	s0 =	stileid.u32;
	s3 =	rddreg [dreg:$0x2];
	s4 =	simm.s32 $0x0  }
0x4: {  	s14 =	simm.s32 $0x3;
	s15 =	simm.s32 $0x80;
	s16 =	simm.s32 $0x2800  }
0x5: {  	s17 =	simm.s32 $0x2900;
	s18 =	simm.s32 $0x6A00;
	s19 =	simm.s32 $0x1  }
0x6: {  	s20 =	simm.s32 $0x2880;
	s21 =	simm.s32 $0x2;
	s9 =	smul.u32 $0x13C00, s0  }
0x7: {  	s5 =	sand.u32 $0x1, s1;
	s26 =	sshll.u32 s0, $0x1;
	s10 =	smul.u32 $0x4F000, s0  }
0x8: {  	s22 =	simm.s32 $0x2980;
	s1 =	sor.u32 s5, s26;
	s8 =	smul.u32 $0x13C000, s5  }
0x9: {  	[smem:$0x7FF] =	sst s4;
	s29 =	ssub.s32 $0x2, s5;
	s7 =	smul.u32 $0x500, s1  }
0xa: {  	s1 =	rddreg [dreg:$0x3];
	_ =	strace $0x8000004D;
	s30 =	sshrl.u32 s10, $0x2  }
0xb: {  	s31 =	sshrl.u32 s29, $0x1;
	s28 =	sadd.s32 s9, s8;
	s5 =	sadd.s32 s30, s3  }
0xc: {  	s13 =	ssub.s32 s29, s31;
	s11 =	sadd.s32 s7, s6;
	s7 =	sshrl.u32 s28, $0x3  }
0xd: {  	s8 =	sadd.s32 $0xC000, s5;
	s9 =	sadd.s32 $0x10000, s5;
	s12 =	sadd.s32 s7, s6  }
0xe: {  	s6 =	sadd.s32 $0x4000, s5;
	s7 =	sadd.s32 $0x8000, s5;
	s10 =	sadd.s32 $0x3A00, s11  }
0xf: {  	v0 =	vimm.f32 $0.0e+00;
	s11 =	sadd.s32 $0xDA00, s12;
	s12 =	smax.u32 s13, $0x1;
	s13 =	simm.s32 $0x2A00  }
.LBB2_1:
0x10: {  	s23 =	simm.s32 $0x0;
	s24 =	simm.s32 $0x200  }
.LBB2_2:
0x11: {  	p0 =	sne.s32 s24, $0xFE00;
	[tilespmem:s23+$0x2A70] =	vst v0  }
0x12: {  	[tilespmem:s23+$0x2A00] =	vst v0  }
0x13: {  	[tilespmem:s23+$0x2A10] =	vst v0  }
.Ltmp0:
0x14: {  	[tilespmem:s23+$0x2A20] =	vst v0;
	(pc) =	sbr.rel @p0 .LBB2_2-.Ltmp0, $4  }
0x15: {  	[tilespmem:s23+$0x2A30] =	vst v0  }
0x16: {  	[tilespmem:s23+$0x2A40] =	vst v0  }
0x17: {  	[tilespmem:s23+$0x2A50] =	vst v0  }
0x18: {  	[tilespmem:s23+$0x2A60] =	vst v0;
	s23 =	sshra.s32 s24, $0x2;
	s24 =	sadd.s32 $0x200, s24  }
0x19: {  	[tilespmem:s23+$0x2A70] =	vst v0  }
0x1a: {  	[tilespmem:s23+$0x2A00] =	vst v0  }
0x1b: {  	[tilespmem:s23+$0x2A10] =	vst v0  }
0x1c: {  	[tilespmem:s23+$0x2A20] =	vst v0  }
0x1d: {  	[tilespmem:s23+$0x2A30] =	vst v0  }
0x1e: {  	[tilespmem:s23+$0x2A40] =	vst v0  }
0x1f: {  	[tilespmem:s23+$0x2A50] =	vst v0  }
0x20: {  	[tilespmem:s23+$0x2A60] =	vst v0  }
0x21: {  	_ =	sdelay $0x7ff  }
0x22: {  	_ =	sdelay $0xe0  }
0x23: {  	[spmem:s5] =	stream.linear.scatter [tilespmem:s13], [sflag:$0x3], $0x4000, $0x38;
	[tilespmem:$0x1E600] =	vst v63  }
0x24: {  	_ =	swait.ge [sflag:s14], $0x4000  }
0x25: {  	[sflag:s14] =	ssyncset.done $0x0  }
0x26: {  	[sflag:s14] =	ssyncadd.s32 $0xFFFFC000  }
0x27: {  	[spmem:s6] =	stream.linear.scatter [tilespmem:s13], [sflag:$0x3], $0x4000, $0x38;
	[tilespmem:$0x1E600] =	vst v63  }
0x28: {  	_ =	swait.ge [sflag:s14], $0x4000  }
0x29: {  	[sflag:s14] =	ssyncset.done $0x0  }
0x2a: {  	[sflag:s14] =	ssyncadd.s32 $0xFFFFC000  }
0x2b: {  	[spmem:s7] =	stream.linear.scatter [tilespmem:s13], [sflag:$0x3], $0x4000, $0x38;
	[tilespmem:$0x1E600] =	vst v63  }
0x2c: {  	_ =	swait.ge [sflag:s14], $0x4000  }
0x2d: {  	[sflag:s14] =	ssyncset.done $0x0  }
0x2e: {  	[sflag:s14] =	ssyncadd.s32 $0xFFFFC000  }
0x2f: {  	[spmem:s8] =	stream.linear.scatter [tilespmem:s13], [sflag:$0x3], $0x4000, $0x38;
	[tilespmem:$0x1E600] =	vst v63  }
0x30: {  	_ =	swait.ge [sflag:s14], $0x4000  }
0x31: {  	[sflag:s14] =	ssyncset.done $0x0  }
0x32: {  	[sflag:s14] =	ssyncadd.s32 $0xFFFFC000  }
0x33: {  	[spmem:s9] =	stream.linear.scatter [tilespmem:s13], [sflag:$0x3], $0x3C00, $0x38;
	[tilespmem:$0x1E600] =	vst v63  }
0x34: {  	_ =	swait.ge [sflag:s14], $0x3C00  }
0x35: {  	[sflag:s14] =	ssyncset.done $0x0  }
0x36: {  	s31 =	simm.s32 $0x0;
	[sflag:s14] =	ssyncadd.s32 $0xFFFFC400  }
0x37: {  	[tilespmem:s31], [sflag:$0x3] =	stream.linear.gather [hbm4b:s10+s31], $0x2800, $0x38;
	[tilespmem:$0x1E600] =	vst v63  }
0x38: {  	_ =	swait.ge [sflag:s14], $0x2800  }
0x39: {  	[sflag:s14] =	ssyncset.done $0x0  }
0x3a: {  	[sflag:s14] =	ssyncadd.s32 $0xFFFFD800  }
0x3b: {  	[bflag:$0x0] =	sbarrier.arrive $0xFFFF  }
0x3c: {  	v1 =	vld [tilespmem:$0x0];
	_ =	sdelay $0x1  }
0x3d: {  	v2 =	vld [tilespmem:$0x10];
	_ =	sdelay $0x1  }
0x3e: {  	v3 =	vld [tilespmem:$0x20]  }
0x3f: {  	v4 =	vand.u32 $0xFFFF, v1  }
0x40: {  	v59 =	vld [tilespmem:$0x30];
	v1 =	vshra.s32 v1, $0x10;
	[tilespmem:$0x2800] =	vst v4  }
0x41: {  	[tilespmem:$0x2880] =	vst v1;
	v1 =	vand.u32 $0xFFFF, v2  }
0x42: {  	[tilespmem:$0x2810] =	vst v1;
	v1 =	vshra.s32 v2, $0x10;
	v2 =	vld [tilespmem:$0x40]  }
0x43: {  	[tilespmem:$0x2890] =	vst v1;
	v1 =	vand.u32 $0xFFFF, v3  }
0x44: {  	[tilespmem:$0x2820] =	vst v1;
	v1 =	vshra.s32 v3, $0x10;
	v3 =	vld [tilespmem:$0x50]  }
0x45: {  	[tilespmem:$0x28A0] =	vst v1;
	v1 =	vand.u32 $0xFFFF, v59  }
0x46: {  	v60 =	vld [tilespmem:$0x60];
	[tilespmem:$0x2830] =	vst v1;
	v1 =	vshra.s32 v59, $0x10  }
0x47: {  	[tilespmem:$0x28B0] =	vst v1;
	v1 =	vand.u32 $0xFFFF, v2  }
0x48: {  	[tilespmem:$0x2840] =	vst v1;
	v1 =	vshra.s32 v2, $0x10;
	v2 =	vld [tilespmem:$0x70]  }
0x49: {  	[tilespmem:$0x28C0] =	vst v1;
	v1 =	vand.u32 $0xFFFF, v3  }
0x4a: {  	[tilespmem:$0x2850] =	vst v1;
	v1 =	vshra.s32 v3, $0x10;
	v3 =	vld [tilespmem:$0x80]  }
0x4b: {  	[tilespmem:$0x28D0] =	vst v1;
	v1 =	vand.u32 $0xFFFF, v60  }
0x4c: {  	v61 =	vld [tilespmem:$0x90];
	[tilespmem:$0x2860] =	vst v1;
	v1 =	vshra.s32 v60, $0x10  }
0x4d: {  	[tilespmem:$0x28E0] =	vst v1;
	v1 =	vand.u32 $0xFFFF, v2  }
0x4e: {  	[tilespmem:$0x2870] =	vst v1;
	v1 =	vshra.s32 v2, $0x10;
	v2 =	vld [tilespmem:$0xA0]  }
0x4f: {  	[tilespmem:$0x28F0] =	vst v1;
	v1 =	vand.u32 $0xFFFF, v3  }
0x50: {  	[tilespmem:$0x2900] =	vst v1;
	v1 =	vshra.s32 v3, $0x10;
	v3 =	vld [tilespmem:$0xB0]  }
0x51: {  	[tilespmem:$0x2980] =	vst v1;
	v1 =	vand.u32 $0xFFFF, v61  }
0x52: {  	v62 =	vld [tilespmem:$0xC0];
	[tilespmem:$0x2910] =	vst v1;
	v1 =	vshra.s32 v61, $0x10  }
0x53: {  	[tilespmem:$0x2990] =	vst v1;
	v1 =	vand.u32 $0xFFFF, v2  }
0x54: {  	[tilespmem:$0x2920] =	vst v1;
	v1 =	vshra.s32 v2, $0x10;
	v2 =	vld [tilespmem:$0xD0]  }
0x55: {  	[tilespmem:$0x29A0] =	vst v1;
	v1 =	vand.u32 $0xFFFF, v3  }
0x56: {  	[tilespmem:$0x2930] =	vst v1;
	v1 =	vshra.s32 v3, $0x10;
	v3 =	vld [tilespmem:$0xE0]  }
0x57: {  	[tilespmem:$0x29B0] =	vst v1;
	v1 =	vand.u32 $0xFFFF, v62  }
0x58: {  	v63 =	vld [tilespmem:$0xF0];
	[tilespmem:$0x2940] =	vst v1;
	v1 =	vshra.s32 v62, $0x10  }
0x59: {  	[tilespmem:$0x29C0] =	vst v1;
	v1 =	vand.u32 $0xFFFF, v2  }
0x5a: {  	[tilespmem:$0x2950] =	vst v1;
	v1 =	vshra.s32 v2, $0x10  }
0x5b: {  	[tilespmem:$0x29D0] =	vst v1;
	v1 =	vand.u32 $0xFFFF, v3  }
0x5c: {  	[tilespmem:$0x2960] =	vst v1;
	v1 =	vshra.s32 v3, $0x10  }
0x5d: {  	[tilespmem:$0x29E0] =	vst v1;
	v1 =	vand.u32 $0xFFFF, v63  }
0x5e: {  	[tilespmem:$0x2970] =	vst v1;
	v1 =	vshra.s32 v63, $0x10  }
0x5f: {  	[tilespmem:$0x29F0] =	vst v1  }
0x60: {  	_ =	sdelay $0x7ff  }
0x61: {  	_ =	sdelay $0xe0  }
0x62: {  	[tilespmem:s13], [sflag:$0x1] =	stream.indirect.gather [hbm4b:s2+s15], $0x80, s16, s15, $0xb8;
	[tilespmem:$0x1E600] =	vst v63  }
0x63: {  	_ = 	snop  }
0x64: {  	[tilespmem:s18], [sflag:$0x2] =	stream.indirect.gather [hbm4b:s2+s15], $0x80, s17, s15, $0xb8;
	[tilespmem:$0x1E600] =	vst v63  }
0x65: {  	_ =	swait.ge [sflag:s19], $0x4000  }
0x66: {  	[sflag:s19] =	ssyncset.done $0x0  }
0x67: {  	[sflag:s19] =	ssyncadd.s32 $0xFFFFC000  }
0x68: {  	[spmem:s3] =	stream.indirect.scatter.add.f32 [tilespmem:s13], [sflag:$0x3], $0x80, s20, s15, $0xb8;
	[tilespmem:$0x1E600] =	vst v63  }
0x69: {  	_ =	swait.ge [sflag:s14], $0x4000  }
0x6a: {  	[sflag:s14] =	ssyncset.done $0x0  }
0x6b: {  	s23 =	simm.s32 $0x0;
	[sflag:s14] =	ssyncadd.s32 $0xFFFFC000  }
0x6c: {  	v1 =	vld [tilespmem:s23+$0x100];
	_ =	sdelay $0x4  }
0x6d: {  	v2 =	vand.u32 $0xFFFF, v1  }
0x6e: {  	v1 =	vshra.s32 v1, $0x10;
	[tilespmem:$0x2800] =	vst v2  }
0x6f: {  	[tilespmem:$0x2880] =	vst v1  }
0x70: {  	v1 =	vld [tilespmem:s23+$0x110];
	_ =	sdelay $0x4  }
0x71: {  	v2 =	vand.u32 $0xFFFF, v1  }
0x72: {  	v1 =	vshra.s32 v1, $0x10;
	[tilespmem:$0x2810] =	vst v2  }
0x73: {  	[tilespmem:$0x2890] =	vst v1  }
0x74: {  	v1 =	vld [tilespmem:s23+$0x120];
	_ =	sdelay $0x4  }
0x75: {  	v2 =	vand.u32 $0xFFFF, v1  }
0x76: {  	v1 =	vshra.s32 v1, $0x10;
	[tilespmem:$0x2820] =	vst v2  }
0x77: {  	[tilespmem:$0x28A0] =	vst v1  }
0x78: {  	v1 =	vld [tilespmem:s23+$0x130];
	_ =	sdelay $0x4  }
0x79: {  	v2 =	vand.u32 $0xFFFF, v1  }
0x7a: {  	v1 =	vshra.s32 v1, $0x10;
	[tilespmem:$0x2830] =	vst v2  }
0x7b: {  	[tilespmem:$0x28B0] =	vst v1  }
0x7c: {  	v1 =	vld [tilespmem:s23+$0x140];
	_ =	sdelay $0x4  }
0x7d: {  	v2 =	vand.u32 $0xFFFF, v1  }
0x7e: {  	v1 =	vshra.s32 v1, $0x10;
	[tilespmem:$0x2840] =	vst v2  }
0x7f: {  	[tilespmem:$0x28C0] =	vst v1  }
0x80: {  	v1 =	vld [tilespmem:s23+$0x150];
	_ =	sdelay $0x4  }
0x81: {  	v2 =	vand.u32 $0xFFFF, v1  }
0x82: {  	v1 =	vshra.s32 v1, $0x10;
	[tilespmem:$0x2850] =	vst v2  }
0x83: {  	[tilespmem:$0x28D0] =	vst v1  }
0x84: {  	v1 =	vld [tilespmem:s23+$0x160];
	_ =	sdelay $0x4  }
0x85: {  	v2 =	vand.u32 $0xFFFF, v1  }
0x86: {  	v1 =	vshra.s32 v1, $0x10;
	[tilespmem:$0x2860] =	vst v2  }
0x87: {  	[tilespmem:$0x28E0] =	vst v1  }
0x88: {  	v1 =	vld [tilespmem:s23+$0x170];
	_ =	sdelay $0x4  }
0x89: {  	v2 =	vand.u32 $0xFFFF, v1  }
0x8a: {  	v1 =	vshra.s32 v1, $0x10;
	[tilespmem:$0x2870] =	vst v2  }
0x8b: {  	[tilespmem:$0x28F0] =	vst v1  }
0x8c: {  	_ =	sdelay $0x7ff  }
0x8d: {  	_ =	sdelay $0x70  }
0x8e: {  	[tilespmem:s13], [sflag:$0x1] =	stream.indirect.gather [hbm4b:s2+s15], $0x80, s16, s15, $0xb8;
	[tilespmem:$0x1E600] =	vst v63  }
0x8f: {  	_ =	swait.ge [sflag:s21], $0x4000  }
0x90: {  	[sflag:s21] =	ssyncset.done $0x0  }
0x91: {  	[sflag:s21] =	ssyncadd.s32 $0xFFFFC000  }
0x92: {  	[spmem:s3] =	stream.indirect.scatter.add.f32 [tilespmem:s18], [sflag:$0x3], $0x80, s22, s15, $0xb8;
	[tilespmem:$0x1E600] =	vst v63  }
0x93: {  	_ =	swait.ge [sflag:s14], $0x4000  }
0x94: {  	[sflag:s14] =	ssyncset.done $0x0  }
0x95: {  	[sflag:s14] =	ssyncadd.s32 $0xFFFFC000  }
0x96: {  	v1 =	vld [tilespmem:s23+$0x180];
	_ =	sdelay $0x4  }
0x97: {  	v2 =	vand.u32 $0xFFFF, v1  }
0x98: {  	v1 =	vshra.s32 v1, $0x10;
	[tilespmem:$0x2900] =	vst v2  }
0x99: {  	[tilespmem:$0x2980] =	vst v1  }
0x9a: {  	v1 =	vld [tilespmem:s23+$0x190];
	_ =	sdelay $0x4  }
0x9b: {  	v2 =	vand.u32 $0xFFFF, v1  }
0x9c: {  	v1 =	vshra.s32 v1, $0x10;
	[tilespmem:$0x2910] =	vst v2  }
0x9d: {  	[tilespmem:$0x2990] =	vst v1  }
0x9e: {  	v1 =	vld [tilespmem:s23+$0x1A0];
	_ =	sdelay $0x4  }
0x9f: {  	v2 =	vand.u32 $0xFFFF, v1  }
0xa0: {  	v1 =	vshra.s32 v1, $0x10;
	[tilespmem:$0x2920] =	vst v2  }
0xa1: {  	[tilespmem:$0x29A0] =	vst v1  }
0xa2: {  	v1 =	vld [tilespmem:s23+$0x1B0];
	_ =	sdelay $0x4  }
0xa3: {  	v2 =	vand.u32 $0xFFFF, v1  }
0xa4: {  	v1 =	vshra.s32 v1, $0x10;
	[tilespmem:$0x2930] =	vst v2  }
0xa5: {  	[tilespmem:$0x29B0] =	vst v1  }
0xa6: {  	v1 =	vld [tilespmem:s23+$0x1C0];
	_ =	sdelay $0x4  }
0xa7: {  	v2 =	vand.u32 $0xFFFF, v1  }
0xa8: {  	v1 =	vshra.s32 v1, $0x10;
	[tilespmem:$0x2940] =	vst v2  }
0xa9: {  	[tilespmem:$0x29C0] =	vst v1  }
0xaa: {  	v1 =	vld [tilespmem:s23+$0x1D0];
	_ =	sdelay $0x4  }
0xab: {  	v2 =	vand.u32 $0xFFFF, v1  }
0xac: {  	v1 =	vshra.s32 v1, $0x10;
	[tilespmem:$0x2950] =	vst v2  }
0xad: {  	[tilespmem:$0x29D0] =	vst v1  }
0xae: {  	s24 =	simm.s32 $0x400;
	v1 =	vld [tilespmem:s23+$0x1E0]  }
.LBB2_4:
0xaf: {  	_ = 	snop  }
0xb0: {  	p0 =	sne.s32 s24, $0x9800;
	s25 =	smov.u32 s24;
	s24 =	sadd.s32 $0x400, s24  }
0xb1: {  	_ =	sdelay $0x1  }
0xb2: {  	v2 =	vand.u32 $0xFFFF, v1;
	v1 =	vshra.s32 v1, $0x10  }
0xb3: {  	[tilespmem:$0x2960] =	vst v2  }
0xb4: {  	[tilespmem:$0x29E0] =	vst v1  }
0xb5: {  	v1 =	vld [tilespmem:s23+$0x1F0];
	_ =	sdelay $0x4  }
0xb6: {  	v2 =	vand.u32 $0xFFFF, v1;
	v1 =	vshra.s32 v1, $0x10  }
0xb7: {  	[tilespmem:$0x2970] =	vst v2  }
0xb8: {  	[tilespmem:$0x29F0] =	vst v1  }
0xb9: {  	_ =	sdelay $0x7ff  }
0xba: {  	_ =	sdelay $0x70  }
0xbb: {  	[tilespmem:s18], [sflag:$0x2] =	stream.indirect.gather [hbm4b:s2+s15], $0x80, s17, s15, $0xb8;
	[tilespmem:$0x1E600] =	vst v63  }
0xbc: {  	_ =	swait.ge [sflag:s19], $0x4000  }
0xbd: {  	[sflag:s19] =	ssyncset.done $0x0  }
0xbe: {  	[sflag:s19] =	ssyncadd.s32 $0xFFFFC000  }
0xbf: {  	[spmem:s3] =	stream.indirect.scatter.add.f32 [tilespmem:s13], [sflag:$0x3], $0x80, s20, s15, $0xb8;
	[tilespmem:$0x1E600] =	vst v63  }
0xc0: {  	_ =	swait.ge [sflag:s14], $0x4000  }
0xc1: {  	[sflag:s14] =	ssyncset.done $0x0  }
0xc2: {  	s23 =	sshra.s32 s25, $0x2;
	[sflag:s14] =	ssyncadd.s32 $0xFFFFC000  }
0xc3: {  	v1 =	vld [tilespmem:s23+$0x100];
	_ =	sdelay $0x4  }
0xc4: {  	v2 =	vand.u32 $0xFFFF, v1;
	v1 =	vshra.s32 v1, $0x10  }
0xc5: {  	[tilespmem:$0x2800] =	vst v2  }
0xc6: {  	[tilespmem:$0x2880] =	vst v1  }
0xc7: {  	v1 =	vld [tilespmem:s23+$0x110];
	_ =	sdelay $0x4  }
0xc8: {  	v2 =	vand.u32 $0xFFFF, v1;
	v1 =	vshra.s32 v1, $0x10  }
0xc9: {  	[tilespmem:$0x2810] =	vst v2  }
0xca: {  	[tilespmem:$0x2890] =	vst v1  }
0xcb: {  	v1 =	vld [tilespmem:s23+$0x120];
	_ =	sdelay $0x4  }
0xcc: {  	v2 =	vand.u32 $0xFFFF, v1;
	v1 =	vshra.s32 v1, $0x10  }
0xcd: {  	[tilespmem:$0x2820] =	vst v2  }
0xce: {  	[tilespmem:$0x28A0] =	vst v1  }
0xcf: {  	v1 =	vld [tilespmem:s23+$0x130];
	_ =	sdelay $0x4  }
0xd0: {  	v2 =	vand.u32 $0xFFFF, v1;
	v1 =	vshra.s32 v1, $0x10  }
0xd1: {  	[tilespmem:$0x2830] =	vst v2  }
0xd2: {  	[tilespmem:$0x28B0] =	vst v1  }
0xd3: {  	v1 =	vld [tilespmem:s23+$0x140];
	_ =	sdelay $0x4  }
0xd4: {  	v2 =	vand.u32 $0xFFFF, v1;
	v1 =	vshra.s32 v1, $0x10  }
0xd5: {  	[tilespmem:$0x2840] =	vst v2  }
0xd6: {  	[tilespmem:$0x28C0] =	vst v1  }
0xd7: {  	v1 =	vld [tilespmem:s23+$0x150];
	_ =	sdelay $0x4  }
0xd8: {  	v2 =	vand.u32 $0xFFFF, v1;
	v1 =	vshra.s32 v1, $0x10  }
0xd9: {  	[tilespmem:$0x2850] =	vst v2  }
0xda: {  	[tilespmem:$0x28D0] =	vst v1  }
0xdb: {  	v1 =	vld [tilespmem:s23+$0x160];
	_ =	sdelay $0x4  }
0xdc: {  	v2 =	vand.u32 $0xFFFF, v1;
	v1 =	vshra.s32 v1, $0x10  }
0xdd: {  	[tilespmem:$0x2860] =	vst v2  }
0xde: {  	[tilespmem:$0x28E0] =	vst v1  }
0xdf: {  	v1 =	vld [tilespmem:s23+$0x170];
	_ =	sdelay $0x4  }
0xe0: {  	v2 =	vand.u32 $0xFFFF, v1;
	v1 =	vshra.s32 v1, $0x10  }
0xe1: {  	[tilespmem:$0x2870] =	vst v2  }
0xe2: {  	[tilespmem:$0x28F0] =	vst v1  }
0xe3: {  	_ =	sdelay $0x7ff  }
0xe4: {  	_ =	sdelay $0x70  }
0xe5: {  	[tilespmem:s13], [sflag:$0x1] =	stream.indirect.gather [hbm4b:s2+s15], $0x80, s16, s15, $0xb8;
	[tilespmem:$0x1E600] =	vst v63  }
0xe6: {  	_ =	swait.ge [sflag:s21], $0x4000  }
0xe7: {  	[sflag:s21] =	ssyncset.done $0x0  }
0xe8: {  	[sflag:s21] =	ssyncadd.s32 $0xFFFFC000  }
0xe9: {  	[spmem:s3] =	stream.indirect.scatter.add.f32 [tilespmem:s18], [sflag:$0x3], $0x80, s22, s15, $0xb8;
	[tilespmem:$0x1E600] =	vst v63  }
0xea: {  	_ =	swait.ge [sflag:s14], $0x4000  }
0xeb: {  	[sflag:s14] =	ssyncset.done $0x0  }
0xec: {  	[sflag:s14] =	ssyncadd.s32 $0xFFFFC000  }
0xed: {  	v1 =	vld [tilespmem:s23+$0x180];
	_ =	sdelay $0x4  }
0xee: {  	v2 =	vand.u32 $0xFFFF, v1;
	v1 =	vshra.s32 v1, $0x10  }
0xef: {  	[tilespmem:$0x2900] =	vst v2  }
0xf0: {  	[tilespmem:$0x2980] =	vst v1  }
0xf1: {  	v1 =	vld [tilespmem:s23+$0x190];
	_ =	sdelay $0x4  }
0xf2: {  	v2 =	vand.u32 $0xFFFF, v1;
	v1 =	vshra.s32 v1, $0x10  }
0xf3: {  	[tilespmem:$0x2910] =	vst v2  }
0xf4: {  	[tilespmem:$0x2990] =	vst v1  }
0xf5: {  	v1 =	vld [tilespmem:s23+$0x1A0];
	_ =	sdelay $0x4  }
0xf6: {  	v2 =	vand.u32 $0xFFFF, v1;
	v1 =	vshra.s32 v1, $0x10  }
0xf7: {  	[tilespmem:$0x2920] =	vst v2  }
0xf8: {  	[tilespmem:$0x29A0] =	vst v1  }
0xf9: {  	v1 =	vld [tilespmem:s23+$0x1B0];
	_ =	sdelay $0x4  }
0xfa: {  	v2 =	vand.u32 $0xFFFF, v1;
	v1 =	vshra.s32 v1, $0x10  }
0xfb: {  	[tilespmem:$0x2930] =	vst v2  }
0xfc: {  	[tilespmem:$0x29B0] =	vst v1  }
0xfd: {  	v1 =	vld [tilespmem:s23+$0x1C0];
	_ =	sdelay $0x4  }
0xfe: {  	v2 =	vand.u32 $0xFFFF, v1;
	v1 =	vshra.s32 v1, $0x10  }
0xff: {  	[tilespmem:$0x2940] =	vst v2  }
0x100: {  	[tilespmem:$0x29C0] =	vst v1  }
0x101: {  	v1 =	vld [tilespmem:s23+$0x1D0];
	_ =	sdelay $0x3  }
.Ltmp1:
0x102: {  	(pc) =	sbr.rel @p0 .LBB2_4-.Ltmp1, $4  }
0x103: {  	v2 =	vand.u32 $0xFFFF, v1;
	v1 =	vshra.s32 v1, $0x10  }
0x104: {  	[tilespmem:$0x2950] =	vst v2  }
0x105: {  	[tilespmem:$0x29D0] =	vst v1  }
0x106: {  	v1 =	vld [tilespmem:s23+$0x1E0]  }
0x107: {  	_ =	sdelay $0x3  }
0x108: {  	v2 =	vand.u32 $0xFFFF, v1  }
0x109: {  	v1 =	vshra.s32 v1, $0x10;
	[tilespmem:$0x2960] =	vst v2  }
0x10a: {  	[tilespmem:$0x29E0] =	vst v1  }
0x10b: {  	v1 =	vld [tilespmem:s23+$0x1F0];
	_ =	sdelay $0x4  }
0x10c: {  	v2 =	vand.u32 $0xFFFF, v1  }
0x10d: {  	v1 =	vshra.s32 v1, $0x10;
	[tilespmem:$0x2970] =	vst v2  }
0x10e: {  	[tilespmem:$0x29F0] =	vst v1  }
0x10f: {  	_ =	sdelay $0x7ff  }
0x110: {  	_ =	sdelay $0x70  }
0x111: {  	[tilespmem:s18], [sflag:$0x2] =	stream.indirect.gather [hbm4b:s2+s15], $0x80, s17, s15, $0xb8;
	[tilespmem:$0x1E600] =	vst v63  }
0x112: {  	_ =	swait.ge [sflag:s19], $0x4000  }
0x113: {  	[sflag:s19] =	ssyncset.done $0x0  }
0x114: {  	[sflag:s19] =	ssyncadd.s32 $0xFFFFC000  }
0x115: {  	[spmem:s3] =	stream.indirect.scatter.add.f32 [tilespmem:s13], [sflag:$0x3], $0x80, s20, s15, $0xb8;
	[tilespmem:$0x1E600] =	vst v63  }
0x116: {  	_ =	swait.ge [sflag:s14], $0x4000  }
0x117: {  	[sflag:s14] =	ssyncset.done $0x0  }
0x118: {  	[sflag:s14] =	ssyncadd.s32 $0xFFFFC000  }
0x119: {  	_ =	swait.ge [sflag:s21], $0x4000  }
0x11a: {  	[sflag:s21] =	ssyncset.done $0x0  }
0x11b: {  	[sflag:s21] =	ssyncadd.s32 $0xFFFFC000  }
0x11c: {  	[spmem:s3] =	stream.indirect.scatter.add.f32 [tilespmem:s18], [sflag:$0x3], $0x80, s22, s15, $0xb8;
	[tilespmem:$0x1E600] =	vst v63  }
0x11d: {  	_ =	swait.ge [sflag:s14], $0x4000  }
0x11e: {  	s31 =	sshll.u32 s0, $0x6;
	s4 =	sadd.s32 $0x1, s4;
	[sflag:s14] =	ssyncset.done $0x0  }
0x11f: {  	s24 =	sshrl.u32 s5, $0x3;
	p0 =	sne.s32 s4, s12;
	[sflag:s14] =	ssyncadd.s32 $0xFFFFC000  }
.Ltmp2:
0x120: {  	s23 =	sor.u32 $0x1C03, s31;
	[bflag:$0x0] =	sbarrier.arrive $0xFFFF;
	(pc) =	sbr.rel @p0 .LBB2_1-.Ltmp2, $4  }
0x121: {  	[hbm:s11], [sflag:s23] =	dma.local [spmem:s24], $0x2780  }
0x122: {  	_ =	swait.ge [sflag:s14], $0x2780  }
0x123: {  	[sflag:s14] =	ssyncset.done $0x0  }
0x124: {  	[sflag:s14] =	ssyncadd.s32 $0xFFFFD880  }
0x125: {  	_ =	sfence.sel $0x180000  }
0x126: {  	[bflag:$0x0] =	sbarrier.arrive $0xFFFF  }
0x127: {  	p0 =	sne.s32 s0, $0x0;
	_ =	strace $0x9000004D  }
0x128: {  	s0 =	sadd.s32 @!p0 $0x100000, s1;
	[bflag:$0x2] =	sbarrier.arrive $0xFFFF  }
0x129: {  	[sflag:s0] =	ssyncadd.tile.s32 @!p0 $0x1;
	_ =	shalt  }
.Lfunc_end2:
_tile_overlayer_lowered:
.L_overlay_start_2:
0x12a: {  	(tag) =	ssettag $0x2  }
0x12b: {  	s0 =	rddreg [dreg:$0x0];
	s2 =	stileid.u32  }
0x12c: {  	s1 =	rddreg [dreg:$0x1];
	p0 =	sne.s32 s2, $0x0  }
0x12d: {  	s3 =	rddreg [dreg:$0x2];
	[bflag:$0x3] =	sbarrier.arrive $0xFFFF;
	s2 =	simm.s32 @!p0 $0x1C03  }
0x12e: {  	[timem:s3], [sflag:s2] =	dma.local @!p0 [hbm:s0], s1  }
0x12f: {  	s0 =	simm.s32 @!p0 $0x3  }
0x130: {  	_ =	swait.ge @!p0 [sflag:s0], s1  }
0x131: {  	s1 =	ssub.s32 @!p0 $0x0, s1;
	[sflag:s0] =	ssyncset.done @!p0 $0x0  }
0x132: {  	[sflag:s0] =	ssyncadd.s32 @!p0 s1  }
0x133: {  	[bflag:$0x3] =	sbarrier.arrive $0xFFFF  }
0x134: {  	_ =	shalt  }

// kernel: kernel.8.cloned.1.call-start
scs
__scs_entry_jumppad:
0x0: {  	(pc) =	sbr.rel $0x88, $3  }
0x1: {  	(tag) =	ssettag $0x0;
	lr =	simm.s32 $0x1  }
0x2: {  	[smem:$0x3F93] =	sst lr;
	_ =	strace $0xD0000000  }
0x3: {  	_ = 	snop  }
0x4: {  	_ = 	snop  }
0x5: {  	_ = 	snop  }
0x6: {  	_ = 	snop  }
0x7: {  	_ = 	snop  }
__scs_overlays_trampoline_lowered:
0x8: {  	[smem:$0x3FA2] =	sst s0  }
0x9: {  	[smem:$0x3FA3] =	sst s1  }
0xa: {  	[smem:$0x3FA4] =	sst s2  }
0xb: {  	[smem:$0x3FA5] =	sst s3  }
0xc: {  	[smem:$0x3FA6] =	sst s4  }
0xd: {  	[smem:$0x3FA7] =	sst s5  }
0xe: {  	[smem:$0x3FA8] =	sst s6  }
0xf: {  	[smem:$0x3FA9] =	sst s7  }
0x10: {  	[smem:$0x3FAA] =	sst s8  }
0x11: {  	[smem:$0x3FAB] =	sst s9;
	s0 =	simm.s32 @!p0 $0x0  }
0x12: {  	s1 =	sld [smem:$0x3F91];
	s0 =	simm.s32 @p0 $0x1  }
0x13: {  	[smem:$0x3FAC] =	sst s0;
	s0 =	simm.s32 @!p1 $0x0  }
0x14: {  	s2 =	sld [smem:$0x3F90];
	s0 =	simm.s32 @p1 $0x1  }
0x15: {  	[smem:$0x3FAD] =	sst s0;
	s0 =	simm.s32 @!p2 $0x0  }
0x16: {  	s3 =	sld [smem:$0x3FDB];
	s0 =	simm.s32 @p2 $0x1  }
0x17: {  	s4 =	simm.s32 $0x1BF5;
	[smem:$0x3FAF] =	sst s0  }
0x18: {  	s0 =	sld [smem:$0x3F92];
	_ =	swait.ge [sflag:s4], $0x0  }
0x19: {  	s7 =	sld [smem:$0x3F93]  }
0x1a: {  	s8 =	sadd.s32 $0xFFFFE003, lr  }
0x1b: {  	s9 =	sadd.s32 $0xFFFFFEF7, lr;
	s5 =	simm.s32 $0xFFFFFFFF;
	p2 =	slt.u32 s8, $0xFFFFF086  }
0x1c: {  	p1 =	slt.u32 s9, $0xF7A;
	s5 =	simm.s32 @!p2 $0x0  }
0x1d: {  	s5 =	simm.s32 @p1 $0x1;
	p0 =	seq.s32 s7, s2  }
0x1e: {  	s7 =	smul.u32 @!p0 $0xF7A, s2;
	p2 =	seq.s32 @!p0 s5, $0x0  }
0x1f: {  	s9 =	smul.u32 $0xF7A, s1;
	s8 =	simm.s32 @!p0 $0x1BF5;
	p2 =	por !p2, p0  }
0x20: {  	[sflag:s8] =	ssyncset.s32 @!p0 $0xFFFFF086;
	s6 =	sadd.s32 @!p0 s3, s7;
	s7 =	simm.s32 @!p0 $0x108  }
0x21: {  	s3 =	sadd.s32 s3, s9;
	s6 =	sadd.s32 @!p0 $0x88, s6;
	s7 =	simm.s32 @p2 $0x1082  }
0x22: {  	[simem:s7], [sflag:s8] =	dma.local @!p0 [hbm:s6], $0xF7A  }
0x23: {  	s9 =	sor.u32 $0xD0000000, s2;
	s6 =	simm.s32 $0x108;
	_ =	swait.ge @!p0 [sflag:s8], $0x0  }
0x24: {  	s3 =	sadd.s32 $0x88, s3;
	s6 =	simm.s32 @!p1 $0x1082;
	[sflag:s4] =	ssyncset.s32 $0xFFFFF086  }
0x25: {  	[simem:s6], [sflag:s4] =	dma.local [hbm:s3], $0xF7A  }
0x26: {  	[smem:$0x3F93] =	sst s1;
	(tag) =	ssettag s2;
	_ =	strace s9  }
0x27: {  	s1 =	sld [smem:$0x3FA3]  }
0x28: {  	s2 =	sld [smem:$0x3FA4]  }
0x29: {  	s4 =	sld [smem:$0x3FA6]  }
0x2a: {  	p0 =	seq.s32 s5, $0x0;
	s5 =	sld [smem:$0x3FA7]  }
0x2b: {  	s6 =	sld [smem:$0x3FA8]  }
0x2c: {  	s7 =	sld [smem:$0x3FA9]  }
0x2d: {  	s3 =	simm.s32 $0x108;
	s8 =	sld [smem:$0x3FAA]  }
0x2e: {  	s3 =	simm.s32 @!p0 $0x1082;
	s9 =	sld [smem:$0x3FAB]  }
0x2f: {  	lr =	sadd.s32 s0, s3;
	s0 =	sld [smem:$0x3FA2]  }
0x30: {  	s3 =	sld [smem:$0x3FA5]  }
0x31: {  	[smem:$0x3FAE] =	sst s10  }
0x32: {  	s10 =	sld [smem:$0x3FAC];
	_ =	sdelay $0x3  }
0x33: {  	p0 =	seq.s32 s10, $0x1;
	s10 =	sld [smem:$0x3FAE];
	_ =	sdelay $0x3  }
0x34: {  	[smem:$0x3FAE] =	sst s10  }
0x35: {  	s10 =	sld [smem:$0x3FAD];
	_ =	sdelay $0x3  }
0x36: {  	p1 =	seq.s32 s10, $0x1;
	s10 =	sld [smem:$0x3FAE];
	_ =	sdelay $0x3  }
0x37: {  	[smem:$0x3FAE] =	sst s10  }
0x38: {  	s10 =	sld [smem:$0x3FAF]  }
0x39: {  	_ = 	snop;
	(pc) =	sbr.ind lr, $3  }
0x3a: {  	_ = 	snop  }
0x3b: {  	_ = 	snop  }
0x3c: {  	p2 =	seq.s32 s10, $0x1;
	s10 =	sld [smem:$0x3FAE]  }
0x3d: {  	_ =	shalt  }
0x3e: {  	_ =	shalt  }
0x3f: {  	_ =	shalt  }
0x40: {  	_ =	shalt  }
0x41: {  	_ =	shalt  }
0x42: {  	_ =	shalt  }
0x43: {  	_ =	shalt  }
0x44: {  	_ =	shalt  }
0x45: {  	_ =	shalt  }
0x46: {  	_ =	shalt  }
0x47: {  	_ =	shalt  }
0x48: {  	_ =	shalt  }
0x49: {  	_ =	shalt  }
0x4a: {  	_ =	shalt  }
0x4b: {  	_ =	shalt  }
0x4c: {  	_ =	shalt  }
0x4d: {  	_ =	shalt  }
0x4e: {  	_ =	shalt  }
0x4f: {  	_ =	shalt  }
0x50: {  	_ =	shalt  }
0x51: {  	_ =	shalt  }
0x52: {  	_ =	shalt  }
0x53: {  	_ =	shalt  }
0x54: {  	_ =	shalt  }
0x55: {  	_ =	shalt  }
0x56: {  	_ =	shalt  }
0x57: {  	_ =	shalt  }
0x58: {  	_ =	shalt  }
0x59: {  	_ =	shalt  }
0x5a: {  	_ =	shalt  }
0x5b: {  	_ =	shalt  }
0x5c: {  	_ =	shalt  }
0x5d: {  	_ =	shalt  }
0x5e: {  	_ =	shalt  }
0x5f: {  	_ =	shalt  }
0x60: {  	_ =	shalt  }
0x61: {  	_ =	shalt  }
0x62: {  	_ =	shalt  }
0x63: {  	_ =	shalt  }
0x64: {  	_ =	shalt  }
0x65: {  	_ =	shalt  }
0x66: {  	_ =	shalt  }
0x67: {  	_ =	shalt  }
0x68: {  	_ =	shalt  }
0x69: {  	_ =	shalt  }
0x6a: {  	_ =	shalt  }
0x6b: {  	_ =	shalt  }
0x6c: {  	_ =	shalt  }
0x6d: {  	_ =	shalt  }
0x6e: {  	_ =	shalt  }
0x6f: {  	_ =	shalt  }
0x70: {  	_ =	shalt  }
0x71: {  	_ =	shalt  }
0x72: {  	_ =	shalt  }
0x73: {  	_ =	shalt  }
0x74: {  	_ =	shalt  }
0x75: {  	_ =	shalt  }
0x76: {  	_ =	shalt  }
0x77: {  	_ =	shalt  }
0x78: {  	_ =	shalt  }
0x79: {  	_ =	shalt  }
0x7a: {  	_ =	shalt  }
0x7b: {  	_ =	shalt  }
0x7c: {  	_ =	shalt  }
0x7d: {  	_ =	shalt  }
0x7e: {  	_ =	shalt  }
0x7f: {  	_ =	shalt  }
0x80: {  	_ =	shalt  }
0x81: {  	_ =	shalt  }
0x82: {  	_ =	shalt  }
0x83: {  	_ =	shalt  }
0x84: {  	_ =	shalt  }
0x85: {  	_ =	shalt  }
0x86: {  	_ =	shalt  }
0x87: {  	_ =	shalt  }
.Lfunc_end0:
.L_simem_size_0:
called_computation_lowered:
.L_overlay_start_0:
0x88: {  	s2 =	sld [smem:$0x3FD9]  }
0x89: {  	s3 =	sld [smem:$0x3FFE];
	_ =	sdelay $0x1  }
0x8a: {  	s1 =	srdreg.scid  }
0x8b: {  	s0 =	sand.u32 $0x1, s1  }
0x8c: {  	s16 =	sshll.u32 s0, $0xA;
	s2 =	sadd.s32 s3, s2  }
0x8d: {  	s2 =	sadd.s32 s2, s16  }
0x8e: {  	[smem:$0x3FBA] =	sst s2  }
0x8f: {  	_ = 	snop  }
0x90: {  	(tm) =	ssettm $0x1  }
0x91: {  	s17 =	sld [smem:$0x3FFB];
	_ =	sdelay $0x3  }
0x92: {  	_ =	strace s17  }
0x93: {  	s2 =	sld [smem:$0x3FFC];
	_ =	sdelay $0x3  }
0x94: {  	_ =	strace s2  }
0x95: {  	s2 =	sld [smem:$0x3FFD];
	_ =	sdelay $0x3  }
0x96: {  	_ =	strace s2  }
0x97: {  	_ =	strace $0x8FFFFFFF  }
0x98: {  	s18 =	sld [smem:$0x3FDB];
	_ =	sdelay $0x1  }
0x99: {  	s19 =	simm.s32 $_scs_section_size  }
0x9a: {  	s4 =	simm.s32 $_size__tile_overlayer_lowered;
	s5 =	simm.s32 $_tile_overlayer_lowered  }
0x9b: {  	s22 =	simm.s32 $0x1BFF;
	s21 =	sshll.u32 s5, $0x1;
	s2 =	sadd.s32 s19, s18  }
0x9c: {  	s6 =	simm.s32 $0x0;
	s20 =	sshll.u32 s4, $0x1;
	s4 =	sadd.s32 s21, s2  }
0x9d: {  	[timem:s6], [sflag:s22] =	dma.local [hbm:s4], s20  }
0x9e: {  	_ =	swait.ge [sflag:s22], s20  }
0x9f: {  	s3 =	ssub.s32 $0x0, s20;
	[sflag:s22] =	ssyncset.done $0x0  }
0xa0: {  	[sflag:s22] =	ssyncadd.s32 s3;
	_ =	sdelay $0x1  }
0xa1: {  	s23 =	simm.s32 $0x1B8B  }
0xa2: {  	_ =	swait.ge [sflag:s23], $0x1  }
0xa3: {  	[sflag:s23] =	ssyncset.done $0x0  }
0xa4: {  	s25 =	simm.s32 $0x1B8E;
	s24 =	sld [smem:$0x3FFE];
	[sflag:s23] =	ssyncadd.s32 $0xFFFFFFFF  }
0xa5: {  	s26 =	simm.s32 $execute0_lowered;
	[smem:$0x3FD2] =	sst s25  }
0xa6: {  	s4 =	sshll.u32 s26, $0x1;
	_ =	strace $0x80000046;
	[dreg:$0x1] =	wrdreg $0xFFFFFFFF  }
0xa7: {  	s28 =	simm.s32 $_size_execute0_lowered;
	s2 =	sadd.s32 s2, s4;
	[dreg:$0x0] =	wrdreg $0x0  }
0xa8: {  	s4 =	sshll.u32 s28, $0x1;
	[dreg:$0x2] =	wrdreg s2  }
0xa9: {  	[dreg:$0x3] =	wrdreg s4  }
0xaa: {  	[dreg:$0x4] =	wrdreg $0xC0  }
0xab: {  	_ =	task [dreg:s6], $0x5FFFF  }
0xac: {  	[dreg:$0x1] =	wrdreg $0xFFFFFFFF  }
0xad: {  	[dreg:$0x0] =	wrdreg $0x60  }
0xae: {  	[dreg:$0x2] =	wrdreg s24  }
0xaf: {  	[dreg:$0x3] =	wrdreg $0x68800  }
0xb0: {  	[dreg:$0x4] =	wrdreg $0x9  }
0xb1: {  	_ =	task.clear_ibuf [dreg:s6], $0x5FFFF;
	_ =	strace $0x90000046  }
0xb2: {  	s29 =	simm.s32 $0x9;
	_ =	strace $0x80000048  }
0xb3: {  	_ =	swait.ge [sflag:s29], $0x1  }
0xb4: {  	[sflag:s29] =	ssyncadd.s32 $0xFFFFFFFF  }
0xb5: {  	_ =	strace $0x90000048  }
0xb6: {  	_ =	sfence  }
0xb7: {  	s30 =	sld [smem:$0x0];
	_ =	sdelay $0x2  }
0xb8: {  	s31 =	sshll.u32 s1, $0xD;
	s1 =	sshrl.u32 s1, $0x2  }
0xb9: {  	s3 =	sand.u32 $0x4000, s31;
	s1 =	sadd.s32 s1, s30  }
0xba: {  	s0 =	sor.u32 s3, s0;
	s1 =	sshll.u32 s1, $0x11  }
0xbb: {  	s0 =	sor.u32 s1, s0  }
0xbc: {  	s0 =	sadd.s32 $0x8F2B, s0  }
0xbd: {  	[sflag:s0] =	ssyncadd.remote.s32 $0x1  }
0xbe: {  	_ =	sfence.sel $0xFFFF  }
0xbf: {  	[dreg:$0x0] =	wrdreg $0xFFFFFFFF;
	(pc) =	sbr.abs _section_cstart, $3  }
0xc0: {  	[dreg:$0x1] =	wrdreg $0xFFFFFFFF  }
0xc1: {  	_ =	task.clear_ibuf [dreg:s6], $0x2FFFF;
	_ =	strace $0x9FFFFFFF  }
0xc2: {  	(tm) =	ssettm $0x7FFFFFFF  }
0xc3: {  	_ =	shalt  }
tec
execute0_lowered:
.L_overlay_start_1:
0x0: {  	(tag) =	ssettag $0x1  }
0x1: {  	s1 =	srdreg.scid;
	s5 =	rddreg [dreg:$0x0]  }
0x2: {  	s0 =	stileid.u32;
	s2 =	rddreg [dreg:$0x1];
	s3 =	simm.s32 $0x0  }
0x3: {  	s13 =	simm.s32 $0x1;
	s14 =	simm.s32 $0x80;
	s15 =	simm.s32 $0x2800  }
0x4: {  	s4 =	sand.u32 $0x1, s1;
	s26 =	sshll.u32 s0, $0x1;
	s8 =	smul.u32 $0x13C00, s0  }
0x5: {  	[smem:$0x7FF] =	sst s3;
	s9 =	smul.u32 $0x4F000, s0;
	s16 =	sshll.u32 s0, $0x6  }
0x6: {  	s1 =	sor.u32 s4, s26;
	s7 =	smul.u32 $0x13C000, s4;
	s29 =	ssub.s32 $0x2, s4  }
0x7: {  	s16 =	sor.u32 $0x1C01, s16;
	s6 =	smul.u32 $0x500, s1;
	s1 =	rddreg [dreg:$0x2]  }
0x8: {  	_ =	strace $0x80000047;
	s30 =	sshrl.u32 s9, $0x2;
	s31 =	sshrl.u32 s29, $0x1  }
0x9: {  	s28 =	sadd.s32 s8, s7;
	s4 =	sadd.s32 s30, s2;
	s12 =	ssub.s32 s29, s31  }
0xa: {  	s10 =	sadd.s32 s6, s5;
	s6 =	sshrl.u32 s28, $0x3;
	s7 =	sadd.s32 $0xC000, s4  }
0xb: {  	s8 =	sadd.s32 $0x10000, s4;
	s17 =	sshrl.u32 s4, $0x3;
	s11 =	sadd.s32 s6, s5  }
0xc: {  	s5 =	sadd.s32 $0x4000, s4;
	s6 =	sadd.s32 $0x8000, s4;
	s9 =	sadd.s32 $0x3A00, s10  }
0xd: {  	v0 =	vimm.f32 $0.0e+00;
	v1 =	vimm.f32 $1.000000000e+00;
	s10 =	sadd.s32 $0xDA00, s11;
	s11 =	smax.u32 s12, $0x1;
	s12 =	simm.s32 $0x2880  }
.LBB2_1:
0xe: {  	s18 =	simm.s32 $0x0;
	s19 =	simm.s32 $0x200  }
.LBB2_2:
0xf: {  	p0 =	sne.s32 s19, $0xFE00;
	[tilespmem:s18+$0x28F0] =	vst v0  }
0x10: {  	[tilespmem:s18+$0x2880] =	vst v0  }
0x11: {  	[tilespmem:s18+$0x2890] =	vst v0  }
.Ltmp0:
0x12: {  	[tilespmem:s18+$0x28A0] =	vst v0;
	(pc) =	sbr.rel @p0 .LBB2_2-.Ltmp0, $4  }
0x13: {  	[tilespmem:s18+$0x28B0] =	vst v0  }
0x14: {  	[tilespmem:s18+$0x28C0] =	vst v0  }
0x15: {  	[tilespmem:s18+$0x28D0] =	vst v0  }
0x16: {  	[tilespmem:s18+$0x28E0] =	vst v0;
	s18 =	sshra.s32 s19, $0x2;
	s19 =	sadd.s32 $0x200, s19  }
0x17: {  	[tilespmem:s18+$0x28F0] =	vst v0  }
0x18: {  	[tilespmem:s18+$0x2880] =	vst v0  }
0x19: {  	[tilespmem:s18+$0x2890] =	vst v0  }
0x1a: {  	[tilespmem:s18+$0x28A0] =	vst v0  }
0x1b: {  	[tilespmem:s18+$0x28B0] =	vst v0  }
0x1c: {  	[tilespmem:s18+$0x28C0] =	vst v0  }
0x1d: {  	[tilespmem:s18+$0x28D0] =	vst v0  }
0x1e: {  	[tilespmem:s18+$0x28E0] =	vst v0  }
0x1f: {  	_ =	sdelay $0x7ff  }
0x20: {  	_ =	sdelay $0xe0  }
0x21: {  	[spmem:s4] =	stream.linear.scatter [tilespmem:s12], [sflag:$0x1], $0x4000, $0x38;
	[tilespmem:$0x1A480] =	vst v63  }
0x22: {  	_ =	swait.ge [sflag:s13], $0x4000  }
0x23: {  	[sflag:s13] =	ssyncset.done $0x0  }
0x24: {  	[sflag:s13] =	ssyncadd.s32 $0xFFFFC000  }
0x25: {  	[spmem:s5] =	stream.linear.scatter [tilespmem:s12], [sflag:$0x1], $0x4000, $0x38;
	[tilespmem:$0x1A480] =	vst v63  }
0x26: {  	_ =	swait.ge [sflag:s13], $0x4000  }
0x27: {  	[sflag:s13] =	ssyncset.done $0x0  }
0x28: {  	[sflag:s13] =	ssyncadd.s32 $0xFFFFC000  }
0x29: {  	[spmem:s6] =	stream.linear.scatter [tilespmem:s12], [sflag:$0x1], $0x4000, $0x38;
	[tilespmem:$0x1A480] =	vst v63  }
0x2a: {  	_ =	swait.ge [sflag:s13], $0x4000  }
0x2b: {  	[sflag:s13] =	ssyncset.done $0x0  }
0x2c: {  	[sflag:s13] =	ssyncadd.s32 $0xFFFFC000  }
0x2d: {  	[spmem:s7] =	stream.linear.scatter [tilespmem:s12], [sflag:$0x1], $0x4000, $0x38;
	[tilespmem:$0x1A480] =	vst v63  }
0x2e: {  	_ =	swait.ge [sflag:s13], $0x4000  }
0x2f: {  	[sflag:s13] =	ssyncset.done $0x0  }
0x30: {  	[sflag:s13] =	ssyncadd.s32 $0xFFFFC000  }
0x31: {  	[spmem:s8] =	stream.linear.scatter [tilespmem:s12], [sflag:$0x1], $0x3C00, $0x38;
	[tilespmem:$0x1A480] =	vst v63  }
0x32: {  	_ =	swait.ge [sflag:s13], $0x3C00  }
0x33: {  	[sflag:s13] =	ssyncset.done $0x0  }
0x34: {  	s18 =	simm.s32 $0x0;
	s19 =	simm.s32 $0x200;
	[sflag:s13] =	ssyncadd.s32 $0xFFFFC400  }
.LBB2_4:
0x35: {  	p0 =	sne.s32 s19, $0xFE00;
	[tilespmem:s18+$0x28F0] =	vst v1  }
0x36: {  	[tilespmem:s18+$0x2880] =	vst v1  }
0x37: {  	[tilespmem:s18+$0x2890] =	vst v1  }
.Ltmp1:
0x38: {  	[tilespmem:s18+$0x28A0] =	vst v1;
	(pc) =	sbr.rel @p0 .LBB2_4-.Ltmp1, $4  }
0x39: {  	[tilespmem:s18+$0x28B0] =	vst v1  }
0x3a: {  	[tilespmem:s18+$0x28C0] =	vst v1  }
0x3b: {  	[tilespmem:s18+$0x28D0] =	vst v1  }
0x3c: {  	[tilespmem:s18+$0x28E0] =	vst v1;
	s18 =	sshra.s32 s19, $0x2;
	s19 =	sadd.s32 $0x200, s19  }
0x3d: {  	[tilespmem:s18+$0x28F0] =	vst v1  }
0x3e: {  	[tilespmem:s18+$0x2880] =	vst v1  }
0x3f: {  	[tilespmem:s18+$0x2890] =	vst v1  }
0x40: {  	[tilespmem:s18+$0x28A0] =	vst v1  }
0x41: {  	[tilespmem:s18+$0x28B0] =	vst v1  }
0x42: {  	[tilespmem:s18+$0x28C0] =	vst v1  }
0x43: {  	[tilespmem:s18+$0x28D0] =	vst v1  }
0x44: {  	[tilespmem:s18+$0x28E0] =	vst v1  }
0x45: {  	_ =	sdelay $0x7ff  }
0x46: {  	s30 =	simm.s32 $0x0;
	_ =	sdelay $0xe0  }
0x47: {  	[tilespmem:s30], [sflag:$0x1] =	stream.linear.gather [hbm4b:s9+s30], $0x2800, $0x38;
	[tilespmem:$0x1A480] =	vst v63  }
0x48: {  	_ =	swait.ge [sflag:s13], $0x2800  }
0x49: {  	[sflag:s13] =	ssyncset.done $0x0  }
0x4a: {  	[sflag:s13] =	ssyncadd.s32 $0xFFFFD800  }
0x4b: {  	s31 =	simm.s32 $0x0;
	[bflag:$0x0] =	sbarrier.arrive $0xFFFF  }
0x4c: {  	v2 =	vld [tilespmem:s31+$0x0];
	_ =	sdelay $0x4  }
0x4d: {  	v2 =	vshra.s32 v2, $0x10  }
0x4e: {  	[tilespmem:$0x2800] =	vst v2  }
0x4f: {  	v2 =	vld [tilespmem:s31+$0x10];
	_ =	sdelay $0x4  }
0x50: {  	v2 =	vshra.s32 v2, $0x10  }
0x51: {  	[tilespmem:$0x2810] =	vst v2  }
0x52: {  	v2 =	vld [tilespmem:s31+$0x20];
	_ =	sdelay $0x4  }
0x53: {  	v2 =	vshra.s32 v2, $0x10  }
0x54: {  	[tilespmem:$0x2820] =	vst v2  }
0x55: {  	v2 =	vld [tilespmem:s31+$0x30];
	_ =	sdelay $0x4  }
0x56: {  	v2 =	vshra.s32 v2, $0x10  }
0x57: {  	[tilespmem:$0x2830] =	vst v2  }
0x58: {  	v2 =	vld [tilespmem:s31+$0x40];
	_ =	sdelay $0x4  }
0x59: {  	v2 =	vshra.s32 v2, $0x10  }
0x5a: {  	[tilespmem:$0x2840] =	vst v2  }
0x5b: {  	v2 =	vld [tilespmem:s31+$0x50];
	_ =	sdelay $0x4  }
0x5c: {  	v2 =	vshra.s32 v2, $0x10  }
0x5d: {  	[tilespmem:$0x2850] =	vst v2  }
0x5e: {  	v2 =	vld [tilespmem:s31+$0x60];
	_ =	sdelay $0x4  }
0x5f: {  	v2 =	vshra.s32 v2, $0x10  }
0x60: {  	[tilespmem:$0x2860] =	vst v2  }
0x61: {  	v2 =	vld [tilespmem:s31+$0x70];
	_ =	sdelay $0x4  }
0x62: {  	v2 =	vshra.s32 v2, $0x10  }
0x63: {  	[tilespmem:$0x2870] =	vst v2  }
0x64: {  	_ =	sdelay $0x7ff  }
0x65: {  	_ =	sdelay $0x70  }
0x66: {  	[spmem:s2] =	stream.indirect.scatter.add.f32 [tilespmem:s12], [sflag:$0x1], $0x80, s15, s14, $0xb8;
	[tilespmem:$0x1A480] =	vst v63  }
0x67: {  	_ =	swait.ge [sflag:s13], $0x4000  }
0x68: {  	s18 =	simm.s32 $0x200;
	s21 =	simm.s32 $0x400;
	[sflag:s13] =	ssyncset.done $0x0  }
.LBB2_6:
0x69: {  	s20 =	sshra.s32 s18, $0x2  }
0x6a: {  	[sflag:s13] =	ssyncadd.s32 $0xFFFFC000;
	s18 =	smov.u32 s21;
	s19 =	sadd.s32 $0x200, s21  }
0x6b: {  	p0 =	sne.s32 s21, $0x9E00;
	v2 =	vld [tilespmem:s20+$0x0];
	_ =	sdelay $0x4  }
0x6c: {  	v2 =	vshra.s32 v2, $0x10  }
0x6d: {  	[tilespmem:$0x2800] =	vst v2  }
0x6e: {  	v2 =	vld [tilespmem:s20+$0x10];
	_ =	sdelay $0x4  }
0x6f: {  	v2 =	vshra.s32 v2, $0x10  }
0x70: {  	[tilespmem:$0x2810] =	vst v2  }
0x71: {  	v2 =	vld [tilespmem:s20+$0x20];
	_ =	sdelay $0x4  }
0x72: {  	v2 =	vshra.s32 v2, $0x10  }
0x73: {  	[tilespmem:$0x2820] =	vst v2  }
0x74: {  	v2 =	vld [tilespmem:s20+$0x30];
	_ =	sdelay $0x4  }
0x75: {  	v2 =	vshra.s32 v2, $0x10  }
0x76: {  	[tilespmem:$0x2830] =	vst v2  }
0x77: {  	v2 =	vld [tilespmem:s20+$0x40];
	_ =	sdelay $0x4  }
0x78: {  	v2 =	vshra.s32 v2, $0x10  }
0x79: {  	[tilespmem:$0x2840] =	vst v2  }
0x7a: {  	v2 =	vld [tilespmem:s20+$0x50];
	_ =	sdelay $0x4  }
0x7b: {  	v2 =	vshra.s32 v2, $0x10  }
0x7c: {  	[tilespmem:$0x2850] =	vst v2  }
0x7d: {  	v2 =	vld [tilespmem:s20+$0x60];
	_ =	sdelay $0x4  }
0x7e: {  	v2 =	vshra.s32 v2, $0x10  }
0x7f: {  	[tilespmem:$0x2860] =	vst v2  }
0x80: {  	v2 =	vld [tilespmem:s20+$0x70];
	_ =	sdelay $0x4  }
0x81: {  	v2 =	vshra.s32 v2, $0x10  }
0x82: {  	[tilespmem:$0x2870] =	vst v2  }
.Ltmp2:
0x83: {  	_ =	sdelay $0x7ff;
	(pc) =	sbr.rel @p0 .LBB2_6-.Ltmp2, $4  }
0x84: {  	_ =	sdelay $0x70  }
0x85: {  	[spmem:s2] =	stream.indirect.scatter.add.f32 [tilespmem:s12], [sflag:$0x1], $0x80, s15, s14, $0xb8;
	[tilespmem:$0x1A480] =	vst v63  }
0x86: {  	_ =	swait.ge [sflag:s13], $0x4000  }
0x87: {  	s21 =	smov.u32 s19;
	[sflag:s13] =	ssyncset.done $0x0  }
0x88: {  	s18 =	sshra.s32 s18, $0x2;
	[sflag:s13] =	ssyncadd.s32 $0xFFFFC000  }
0x89: {  	v2 =	vld [tilespmem:s18+$0x0];
	_ =	sdelay $0x4  }
0x8a: {  	v2 =	vshra.s32 v2, $0x10  }
0x8b: {  	[tilespmem:$0x2800] =	vst v2  }
0x8c: {  	v2 =	vld [tilespmem:s18+$0x10];
	_ =	sdelay $0x4  }
0x8d: {  	v2 =	vshra.s32 v2, $0x10  }
0x8e: {  	[tilespmem:$0x2810] =	vst v2  }
0x8f: {  	v2 =	vld [tilespmem:s18+$0x20];
	_ =	sdelay $0x4  }
0x90: {  	v2 =	vshra.s32 v2, $0x10  }
0x91: {  	[tilespmem:$0x2820] =	vst v2  }
0x92: {  	v2 =	vld [tilespmem:s18+$0x30];
	_ =	sdelay $0x4  }
0x93: {  	v2 =	vshra.s32 v2, $0x10  }
0x94: {  	[tilespmem:$0x2830] =	vst v2  }
0x95: {  	v2 =	vld [tilespmem:s18+$0x40];
	_ =	sdelay $0x4  }
0x96: {  	v2 =	vshra.s32 v2, $0x10  }
0x97: {  	[tilespmem:$0x2840] =	vst v2  }
0x98: {  	v2 =	vld [tilespmem:s18+$0x50];
	_ =	sdelay $0x4  }
0x99: {  	v2 =	vshra.s32 v2, $0x10  }
0x9a: {  	[tilespmem:$0x2850] =	vst v2  }
0x9b: {  	v2 =	vld [tilespmem:s18+$0x60];
	_ =	sdelay $0x4  }
0x9c: {  	v2 =	vshra.s32 v2, $0x10  }
0x9d: {  	[tilespmem:$0x2860] =	vst v2  }
0x9e: {  	v2 =	vld [tilespmem:s18+$0x70];
	_ =	sdelay $0x4  }
0x9f: {  	v2 =	vshra.s32 v2, $0x10  }
0xa0: {  	[tilespmem:$0x2870] =	vst v2  }
0xa1: {  	_ =	sdelay $0x7ff  }
0xa2: {  	_ =	sdelay $0x70  }
0xa3: {  	[spmem:s2] =	stream.indirect.scatter.add.f32 [tilespmem:s12], [sflag:$0x1], $0x80, s15, s14, $0xb8;
	[tilespmem:$0x1A480] =	vst v63  }
0xa4: {  	_ =	swait.ge [sflag:s13], $0x4000  }
0xa5: {  	s3 =	sadd.s32 $0x1, s3;
	[sflag:s13] =	ssyncset.done $0x0  }
0xa6: {  	p0 =	sne.s32 s3, s11;
	[sflag:s13] =	ssyncadd.s32 $0xFFFFC000  }
.Ltmp3:
0xa7: {  	[bflag:$0x0] =	sbarrier.arrive $0xFFFF;
	(pc) =	sbr.rel @p0 .LBB2_1-.Ltmp3, $4  }
0xa8: {  	[hbm:s10], [sflag:s16] =	dma.local [spmem:s17], $0x2780  }
0xa9: {  	_ =	swait.ge [sflag:s13], $0x2780  }
0xaa: {  	[sflag:s13] =	ssyncset.done $0x0  }
0xab: {  	[sflag:s13] =	ssyncadd.s32 $0xFFFFD880  }
0xac: {  	_ =	sfence.sel $0x180000  }
0xad: {  	[bflag:$0x0] =	sbarrier.arrive $0xFFFF  }
0xae: {  	p0 =	sne.s32 s0, $0x0;
	_ =	strace $0x90000047  }
0xaf: {  	s0 =	sadd.s32 @!p0 $0x100000, s1;
	[bflag:$0x2] =	sbarrier.arrive $0xFFFF  }
0xb0: {  	[sflag:s0] =	ssyncadd.tile.s32 @!p0 $0x1;
	_ =	shalt  }
.Lfunc_end2:
_tile_overlayer_lowered:
.L_overlay_start_2:
0xb1: {  	(tag) =	ssettag $0x2  }
0xb2: {  	s0 =	rddreg [dreg:$0x0];
	s2 =	stileid.u32  }
0xb3: {  	s1 =	rddreg [dreg:$0x1];
	p0 =	sne.s32 s2, $0x0  }
0xb4: {  	s3 =	rddreg [dreg:$0x2];
	[bflag:$0x3] =	sbarrier.arrive $0xFFFF;
	s2 =	simm.s32 @!p0 $0x1C01  }
0xb5: {  	[timem:s3], [sflag:s2] =	dma.local @!p0 [hbm:s0], s1  }
0xb6: {  	s0 =	simm.s32 @!p0 $0x1  }
0xb7: {  	_ =	swait.ge @!p0 [sflag:s0], s1  }
0xb8: {  	s1 =	ssub.s32 @!p0 $0x0, s1;
	[sflag:s0] =	ssyncset.done @!p0 $0x0  }
0xb9: {  	[sflag:s0] =	ssyncadd.s32 @!p0 s1  }
0xba: {  	[bflag:$0x3] =	sbarrier.arrive $0xFFFF  }
0xbb: {  	_ =	shalt  }

</sc_bundles>
